<compile_context>
chip_gen: v7x
topology: tpu7x:2x2x1
jax: 0.10.2.dev20260603
libtpu: 0.0.44.dev20260713+nightly
codegen_flags: <defaults>
</compile_context>

<pallas_src>
import functools

import jax
import jax.numpy as jnp
from jax import lax
from jax.experimental import pallas as pl
from jax.experimental.pallas import tpu as pltpu
from jax.experimental.pallas import tpu_sc as plsc

D_MODEL = 64
SAMPLE = 200
GATHER_CHUNK = 104
CHUNK_OFFS = (0, SAMPLE - GATHER_CHUNK)
ROWS_BUF = 208
N_GROUPS = 13
TAIL_OUT = SAMPLE - 16
NBUF = 4


def _make_kernel(batch, n_per_worker):
    mesh = plsc.VectorSubcoreMesh(core_axis_name="c", subcore_axis_name="s")
    num_cores = 2

    @functools.partial(
        pl.kernel,
        out_type=jax.ShapeDtypeStruct((batch * SAMPLE,), jnp.float32),
        mesh=mesh,
        compiler_params=pltpu.CompilerParams(
            needs_layout_passes=False, use_tc_tiling_on_sc=False),
        scratch_types=[
            pltpu.VMEM((NBUF * ROWS_BUF,), jnp.int32),
            pltpu.VMEM((NBUF * ROWS_BUF, D_MODEL), jnp.float32),
            pltpu.VMEM((NBUF * D_MODEL,), jnp.float32),
            pltpu.VMEM((NBUF * SAMPLE,), jnp.float32),
            pltpu.SemaphoreType.DMA((NBUF,)),
            pltpu.SemaphoreType.DMA((NBUF,)),
            pltpu.SemaphoreType.DMA((NBUF,)),
            pltpu.SemaphoreType.DMA((NBUF,)),
        ],
    )
    def emb_dot(h_hbm, idx_hbm, w_hbm, out_hbm, idx_v, rows_v, h_v, out_v,
                idx_sems, rows_sems, h_sems, out_sems):
        wid = lax.axis_index("s") * num_cores + lax.axis_index("c")
        base_b = wid * n_per_worker

        lane = lax.iota(jnp.int32, 16)
        perm = {s: lane ^ s for s in (1, 2, 4, 8)}
        odd = {s: (lane & s) != 0 for s in (1, 2, 4, 8)}

        def idx_copy(k, slot):
            return pltpu.make_async_copy(
                idx_hbm.at[pl.ds((base_b + k) * SAMPLE, SAMPLE)],
                idx_v.at[pl.ds(slot * ROWS_BUF, SAMPLE)],
                idx_sems.at[slot])

        def rows_copies(k, slot):
            return [
                pltpu.make_async_copy(
                    w_hbm.at[idx_v.at[pl.ds(slot * ROWS_BUF + off,
                                            GATHER_CHUNK)]],
                    rows_v.at[pl.ds(slot * ROWS_BUF + j * GATHER_CHUNK,
                                    GATHER_CHUNK), :],
                    rows_sems.at[slot])
                for j, off in enumerate(CHUNK_OFFS)
            ]

        def h_copy(k, slot):
            return pltpu.make_async_copy(
                h_hbm.at[pl.ds((base_b + k) * D_MODEL, D_MODEL)],
                h_v.at[pl.ds(slot * D_MODEL, D_MODEL)],
                h_sems.at[slot])

        def out_copy(k, slot):
            return pltpu.make_async_copy(
                out_v.at[pl.ds(slot * SAMPLE, SAMPLE)],
                out_hbm.at[pl.ds((base_b + k) * SAMPLE, SAMPLE)],
                out_sems.at[slot])

        def shuffle(v, s):
            return jnp.take(v, perm[s], axis=0, unique_indices=True)

        def compute(slot):
            row0 = slot * ROWS_BUF
            h0 = slot * D_MODEL
            h_chunk = [h_v[pl.ds(h0 + 16 * c, 16)] for c in range(4)]

            @pl.loop(0, N_GROUPS)
            def per_group(g):
                os = jnp.where(g < N_GROUPS - 1, g * 16, TAIL_OUT)
                rs = row0 + os + jnp.where(os >= 96, 8, 0)
                ts = []
                for j in range(16):
                    l = [rows_v[rs + j, pl.ds(16 * c, 16)] for c in range(4)]
                    ts.append((l[0] * h_chunk[0] + l[1] * h_chunk[1])
                              + (l[2] * h_chunk[2] + l[3] * h_chunk[3]))
                for s in (1, 2, 4, 8):
                    nxt = []
                    for a in range(0, len(ts), 2):
                        lo = ts[a] + shuffle(ts[a], s)
                        hi = ts[a + 1] + shuffle(ts[a + 1], s)
                        nxt.append(jnp.where(odd[s], hi, lo))
                    ts = nxt
                out_v[pl.ds(slot * SAMPLE + os, 16)] = ts[0]

        def step(k, slot):
            @pl.when(k < n_per_worker - 2)
            def _():
                s2 = (slot + 2) % NBUF
                idx_copy(k + 2, s2).wait()
                for c in rows_copies(k + 2, s2):
                    c.start()
                h_copy(k + 2, s2).start()

            @pl.when(k >= NBUF)
            def _():
                out_copy(k, slot).wait()

            for c in rows_copies(k, slot):
                c.wait()
            h_copy(k, slot).wait()

            @pl.when(k < n_per_worker - NBUF)
            def _():
                idx_copy(k + NBUF, slot).start()

            compute(slot)

            out_copy(k, slot).start()

        for i in range(NBUF):
            idx_copy(i, i).start()
        for i in range(2):
            idx_copy(i, i).wait()
            for c in rows_copies(i, i):
                c.start()
            h_copy(i, i).start()

        @pl.loop(0, n_per_worker, step=2)
        def per_pair(k):
            step(k, (k % NBUF))
            step(k + 1, (k + 1) % NBUF)

        for i in range(NBUF):
            out_copy(n_per_worker - NBUF + i, i).wait()

    return emb_dot


@jax.jit
def kernel(h, indicies, W):
    batch = h.shape[0]
    n_workers = 32
    h1 = jnp.reshape(h, (-1,))
    idx1 = jnp.reshape(indicies.astype(jnp.int32), (-1,))
    out = _make_kernel(batch, batch // n_workers)(h1, idx1, W)
    return jnp.reshape(out, (batch, 1, SAMPLE))

# --- scband reference (transcript-rebuilt; emitter-appended) ---
"""Pipeline reference for scband-embedding-dot-20366734917934 (READ-ONLY COPY).

The authoritative reference and input builder live on the scoring server;
editing this copy changes nothing except your own understanding.
"""

import jax, jax.numpy as jnp
import numpy as np

D_MODEL = 64
NUM_ITEM = 1000000
BATCH = 16384
SAMPLE = 200

def setup_inputs(seed: int = 0) -> dict:
    key = jax.random.key(seed)
    k1, k2, k3 = jax.random.split(key, 3)
    h = jax.random.normal(k1, (BATCH, 1, D_MODEL), dtype=jnp.float32)
    indicies = jax.random.randint(k2, (BATCH, SAMPLE), 0, NUM_ITEM, dtype=jnp.int64)
    # embedding table, init normal(mean=0, std=0.1) per MyEmbedding
    W = jax.random.normal(k3, (NUM_ITEM, D_MODEL), dtype=jnp.float32) * 0.1
    return {"h": h, "indicies": indicies, "W": W}

def reference(h, indicies, W):
    # w = embedding(indicies): gather rows -> (B, S, d_model)
    w = jnp.take(W, indicies, axis=0)
    w = jnp.reshape(w, (-1, indicies.shape[1], D_MODEL))
    # out = h @ w.mT : (B,1,d) x (B,d,S) -> (B,1,S)
    out = jnp.matmul(h, jnp.swapaxes(w, -1, -2))
    return out

if __name__ == "__main__":
    import jax
    _d = setup_inputs()
    print(jax.jit(kernel)(*tuple(_d.values())))

</pallas_src>

<mosaic_0001>
#map = affine_map<(d0, d1) -> (0)>
#map1 = affine_map<(d0, d1) -> (0, 0)>
module attributes {stable_mosaic.version = 14 : i64} {
  func.func @emb_dot(%arg0: i32, %arg1: i32, %arg2: memref<1048576xf32, #tpu.memory_space<hbm>>, %arg3: memref<3276800xi32, #tpu.memory_space<hbm>>, %arg4: memref<1000000x64xf32, #tpu.memory_space<hbm>>, %arg5: memref<3276800xf32, #tpu.memory_space<hbm>>, %arg6: memref<832xi32, #tpu.memory_space<vmem>>, %arg7: memref<832x64xf32, #tpu.memory_space<vmem>>, %arg8: memref<256xf32, #tpu.memory_space<vmem>>, %arg9: memref<800xf32, #tpu.memory_space<vmem>>, %arg10: memref<4x!tpu.dma_semaphore, #tpu.memory_space<semaphore_mem>>, %arg11: memref<4x!tpu.dma_semaphore, #tpu.memory_space<semaphore_mem>>, %arg12: memref<4x!tpu.dma_semaphore, #tpu.memory_space<semaphore_mem>>, %arg13: memref<4x!tpu.dma_semaphore, #tpu.memory_space<semaphore_mem>>) attributes {dimension_semantics = [#tpu.dimension_semantics<core_parallel>, #tpu.dimension_semantics<subcore_parallel>], iteration_bounds = array<i64: 2, 16>, scalar_prefetch = 0 : i64, scratch_operands = 8 : i64, tpu.core_type = #tpu.core_type<sc_vector_subcore>, window_params = [{transform_indices = #map}, {transform_indices = #map}, {transform_indices = #map1}, {transform_indices = #map}]} {
    %mul3A = arith.constant 2 : i32
    %mul3A_0 = arith.muli %arg1, %mul3A : i32
    %add3A = arith.addi %mul3A_0, %arg0 : i32
    %mul3A_1 = arith.constant 512 : i32
    %mul3A_2 = arith.muli %add3A, %mul3A_1 : i32
    %iota3A = tpu.iota {dimensions = array<i32: 0>} : vector<16xi32>
    %xor3A = arith.constant 1 : i32
    %xor3A_3 = vector.broadcast %xor3A : i32 to vector<16xi32>
    %xor3A_4 = arith.xori %iota3A, %xor3A_3 : vector<16xi32>
    %xor3A_5 = arith.constant 2 : i32
    %xor3A_6 = vector.broadcast %xor3A_5 : i32 to vector<16xi32>
    %xor3A_7 = arith.xori %iota3A, %xor3A_6 : vector<16xi32>
    %xor3A_8 = arith.constant 4 : i32
    %xor3A_9 = vector.broadcast %xor3A_8 : i32 to vector<16xi32>
    %xor3A_10 = arith.xori %iota3A, %xor3A_9 : vector<16xi32>
    %xor3A_11 = arith.constant 8 : i32
    %xor3A_12 = vector.broadcast %xor3A_11 : i32 to vector<16xi32>
    %xor3A_13 = arith.xori %iota3A, %xor3A_12 : vector<16xi32>
    %and3A = arith.constant 1 : i32
    %and3A_14 = vector.broadcast %and3A : i32 to vector<16xi32>
    %and3A_15 = arith.andi %iota3A, %and3A_14 : vector<16xi32>
    %ne3A = arith.constant 0 : i32
    %ne3A_16 = vector.broadcast %ne3A : i32 to vector<16xi32>
    %ne3A_17 = arith.cmpi ne, %and3A_15, %ne3A_16 : vector<16xi32>
    %and3A_18 = arith.constant 2 : i32
    %and3A_19 = vector.broadcast %and3A_18 : i32 to vector<16xi32>
    %and3A_20 = arith.andi %iota3A, %and3A_19 : vector<16xi32>
    %ne3A_21 = arith.constant 0 : i32
    %ne3A_22 = vector.broadcast %ne3A_21 : i32 to vector<16xi32>
    %ne3A_23 = arith.cmpi ne, %and3A_20, %ne3A_22 : vector<16xi32>
    %and3A_24 = arith.constant 4 : i32
    %and3A_25 = vector.broadcast %and3A_24 : i32 to vector<16xi32>
    %and3A_26 = arith.andi %iota3A, %and3A_25 : vector<16xi32>
    %ne3A_27 = arith.constant 0 : i32
    %ne3A_28 = vector.broadcast %ne3A_27 : i32 to vector<16xi32>
    %ne3A_29 = arith.cmpi ne, %and3A_26, %ne3A_28 : vector<16xi32>
    %and3A_30 = arith.constant 8 : i32
    %and3A_31 = vector.broadcast %and3A_30 : i32 to vector<16xi32>
    %and3A_32 = arith.andi %iota3A, %and3A_31 : vector<16xi32>
    %ne3A_33 = arith.constant 0 : i32
    %ne3A_34 = vector.broadcast %ne3A_33 : i32 to vector<16xi32>
    %ne3A_35 = arith.cmpi ne, %and3A_32, %ne3A_34 : vector<16xi32>
    %add3A_36 = arith.constant 0 : i32
    %add3A_37 = arith.addi %mul3A_2, %add3A_36 : i32
    %mul3A_38 = arith.constant 200 : i32
    %mul3A_39 = arith.muli %add3A_37, %mul3A_38 : i32
    %dma_start3A = arith.constant 0 : i32
    %dma_start3A_40 = arith.constant 0 : i32
    %dma_start3A_41 = tpu.memref_slice %arg6[%dma_start3A_40] : memref<832xi32, #tpu.memory_space<vmem>> -> memref<200xi32, #tpu.memory_space<vmem>>
    %dma_start3A_42 = tpu.memref_slice %arg3[%mul3A_39] : memref<3276800xi32, #tpu.memory_space<hbm>> -> memref<200xi32, #tpu.memory_space<hbm>>
    %dma_start3A_43 = tpu.memref_slice %arg10[%dma_start3A] : memref<4x!tpu.dma_semaphore, #tpu.memory_space<semaphore_mem>> -> memref<1x!tpu.dma_semaphore, #tpu.memory_space<semaphore_mem>>
    %dma_start3A_44 = tpu.memref_squeeze %dma_start3A_43 : memref<1x!tpu.dma_semaphore, #tpu.memory_space<semaphore_mem>> -> memref<!tpu.dma_semaphore, #tpu.memory_space<semaphore_mem>>
    %dma_start3A_45 = arith.constant 0 : i32
    %dma_start3A_46 = tpu.memref_slice %arg6[%dma_start3A_45] : memref<832xi32, #tpu.memory_space<vmem>> -> memref<200xi32, #tpu.memory_space<vmem>>
    %dma_start3A_47 = tpu.memref_slice %arg3[%mul3A_39] : memref<3276800xi32, #tpu.memory_space<hbm>> -> memref<200xi32, #tpu.memory_space<hbm>>
    tpu.enqueue_dma source(%dma_start3A_47 : memref<200xi32, #tpu.memory_space<hbm>>) target(%dma_start3A_46 : memref<200xi32, #tpu.memory_space<vmem>>) target_semaphore(%dma_start3A_44 : memref<!tpu.dma_semaphore, #tpu.memory_space<semaphore_mem>>)
    %add3A_48 = arith.constant 1 : i32
    %add3A_49 = arith.addi %mul3A_2, %add3A_48 : i32
    %mul3A_50 = arith.constant 200 : i32
    %mul3A_51 = arith.muli %add3A_49, %mul3A_50 : i32
    %dma_start3A_52 = arith.constant 1 : i32
    %dma_start3A_53 = arith.constant 208 : i32
    %dma_start3A_54 = tpu.memref_slice %arg6[%dma_start3A_53] : memref<832xi32, #tpu.memory_space<vmem>> -> memref<200xi32, #tpu.memory_space<vmem>>
    %dma_start3A_55 = tpu.memref_slice %arg3[%mul3A_51] : memref<3276800xi32, #tpu.memory_space<hbm>> -> memref<200xi32, #tpu.memory_space<hbm>>
    %dma_start3A_56 = tpu.memref_slice %arg10[%dma_start3A_52] : memref<4x!tpu.dma_semaphore, #tpu.memory_space<semaphore_mem>> -> memref<1x!tpu.dma_semaphore, #tpu.memory_space<semaphore_mem>>
    %dma_start3A_57 = tpu.memref_squeeze %dma_start3A_56 : memref<1x!tpu.dma_semaphore, #tpu.memory_space<semaphore_mem>> -> memref<!tpu.dma_semaphore, #tpu.memory_space<semaphore_mem>>
    %dma_start3A_58 = arith.constant 208 : i32
    %dma_start3A_59 = tpu.memref_slice %arg6[%dma_start3A_58] : memref<832xi32, #tpu.memory_space<vmem>> -> memref<200xi32, #tpu.memory_space<vmem>>
    %dma_start3A_60 = tpu.memref_slice %arg3[%mul3A_51] : memref<3276800xi32, #tpu.memory_space<hbm>> -> memref<200xi32, #tpu.memory_space<hbm>>
    tpu.enqueue_dma source(%dma_start3A_60 : memref<200xi32, #tpu.memory_space<hbm>>) target(%dma_start3A_59 : memref<200xi32, #tpu.memory_space<vmem>>) target_semaphore(%dma_start3A_57 : memref<!tpu.dma_semaphore, #tpu.memory_space<semaphore_mem>>)
    %add3A_61 = arith.constant 2 : i32
    %add3A_62 = arith.addi %mul3A_2, %add3A_61 : i32
    %mul3A_63 = arith.constant 200 : i32
    %mul3A_64 = arith.muli %add3A_62, %mul3A_63 : i32
    %dma_start3A_65 = arith.constant 2 : i32
    %dma_start3A_66 = arith.constant 416 : i32
    %dma_start3A_67 = tpu.memref_slice %arg6[%dma_start3A_66] : memref<832xi32, #tpu.memory_space<vmem>> -> memref<200xi32, #tpu.memory_space<vmem>>
    %dma_start3A_68 = tpu.memref_slice %arg3[%mul3A_64] : memref<3276800xi32, #tpu.memory_space<hbm>> -> memref<200xi32, #tpu.memory_space<hbm>>
    %dma_start3A_69 = tpu.memref_slice %arg10[%dma_start3A_65] : memref<4x!tpu.dma_semaphore, #tpu.memory_space<semaphore_mem>> -> memref<1x!tpu.dma_semaphore, #tpu.memory_space<semaphore_mem>>
    %dma_start3A_70 = tpu.memref_squeeze %dma_start3A_69 : memref<1x!tpu.dma_semaphore, #tpu.memory_space<semaphore_mem>> -> memref<!tpu.dma_semaphore, #tpu.memory_space<semaphore_mem>>
    %dma_start3A_71 = arith.constant 416 : i32
    %dma_start3A_72 = tpu.memref_slice %arg6[%dma_start3A_71] : memref<832xi32, #tpu.memory_space<vmem>> -> memref<200xi32, #tpu.memory_space<vmem>>
    %dma_start3A_73 = tpu.memref_slice %arg3[%mul3A_64] : memref<3276800xi32, #tpu.memory_space<hbm>> -> memref<200xi32, #tpu.memory_space<hbm>>
    tpu.enqueue_dma source(%dma_start3A_73 : memref<200xi32, #tpu.memory_space<hbm>>) target(%dma_start3A_72 : memref<200xi32, #tpu.memory_space<vmem>>) target_semaphore(%dma_start3A_70 : memref<!tpu.dma_semaphore, #tpu.memory_space<semaphore_mem>>)
    %add3A_74 = arith.constant 3 : i32
    %add3A_75 = arith.addi %mul3A_2, %add3A_74 : i32
    %mul3A_76 = arith.constant 200 : i32
    %mul3A_77 = arith.muli %add3A_75, %mul3A_76 : i32
    %dma_start3A_78 = arith.constant 3 : i32
    %dma_start3A_79 = arith.constant 624 : i32
    %dma_start3A_80 = tpu.memref_slice %arg6[%dma_start3A_79] : memref<832xi32, #tpu.memory_space<vmem>> -> memref<200xi32, #tpu.memory_space<vmem>>
    %dma_start3A_81 = tpu.memref_slice %arg3[%mul3A_77] : memref<3276800xi32, #tpu.memory_space<hbm>> -> memref<200xi32, #tpu.memory_space<hbm>>
    %dma_start3A_82 = tpu.memref_slice %arg10[%dma_start3A_78] : memref<4x!tpu.dma_semaphore, #tpu.memory_space<semaphore_mem>> -> memref<1x!tpu.dma_semaphore, #tpu.memory_space<semaphore_mem>>
    %dma_start3A_83 = tpu.memref_squeeze %dma_start3A_82 : memref<1x!tpu.dma_semaphore, #tpu.memory_space<semaphore_mem>> -> memref<!tpu.dma_semaphore, #tpu.memory_space<semaphore_mem>>
    %dma_start3A_84 = arith.constant 624 : i32
    %dma_start3A_85 = tpu.memref_slice %arg6[%dma_start3A_84] : memref<832xi32, #tpu.memory_space<vmem>> -> memref<200xi32, #tpu.memory_space<vmem>>
    %dma_start3A_86 = tpu.memref_slice %arg3[%mul3A_77] : memref<3276800xi32, #tpu.memory_space<hbm>> -> memref<200xi32, #tpu.memory_space<hbm>>
    tpu.enqueue_dma source(%dma_start3A_86 : memref<200xi32, #tpu.memory_space<hbm>>) target(%dma_start3A_85 : memref<200xi32, #tpu.memory_space<vmem>>) target_semaphore(%dma_start3A_83 : memref<!tpu.dma_semaphore, #tpu.memory_space<semaphore_mem>>)
    %add3A_87 = arith.constant 0 : i32
    %add3A_88 = arith.addi %mul3A_2, %add3A_87 : i32
    %mul3A_89 = arith.constant 200 : i32
    %mul3A_90 = arith.muli %add3A_88, %mul3A_89 : i32
    %dma_wait3A = arith.constant 0 : i32
    %dma_wait3A_91 = arith.constant 0 : i32
    %dma_wait3A_92 = tpu.memref_slice %arg6[%dma_wait3A_91] : memref<832xi32, #tpu.memory_space<vmem>> -> memref<200xi32, #tpu.memory_space<vmem>>
    %dma_wait3A_93 = tpu.memref_slice %arg3[%mul3A_90] : memref<3276800xi32, #tpu.memory_space<hbm>> -> memref<200xi32, #tpu.memory_space<hbm>>
    %dma_wait3A_94 = tpu.memref_slice %arg10[%dma_wait3A] : memref<4x!tpu.dma_semaphore, #tpu.memory_space<semaphore_mem>> -> memref<1x!tpu.dma_semaphore, #tpu.memory_space<semaphore_mem>>
    %dma_wait3A_95 = tpu.memref_squeeze %dma_wait3A_94 : memref<1x!tpu.dma_semaphore, #tpu.memory_space<semaphore_mem>> -> memref<!tpu.dma_semaphore, #tpu.memory_space<semaphore_mem>>
    %dma_wait3A_96 = arith.constant 0 : i32
    %dma_wait3A_97 = tpu.memref_slice %arg6[%dma_wait3A_96] : memref<832xi32, #tpu.memory_space<vmem>> -> memref<200xi32, #tpu.memory_space<vmem>>
    %dma_wait3A_98 = tpu.memref_slice %arg3[%mul3A_90] : memref<3276800xi32, #tpu.memory_space<hbm>> -> memref<200xi32, #tpu.memory_space<hbm>>
    tpu.wait_dma2 semaphore(%dma_wait3A_95 : memref<!tpu.dma_semaphore, #tpu.memory_space<semaphore_mem>>) src(%dma_wait3A_98 : memref<200xi32, #tpu.memory_space<hbm>>) dst(%dma_wait3A_97 : memref<200xi32, #tpu.memory_space<vmem>>)
    %dma_start3A_99 = arith.constant 0 : i32
    %dma_start3A_100 = arith.constant 0 : i32
    %dma_start3A_101 = arith.constant 0 : i32
    %dma_start3A_102 = tpu.memref_slice %arg7[%dma_start3A_100, %dma_start3A_101] : memref<832x64xf32, #tpu.memory_space<vmem>> -> memref<104x64xf32, #tpu.memory_space<vmem>>
    %dma_start3A_103 = arith.constant 0 : i32
    %dma_start3A_104 = tpu.memref_slice %arg6[%dma_start3A_103] : memref<832xi32, #tpu.memory_space<vmem>> -> memref<104xi32, #tpu.memory_space<vmem>>
    %dma_start3A_105 = arith.constant 0 : i32
    %dma_start3A_106 = arith.constant 0 : i32
    %dma_start3A_107 = tpu.memref_slice %arg4[%dma_start3A_105, %dma_start3A_106] : memref<1000000x64xf32, #tpu.memory_space<hbm>> -> memref<1000000x64xf32, #tpu.memory_space<hbm>>
    %dma_start3A_108 = tpu.memref_slice %arg11[%dma_start3A_99] : memref<4x!tpu.dma_semaphore, #tpu.memory_space<semaphore_mem>> -> memref<1x!tpu.dma_semaphore, #tpu.memory_space<semaphore_mem>>
    %dma_start3A_109 = tpu.memref_squeeze %dma_start3A_108 : memref<1x!tpu.dma_semaphore, #tpu.memory_space<semaphore_mem>> -> memref<!tpu.dma_semaphore, #tpu.memory_space<semaphore_mem>>
    tpu.enqueue_indirect_dma source(%dma_start3A_107 : memref<1000000x64xf32, #tpu.memory_space<hbm>>) target(%dma_start3A_102 : memref<104x64xf32, #tpu.memory_space<vmem>>) offsets(%dma_start3A_104 : memref<104xi32, #tpu.memory_space<vmem>>) semaphore(%dma_start3A_109 : memref<!tpu.dma_semaphore, #tpu.memory_space<semaphore_mem>>)
    %dma_start3A_110 = arith.constant 0 : i32
    %dma_start3A_111 = arith.constant 104 : i32
    %dma_start3A_112 = arith.constant 0 : i32
    %dma_start3A_113 = tpu.memref_slice %arg7[%dma_start3A_111, %dma_start3A_112] : memref<832x64xf32, #tpu.memory_space<vmem>> -> memref<104x64xf32, #tpu.memory_space<vmem>>
    %dma_start3A_114 = arith.constant 96 : i32
    %dma_start3A_115 = tpu.memref_slice %arg6[%dma_start3A_114] : memref<832xi32, #tpu.memory_space<vmem>> -> memref<104xi32, #tpu.memory_space<vmem>>
    %dma_start3A_116 = arith.constant 0 : i32
    %dma_start3A_117 = arith.constant 0 : i32
    %dma_start3A_118 = tpu.memref_slice %arg4[%dma_start3A_116, %dma_start3A_117] : memref<1000000x64xf32, #tpu.memory_space<hbm>> -> memref<1000000x64xf32, #tpu.memory_space<hbm>>
    %dma_start3A_119 = tpu.memref_slice %arg11[%dma_start3A_110] : memref<4x!tpu.dma_semaphore, #tpu.memory_space<semaphore_mem>> -> memref<1x!tpu.dma_semaphore, #tpu.memory_space<semaphore_mem>>
    %dma_start3A_120 = tpu.memref_squeeze %dma_start3A_119 : memref<1x!tpu.dma_semaphore, #tpu.memory_space<semaphore_mem>> -> memref<!tpu.dma_semaphore, #tpu.memory_space<semaphore_mem>>
    tpu.enqueue_indirect_dma source(%dma_start3A_118 : memref<1000000x64xf32, #tpu.memory_space<hbm>>) target(%dma_start3A_113 : memref<104x64xf32, #tpu.memory_space<vmem>>) offsets(%dma_start3A_115 : memref<104xi32, #tpu.memory_space<vmem>>) semaphore(%dma_start3A_120 : memref<!tpu.dma_semaphore, #tpu.memory_space<semaphore_mem>>)
    %add3A_121 = arith.constant 0 : i32
    %add3A_122 = arith.addi %mul3A_2, %add3A_121 : i32
    %mul3A_123 = arith.constant 64 : i32
    %mul3A_124 = arith.muli %add3A_122, %mul3A_123 : i32
    %dma_start3A_125 = arith.constant 0 : i32
    %dma_start3A_126 = arith.constant 0 : i32
    %dma_start3A_127 = tpu.memref_slice %arg8[%dma_start3A_126] : memref<256xf32, #tpu.memory_space<vmem>> -> memref<64xf32, #tpu.memory_space<vmem>>
    %dma_start3A_128 = tpu.memref_slice %arg2[%mul3A_124] : memref<1048576xf32, #tpu.memory_space<hbm>> -> memref<64xf32, #tpu.memory_space<hbm>>
    %dma_start3A_129 = tpu.memref_slice %arg12[%dma_start3A_125] : memref<4x!tpu.dma_semaphore, #tpu.memory_space<semaphore_mem>> -> memref<1x!tpu.dma_semaphore, #tpu.memory_space<semaphore_mem>>
    %dma_start3A_130 = tpu.memref_squeeze %dma_start3A_129 : memref<1x!tpu.dma_semaphore, #tpu.memory_space<semaphore_mem>> -> memref<!tpu.dma_semaphore, #tpu.memory_space<semaphore_mem>>
    %dma_start3A_131 = arith.constant 0 : i32
    %dma_start3A_132 = tpu.memref_slice %arg8[%dma_start3A_131] : memref<256xf32, #tpu.memory_space<vmem>> -> memref<64xf32, #tpu.memory_space<vmem>>
    %dma_start3A_133 = tpu.memref_slice %arg2[%mul3A_124] : memref<1048576xf32, #tpu.memory_space<hbm>> -> memref<64xf32, #tpu.memory_space<hbm>>
    tpu.enqueue_dma source(%dma_start3A_133 : memref<64xf32, #tpu.memory_space<hbm>>) target(%dma_start3A_132 : memref<64xf32, #tpu.memory_space<vmem>>) target_semaphore(%dma_start3A_130 : memref<!tpu.dma_semaphore, #tpu.memory_space<semaphore_mem>>)
    %add3A_134 = arith.constant 1 : i32
    %add3A_135 = arith.addi %mul3A_2, %add3A_134 : i32
    %mul3A_136 = arith.constant 200 : i32
    %mul3A_137 = arith.muli %add3A_135, %mul3A_136 : i32
    %dma_wait3A_138 = arith.constant 1 : i32
    %dma_wait3A_139 = arith.constant 208 : i32
    %dma_wait3A_140 = tpu.memref_slice %arg6[%dma_wait3A_139] : memref<832xi32, #tpu.memory_space<vmem>> -> memref<200xi32, #tpu.memory_space<vmem>>
    %dma_wait3A_141 = tpu.memref_slice %arg3[%mul3A_137] : memref<3276800xi32, #tpu.memory_space<hbm>> -> memref<200xi32, #tpu.memory_space<hbm>>
    %dma_wait3A_142 = tpu.memref_slice %arg10[%dma_wait3A_138] : memref<4x!tpu.dma_semaphore, #tpu.memory_space<semaphore_mem>> -> memref<1x!tpu.dma_semaphore, #tpu.memory_space<semaphore_mem>>
    %dma_wait3A_143 = tpu.memref_squeeze %dma_wait3A_142 : memref<1x!tpu.dma_semaphore, #tpu.memory_space<semaphore_mem>> -> memref<!tpu.dma_semaphore, #tpu.memory_space<semaphore_mem>>
    %dma_wait3A_144 = arith.constant 208 : i32
    %dma_wait3A_145 = tpu.memref_slice %arg6[%dma_wait3A_144] : memref<832xi32, #tpu.memory_space<vmem>> -> memref<200xi32, #tpu.memory_space<vmem>>
    %dma_wait3A_146 = tpu.memref_slice %arg3[%mul3A_137] : memref<3276800xi32, #tpu.memory_space<hbm>> -> memref<200xi32, #tpu.memory_space<hbm>>
    tpu.wait_dma2 semaphore(%dma_wait3A_143 : memref<!tpu.dma_semaphore, #tpu.memory_space<semaphore_mem>>) src(%dma_wait3A_146 : memref<200xi32, #tpu.memory_space<hbm>>) dst(%dma_wait3A_145 : memref<200xi32, #tpu.memory_space<vmem>>)
    %dma_start3A_147 = arith.constant 1 : i32
    %dma_start3A_148 = arith.constant 208 : i32
    %dma_start3A_149 = arith.constant 0 : i32
    %dma_start3A_150 = tpu.memref_slice %arg7[%dma_start3A_148, %dma_start3A_149] : memref<832x64xf32, #tpu.memory_space<vmem>> -> memref<104x64xf32, #tpu.memory_space<vmem>>
    %dma_start3A_151 = arith.constant 208 : i32
    %dma_start3A_152 = tpu.memref_slice %arg6[%dma_start3A_151] : memref<832xi32, #tpu.memory_space<vmem>> -> memref<104xi32, #tpu.memory_space<vmem>>
    %dma_start3A_153 = arith.constant 0 : i32
    %dma_start3A_154 = arith.constant 0 : i32
    %dma_start3A_155 = tpu.memref_slice %arg4[%dma_start3A_153, %dma_start3A_154] : memref<1000000x64xf32, #tpu.memory_space<hbm>> -> memref<1000000x64xf32, #tpu.memory_space<hbm>>
    %dma_start3A_156 = tpu.memref_slice %arg11[%dma_start3A_147] : memref<4x!tpu.dma_semaphore, #tpu.memory_space<semaphore_mem>> -> memref<1x!tpu.dma_semaphore, #tpu.memory_space<semaphore_mem>>
    %dma_start3A_157 = tpu.memref_squeeze %dma_start3A_156 : memref<1x!tpu.dma_semaphore, #tpu.memory_space<semaphore_mem>> -> memref<!tpu.dma_semaphore, #tpu.memory_space<semaphore_mem>>
    tpu.enqueue_indirect_dma source(%dma_start3A_155 : memref<1000000x64xf32, #tpu.memory_space<hbm>>) target(%dma_start3A_150 : memref<104x64xf32, #tpu.memory_space<vmem>>) offsets(%dma_start3A_152 : memref<104xi32, #tpu.memory_space<vmem>>) semaphore(%dma_start3A_157 : memref<!tpu.dma_semaphore, #tpu.memory_space<semaphore_mem>>)
    %dma_start3A_158 = arith.constant 1 : i32
    %dma_start3A_159 = arith.constant 312 : i32
    %dma_start3A_160 = arith.constant 0 : i32
    %dma_start3A_161 = tpu.memref_slice %arg7[%dma_start3A_159, %dma_start3A_160] : memref<832x64xf32, #tpu.memory_space<vmem>> -> memref<104x64xf32, #tpu.memory_space<vmem>>
    %dma_start3A_162 = arith.constant 304 : i32
    %dma_start3A_163 = tpu.memref_slice %arg6[%dma_start3A_162] : memref<832xi32, #tpu.memory_space<vmem>> -> memref<104xi32, #tpu.memory_space<vmem>>
    %dma_start3A_164 = arith.constant 0 : i32
    %dma_start3A_165 = arith.constant 0 : i32
    %dma_start3A_166 = tpu.memref_slice %arg4[%dma_start3A_164, %dma_start3A_165] : memref<1000000x64xf32, #tpu.memory_space<hbm>> -> memref<1000000x64xf32, #tpu.memory_space<hbm>>
    %dma_start3A_167 = tpu.memref_slice %arg11[%dma_start3A_158] : memref<4x!tpu.dma_semaphore, #tpu.memory_space<semaphore_mem>> -> memref<1x!tpu.dma_semaphore, #tpu.memory_space<semaphore_mem>>
    %dma_start3A_168 = tpu.memref_squeeze %dma_start3A_167 : memref<1x!tpu.dma_semaphore, #tpu.memory_space<semaphore_mem>> -> memref<!tpu.dma_semaphore, #tpu.memory_space<semaphore_mem>>
    tpu.enqueue_indirect_dma source(%dma_start3A_166 : memref<1000000x64xf32, #tpu.memory_space<hbm>>) target(%dma_start3A_161 : memref<104x64xf32, #tpu.memory_space<vmem>>) offsets(%dma_start3A_163 : memref<104xi32, #tpu.memory_space<vmem>>) semaphore(%dma_start3A_168 : memref<!tpu.dma_semaphore, #tpu.memory_space<semaphore_mem>>)
    %add3A_169 = arith.constant 1 : i32
    %add3A_170 = arith.addi %mul3A_2, %add3A_169 : i32
    %mul3A_171 = arith.constant 64 : i32
    %mul3A_172 = arith.muli %add3A_170, %mul3A_171 : i32
    %dma_start3A_173 = arith.constant 1 : i32
    %dma_start3A_174 = arith.constant 64 : i32
    %dma_start3A_175 = tpu.memref_slice %arg8[%dma_start3A_174] : memref<256xf32, #tpu.memory_space<vmem>> -> memref<64xf32, #tpu.memory_space<vmem>>
    %dma_start3A_176 = tpu.memref_slice %arg2[%mul3A_172] : memref<1048576xf32, #tpu.memory_space<hbm>> -> memref<64xf32, #tpu.memory_space<hbm>>
    %dma_start3A_177 = tpu.memref_slice %arg12[%dma_start3A_173] : memref<4x!tpu.dma_semaphore, #tpu.memory_space<semaphore_mem>> -> memref<1x!tpu.dma_semaphore, #tpu.memory_space<semaphore_mem>>
    %dma_start3A_178 = tpu.memref_squeeze %dma_start3A_177 : memref<1x!tpu.dma_semaphore, #tpu.memory_space<semaphore_mem>> -> memref<!tpu.dma_semaphore, #tpu.memory_space<semaphore_mem>>
    %dma_start3A_179 = arith.constant 64 : i32
    %dma_start3A_180 = tpu.memref_slice %arg8[%dma_start3A_179] : memref<256xf32, #tpu.memory_space<vmem>> -> memref<64xf32, #tpu.memory_space<vmem>>
    %dma_start3A_181 = tpu.memref_slice %arg2[%mul3A_172] : memref<1048576xf32, #tpu.memory_space<hbm>> -> memref<64xf32, #tpu.memory_space<hbm>>
    tpu.enqueue_dma source(%dma_start3A_181 : memref<64xf32, #tpu.memory_space<hbm>>) target(%dma_start3A_180 : memref<64xf32, #tpu.memory_space<vmem>>) target_semaphore(%dma_start3A_178 : memref<!tpu.dma_semaphore, #tpu.memory_space<semaphore_mem>>)
    %scan3A = arith.constant 0 : i32
    %scan3A_182 = arith.constant 256 : i32
    %scan3A_183 = arith.addi %scan3A, %scan3A_182 : i32
    %scan3A_184 = arith.constant 1 : i32
    scf.for %scan3A_238 = %scan3A to %scan3A_183 step %scan3A_184  : i32 {
      %mul3A_239 = arith.constant 2 : i32
      %mul3A_240 = arith.muli %scan3A_238, %mul3A_239 : i32
      %add3A_241 = arith.constant 0 : i32
      %add3A_242 = arith.addi %add3A_241, %mul3A_240 : i32
      %jit3A = arith.constant 4 : i32
      %eq3A = arith.constant 0 : i32
      %eq3A_243 = arith.cmpi eq, %jit3A, %eq3A : i32
      %jit3A_244 = arith.constant 1 : i32
      %select_n3A = arith.select %eq3A_243, %jit3A_244, %jit3A : i32
      %rem3A = arith.remsi %add3A_242, %select_n3A : i32
      %ne3A_245 = arith.constant 0 : i32
      %ne3A_246 = arith.cmpi ne, %rem3A, %ne3A_245 : i32
      %lt3A = arith.constant 0 : i32
      %lt3A_247 = arith.cmpi slt, %rem3A, %lt3A : i32
      %lt3A_248 = arith.constant 0 : i32
      %lt3A_249 = arith.cmpi slt, %select_n3A, %lt3A_248 : i32
      %ne3A_250 = arith.xori %lt3A_247, %lt3A_249 : i1
      %and3A_251 = arith.andi %ne3A_250, %ne3A_246 : i1
      %add3A_252 = arith.addi %rem3A, %select_n3A : i32
      %select_n3A_253 = arith.select %and3A_251, %add3A_252, %rem3A : i32
      %lt3A_254 = arith.constant 510 : i32
      %lt3A_255 = arith.cmpi slt, %add3A_242, %lt3A_254 : i32
      %convert_element_type3A = arith.extui %lt3A_255 : i1 to i32
      %cond3A = arith.constant 0 : i32
      %cond3A_256 = arith.cmpi ne, %convert_element_type3A, %cond3A : i32
      scf.if %cond3A_256 {
        %add3A_458 = arith.constant 2 : i32
        %add3A_459 = arith.addi %select_n3A_253, %add3A_458 : i32
        %jit3A_460 = arith.constant 4 : i32
        %eq3A_461 = arith.constant 0 : i32
        %eq3A_462 = arith.cmpi eq, %jit3A_460, %eq3A_461 : i32
        %jit3A_463 = arith.constant 1 : i32
        %select_n3A_464 = arith.select %eq3A_462, %jit3A_463, %jit3A_460 : i32
        %rem3A_465 = arith.remsi %add3A_459, %select_n3A_464 : i32
        %ne3A_466 = arith.constant 0 : i32
        %ne3A_467 = arith.cmpi ne, %rem3A_465, %ne3A_466 : i32
        %lt3A_468 = arith.constant 0 : i32
        %lt3A_469 = arith.cmpi slt, %rem3A_465, %lt3A_468 : i32
        %lt3A_470 = arith.constant 0 : i32
        %lt3A_471 = arith.cmpi slt, %select_n3A_464, %lt3A_470 : i32
        %ne3A_472 = arith.xori %lt3A_469, %lt3A_471 : i1
        %and3A_473 = arith.andi %ne3A_472, %ne3A_467 : i1
        %add3A_474 = arith.addi %rem3A_465, %select_n3A_464 : i32
        %select_n3A_475 = arith.select %and3A_473, %add3A_474, %rem3A_465 : i32
        %add3A_476 = arith.constant 2 : i32
        %add3A_477 = arith.addi %add3A_242, %add3A_476 : i32
        %add3A_478 = arith.addi %mul3A_2, %add3A_477 : i32
        %mul3A_479 = arith.constant 200 : i32
        %mul3A_480 = arith.muli %add3A_478, %mul3A_479 : i32
        %mul3A_481 = arith.constant 208 : i32
        %mul3A_482 = arith.muli %select_n3A_475, %mul3A_481 : i32
        %dma_wait3A_483 = tpu.memref_slice %arg6[%mul3A_482] : memref<832xi32, #tpu.memory_space<vmem>> -> memref<200xi32, #tpu.memory_space<vmem>>
        %dma_wait3A_484 = tpu.memref_slice %arg3[%mul3A_480] : memref<3276800xi32, #tpu.memory_space<hbm>> -> memref<200xi32, #tpu.memory_space<hbm>>
        %dma_wait3A_485 = tpu.memref_slice %arg10[%select_n3A_475] : memref<4x!tpu.dma_semaphore, #tpu.memory_space<semaphore_mem>> -> memref<1x!tpu.dma_semaphore, #tpu.memory_space<semaphore_mem>>
        %dma_wait3A_486 = tpu.memref_squeeze %dma_wait3A_485 : memref<1x!tpu.dma_semaphore, #tpu.memory_space<semaphore_mem>> -> memref<!tpu.dma_semaphore, #tpu.memory_space<semaphore_mem>>
        %dma_wait3A_487 = tpu.memref_slice %arg6[%mul3A_482] : memref<832xi32, #tpu.memory_space<vmem>> -> memref<200xi32, #tpu.memory_space<vmem>>
        %dma_wait3A_488 = tpu.memref_slice %arg3[%mul3A_480] : memref<3276800xi32, #tpu.memory_space<hbm>> -> memref<200xi32, #tpu.memory_space<hbm>>
        tpu.wait_dma2 semaphore(%dma_wait3A_486 : memref<!tpu.dma_semaphore, #tpu.memory_space<semaphore_mem>>) src(%dma_wait3A_488 : memref<200xi32, #tpu.memory_space<hbm>>) dst(%dma_wait3A_487 : memref<200xi32, #tpu.memory_space<vmem>>)
        %add3A_489 = arith.constant 2 : i32
        %add3A_490 = arith.addi %add3A_242, %add3A_489 : i32
        %mul3A_491 = arith.constant 208 : i32
        %mul3A_492 = arith.muli %select_n3A_475, %mul3A_491 : i32
        %add3A_493 = arith.constant 0 : i32
        %add3A_494 = arith.addi %mul3A_492, %add3A_493 : i32
        %mul3A_495 = arith.constant 208 : i32
        %mul3A_496 = arith.muli %select_n3A_475, %mul3A_495 : i32
        %add3A_497 = arith.constant 0 : i32
        %add3A_498 = arith.addi %mul3A_496, %add3A_497 : i32
        %mul3A_499 = arith.constant 208 : i32
        %mul3A_500 = arith.muli %select_n3A_475, %mul3A_499 : i32
        %add3A_501 = arith.constant 96 : i32
        %add3A_502 = arith.addi %mul3A_500, %add3A_501 : i32
        %mul3A_503 = arith.constant 208 : i32
        %mul3A_504 = arith.muli %select_n3A_475, %mul3A_503 : i32
        %add3A_505 = arith.constant 104 : i32
        %add3A_506 = arith.addi %mul3A_504, %add3A_505 : i32
        %dma_start3A_507 = arith.constant 0 : i32
        %dma_start3A_508 = tpu.memref_slice %arg7[%add3A_498, %dma_start3A_507] : memref<832x64xf32, #tpu.memory_space<vmem>> -> memref<104x64xf32, #tpu.memory_space<vmem>>
        %dma_start3A_509 = tpu.memref_slice %arg6[%add3A_494] : memref<832xi32, #tpu.memory_space<vmem>> -> memref<104xi32, #tpu.memory_space<vmem>>
        %dma_start3A_510 = arith.constant 0 : i32
        %dma_start3A_511 = arith.constant 0 : i32
        %dma_start3A_512 = tpu.memref_slice %arg4[%dma_start3A_510, %dma_start3A_511] : memref<1000000x64xf32, #tpu.memory_space<hbm>> -> memref<1000000x64xf32, #tpu.memory_space<hbm>>
        %dma_start3A_513 = tpu.memref_slice %arg11[%select_n3A_475] : memref<4x!tpu.dma_semaphore, #tpu.memory_space<semaphore_mem>> -> memref<1x!tpu.dma_semaphore, #tpu.memory_space<semaphore_mem>>
        %dma_start3A_514 = tpu.memref_squeeze %dma_start3A_513 : memref<1x!tpu.dma_semaphore, #tpu.memory_space<semaphore_mem>> -> memref<!tpu.dma_semaphore, #tpu.memory_space<semaphore_mem>>
        tpu.enqueue_indirect_dma source(%dma_start3A_512 : memref<1000000x64xf32, #tpu.memory_space<hbm>>) target(%dma_start3A_508 : memref<104x64xf32, #tpu.memory_space<vmem>>) offsets(%dma_start3A_509 : memref<104xi32, #tpu.memory_space<vmem>>) semaphore(%dma_start3A_514 : memref<!tpu.dma_semaphore, #tpu.memory_space<semaphore_mem>>)
        %dma_start3A_515 = arith.constant 0 : i32
        %dma_start3A_516 = tpu.memref_slice %arg7[%add3A_506, %dma_start3A_515] : memref<832x64xf32, #tpu.memory_space<vmem>> -> memref<104x64xf32, #tpu.memory_space<vmem>>
        %dma_start3A_517 = tpu.memref_slice %arg6[%add3A_502] : memref<832xi32, #tpu.memory_space<vmem>> -> memref<104xi32, #tpu.memory_space<vmem>>
        %dma_start3A_518 = arith.constant 0 : i32
        %dma_start3A_519 = arith.constant 0 : i32
        %dma_start3A_520 = tpu.memref_slice %arg4[%dma_start3A_518, %dma_start3A_519] : memref<1000000x64xf32, #tpu.memory_space<hbm>> -> memref<1000000x64xf32, #tpu.memory_space<hbm>>
        %dma_start3A_521 = tpu.memref_slice %arg11[%select_n3A_475] : memref<4x!tpu.dma_semaphore, #tpu.memory_space<semaphore_mem>> -> memref<1x!tpu.dma_semaphore, #tpu.memory_space<semaphore_mem>>
        %dma_start3A_522 = tpu.memref_squeeze %dma_start3A_521 : memref<1x!tpu.dma_semaphore, #tpu.memory_space<semaphore_mem>> -> memref<!tpu.dma_semaphore, #tpu.memory_space<semaphore_mem>>
        tpu.enqueue_indirect_dma source(%dma_start3A_520 : memref<1000000x64xf32, #tpu.memory_space<hbm>>) target(%dma_start3A_516 : memref<104x64xf32, #tpu.memory_space<vmem>>) offsets(%dma_start3A_517 : memref<104xi32, #tpu.memory_space<vmem>>) semaphore(%dma_start3A_522 : memref<!tpu.dma_semaphore, #tpu.memory_space<semaphore_mem>>)
        %add3A_523 = arith.constant 2 : i32
        %add3A_524 = arith.addi %add3A_242, %add3A_523 : i32
        %add3A_525 = arith.addi %mul3A_2, %add3A_524 : i32
        %mul3A_526 = arith.constant 64 : i32
        %mul3A_527 = arith.muli %add3A_525, %mul3A_526 : i32
        %mul3A_528 = arith.constant 64 : i32
        %mul3A_529 = arith.muli %select_n3A_475, %mul3A_528 : i32
        %dma_start3A_530 = tpu.memref_slice %arg8[%mul3A_529] : memref<256xf32, #tpu.memory_space<vmem>> -> memref<64xf32, #tpu.memory_space<vmem>>
        %dma_start3A_531 = tpu.memref_slice %arg2[%mul3A_527] : memref<1048576xf32, #tpu.memory_space<hbm>> -> memref<64xf32, #tpu.memory_space<hbm>>
        %dma_start3A_532 = tpu.memref_slice %arg12[%select_n3A_475] : memref<4x!tpu.dma_semaphore, #tpu.memory_space<semaphore_mem>> -> memref<1x!tpu.dma_semaphore, #tpu.memory_space<semaphore_mem>>
        %dma_start3A_533 = tpu.memref_squeeze %dma_start3A_532 : memref<1x!tpu.dma_semaphore, #tpu.memory_space<semaphore_mem>> -> memref<!tpu.dma_semaphore, #tpu.memory_space<semaphore_mem>>
        %dma_start3A_534 = tpu.memref_slice %arg8[%mul3A_529] : memref<256xf32, #tpu.memory_space<vmem>> -> memref<64xf32, #tpu.memory_space<vmem>>
        %dma_start3A_535 = tpu.memref_slice %arg2[%mul3A_527] : memref<1048576xf32, #tpu.memory_space<hbm>> -> memref<64xf32, #tpu.memory_space<hbm>>
        tpu.enqueue_dma source(%dma_start3A_535 : memref<64xf32, #tpu.memory_space<hbm>>) target(%dma_start3A_534 : memref<64xf32, #tpu.memory_space<vmem>>) target_semaphore(%dma_start3A_533 : memref<!tpu.dma_semaphore, #tpu.memory_space<semaphore_mem>>)
      } else {
      }
      %ge3A = arith.constant 4 : i32
      %ge3A_257 = arith.cmpi sge, %add3A_242, %ge3A : i32
      %convert_element_type3A_258 = arith.extui %ge3A_257 : i1 to i32
      %cond3A_259 = arith.constant 0 : i32
      %cond3A_260 = arith.cmpi ne, %convert_element_type3A_258, %cond3A_259 : i32
      scf.if %cond3A_260 {
        %mul3A_458 = arith.constant 200 : i32
        %mul3A_459 = arith.muli %select_n3A_253, %mul3A_458 : i32
        %add3A_460 = arith.addi %mul3A_2, %add3A_242 : i32
        %mul3A_461 = arith.constant 200 : i32
        %mul3A_462 = arith.muli %add3A_460, %mul3A_461 : i32
        %dma_wait3A_463 = tpu.memref_slice %arg9[%mul3A_459] : memref<800xf32, #tpu.memory_space<vmem>> -> memref<200xf32, #tpu.memory_space<vmem>>
        %dma_wait3A_464 = tpu.memref_slice %arg5[%mul3A_462] : memref<3276800xf32, #tpu.memory_space<hbm>> -> memref<200xf32, #tpu.memory_space<hbm>>
        %dma_wait3A_465 = tpu.memref_slice %arg13[%select_n3A_253] : memref<4x!tpu.dma_semaphore, #tpu.memory_space<semaphore_mem>> -> memref<1x!tpu.dma_semaphore, #tpu.memory_space<semaphore_mem>>
        %dma_wait3A_466 = tpu.memref_squeeze %dma_wait3A_465 : memref<1x!tpu.dma_semaphore, #tpu.memory_space<semaphore_mem>> -> memref<!tpu.dma_semaphore, #tpu.memory_space<semaphore_mem>>
        %dma_wait3A_467 = tpu.memref_slice %arg5[%mul3A_462] : memref<3276800xf32, #tpu.memory_space<hbm>> -> memref<200xf32, #tpu.memory_space<hbm>>
        %dma_wait3A_468 = tpu.memref_slice %arg9[%mul3A_459] : memref<800xf32, #tpu.memory_space<vmem>> -> memref<200xf32, #tpu.memory_space<vmem>>
        tpu.wait_dma2 semaphore(%dma_wait3A_466 : memref<!tpu.dma_semaphore, #tpu.memory_space<semaphore_mem>>) src(%dma_wait3A_468 : memref<200xf32, #tpu.memory_space<vmem>>) dst(%dma_wait3A_467 : memref<200xf32, #tpu.memory_space<hbm>>)
      } else {
      }
      %mul3A_261 = arith.constant 208 : i32
      %mul3A_262 = arith.muli %select_n3A_253, %mul3A_261 : i32
      %add3A_263 = arith.constant 0 : i32
      %add3A_264 = arith.addi %mul3A_262, %add3A_263 : i32
      %mul3A_265 = arith.constant 208 : i32
      %mul3A_266 = arith.muli %select_n3A_253, %mul3A_265 : i32
      %add3A_267 = arith.constant 0 : i32
      %add3A_268 = arith.addi %mul3A_266, %add3A_267 : i32
      %mul3A_269 = arith.constant 208 : i32
      %mul3A_270 = arith.muli %select_n3A_253, %mul3A_269 : i32
      %add3A_271 = arith.constant 96 : i32
      %add3A_272 = arith.addi %mul3A_270, %add3A_271 : i32
      %mul3A_273 = arith.constant 208 : i32
      %mul3A_274 = arith.muli %select_n3A_253, %mul3A_273 : i32
      %add3A_275 = arith.constant 104 : i32
      %add3A_276 = arith.addi %mul3A_274, %add3A_275 : i32
      %dma_wait3A_277 = arith.constant 0 : i32
      %dma_wait3A_278 = tpu.memref_slice %arg7[%add3A_268, %dma_wait3A_277] : memref<832x64xf32, #tpu.memory_space<vmem>> -> memref<104x64xf32, #tpu.memory_space<vmem>>
      %dma_wait3A_279 = tpu.memref_slice %arg6[%add3A_264] : memref<832xi32, #tpu.memory_space<vmem>> -> memref<104xi32, #tpu.memory_space<vmem>>
      %dma_wait3A_280 = arith.constant 0 : i32
      %dma_wait3A_281 = arith.constant 0 : i32
      %dma_wait3A_282 = tpu.memref_slice %arg4[%dma_wait3A_280, %dma_wait3A_281] : memref<1000000x64xf32, #tpu.memory_space<hbm>> -> memref<1000000x64xf32, #tpu.memory_space<hbm>>
      %dma_wait3A_283 = tpu.memref_slice %arg11[%select_n3A_253] : memref<4x!tpu.dma_semaphore, #tpu.memory_space<semaphore_mem>> -> memref<1x!tpu.dma_semaphore, #tpu.memory_space<semaphore_mem>>
      %dma_wait3A_284 = tpu.memref_squeeze %dma_wait3A_283 : memref<1x!tpu.dma_semaphore, #tpu.memory_space<semaphore_mem>> -> memref<!tpu.dma_semaphore, #tpu.memory_space<semaphore_mem>>
      tpu.wait_indirect_dma semaphore(%dma_wait3A_284 : memref<!tpu.dma_semaphore, #tpu.memory_space<semaphore_mem>>) src(%dma_wait3A_282 : memref<1000000x64xf32, #tpu.memory_space<hbm>>) dst(%dma_wait3A_278 : memref<104x64xf32, #tpu.memory_space<vmem>>)
      %dma_wait3A_285 = arith.constant 0 : i32
      %dma_wait3A_286 = tpu.memref_slice %arg7[%add3A_276, %dma_wait3A_285] : memref<832x64xf32, #tpu.memory_space<vmem>> -> memref<104x64xf32, #tpu.memory_space<vmem>>
      %dma_wait3A_287 = tpu.memref_slice %arg6[%add3A_272] : memref<832xi32, #tpu.memory_space<vmem>> -> memref<104xi32, #tpu.memory_space<vmem>>
      %dma_wait3A_288 = arith.constant 0 : i32
      %dma_wait3A_289 = arith.constant 0 : i32
      %dma_wait3A_290 = tpu.memref_slice %arg4[%dma_wait3A_288, %dma_wait3A_289] : memref<1000000x64xf32, #tpu.memory_space<hbm>> -> memref<1000000x64xf32, #tpu.memory_space<hbm>>
      %dma_wait3A_291 = tpu.memref_slice %arg11[%select_n3A_253] : memref<4x!tpu.dma_semaphore, #tpu.memory_space<semaphore_mem>> -> memref<1x!tpu.dma_semaphore, #tpu.memory_space<semaphore_mem>>
      %dma_wait3A_292 = tpu.memref_squeeze %dma_wait3A_291 : memref<1x!tpu.dma_semaphore, #tpu.memory_space<semaphore_mem>> -> memref<!tpu.dma_semaphore, #tpu.memory_space<semaphore_mem>>
      tpu.wait_indirect_dma semaphore(%dma_wait3A_292 : memref<!tpu.dma_semaphore, #tpu.memory_space<semaphore_mem>>) src(%dma_wait3A_290 : memref<1000000x64xf32, #tpu.memory_space<hbm>>) dst(%dma_wait3A_286 : memref<104x64xf32, #tpu.memory_space<vmem>>)
      %add3A_293 = arith.addi %mul3A_2, %add3A_242 : i32
      %mul3A_294 = arith.constant 64 : i32
      %mul3A_295 = arith.muli %add3A_293, %mul3A_294 : i32
      %mul3A_296 = arith.constant 64 : i32
      %mul3A_297 = arith.muli %select_n3A_253, %mul3A_296 : i32
      %dma_wait3A_298 = tpu.memref_slice %arg8[%mul3A_297] : memref<256xf32, #tpu.memory_space<vmem>> -> memref<64xf32, #tpu.memory_space<vmem>>
      %dma_wait3A_299 = tpu.memref_slice %arg2[%mul3A_295] : memref<1048576xf32, #tpu.memory_space<hbm>> -> memref<64xf32, #tpu.memory_space<hbm>>
      %dma_wait3A_300 = tpu.memref_slice %arg12[%select_n3A_253] : memref<4x!tpu.dma_semaphore, #tpu.memory_space<semaphore_mem>> -> memref<1x!tpu.dma_semaphore, #tpu.memory_space<semaphore_mem>>
      %dma_wait3A_301 = tpu.memref_squeeze %dma_wait3A_300 : memref<1x!tpu.dma_semaphore, #tpu.memory_space<semaphore_mem>> -> memref<!tpu.dma_semaphore, #tpu.memory_space<semaphore_mem>>
      %dma_wait3A_302 = tpu.memref_slice %arg8[%mul3A_297] : memref<256xf32, #tpu.memory_space<vmem>> -> memref<64xf32, #tpu.memory_space<vmem>>
      %dma_wait3A_303 = tpu.memref_slice %arg2[%mul3A_295] : memref<1048576xf32, #tpu.memory_space<hbm>> -> memref<64xf32, #tpu.memory_space<hbm>>
      tpu.wait_dma2 semaphore(%dma_wait3A_301 : memref<!tpu.dma_semaphore, #tpu.memory_space<semaphore_mem>>) src(%dma_wait3A_303 : memref<64xf32, #tpu.memory_space<hbm>>) dst(%dma_wait3A_302 : memref<64xf32, #tpu.memory_space<vmem>>)
      %lt3A_304 = arith.constant 508 : i32
      %lt3A_305 = arith.cmpi slt, %add3A_242, %lt3A_304 : i32
      %convert_element_type3A_306 = arith.extui %lt3A_305 : i1 to i32
      %cond3A_307 = arith.constant 0 : i32
      %cond3A_308 = arith.cmpi ne, %convert_element_type3A_306, %cond3A_307 : i32
      scf.if %cond3A_308 {
        %add3A_458 = arith.constant 4 : i32
        %add3A_459 = arith.addi %add3A_242, %add3A_458 : i32
        %add3A_460 = arith.addi %mul3A_2, %add3A_459 : i32
        %mul3A_461 = arith.constant 200 : i32
        %mul3A_462 = arith.muli %add3A_460, %mul3A_461 : i32
        %mul3A_463 = arith.constant 208 : i32
        %mul3A_464 = arith.muli %select_n3A_253, %mul3A_463 : i32
        %dma_start3A_465 = tpu.memref_slice %arg6[%mul3A_464] : memref<832xi32, #tpu.memory_space<vmem>> -> memref<200xi32, #tpu.memory_space<vmem>>
        %dma_start3A_466 = tpu.memref_slice %arg3[%mul3A_462] : memref<3276800xi32, #tpu.memory_space<hbm>> -> memref<200xi32, #tpu.memory_space<hbm>>
        %dma_start3A_467 = tpu.memref_slice %arg10[%select_n3A_253] : memref<4x!tpu.dma_semaphore, #tpu.memory_space<semaphore_mem>> -> memref<1x!tpu.dma_semaphore, #tpu.memory_space<semaphore_mem>>
        %dma_start3A_468 = tpu.memref_squeeze %dma_start3A_467 : memref<1x!tpu.dma_semaphore, #tpu.memory_space<semaphore_mem>> -> memref<!tpu.dma_semaphore, #tpu.memory_space<semaphore_mem>>
        %dma_start3A_469 = tpu.memref_slice %arg6[%mul3A_464] : memref<832xi32, #tpu.memory_space<vmem>> -> memref<200xi32, #tpu.memory_space<vmem>>
        %dma_start3A_470 = tpu.memref_slice %arg3[%mul3A_462] : memref<3276800xi32, #tpu.memory_space<hbm>> -> memref<200xi32, #tpu.memory_space<hbm>>
        tpu.enqueue_dma source(%dma_start3A_470 : memref<200xi32, #tpu.memory_space<hbm>>) target(%dma_start3A_469 : memref<200xi32, #tpu.memory_space<vmem>>) target_semaphore(%dma_start3A_468 : memref<!tpu.dma_semaphore, #tpu.memory_space<semaphore_mem>>)
      } else {
      }
      %mul3A_309 = arith.constant 208 : i32
      %mul3A_310 = arith.muli %select_n3A_253, %mul3A_309 : i32
      %mul3A_311 = arith.constant 64 : i32
      %mul3A_312 = arith.muli %select_n3A_253, %mul3A_311 : i32
      %add3A_313 = arith.constant 0 : i32
      %add3A_314 = arith.addi %mul3A_312, %add3A_313 : i32
      %get3A = arith.index_cast %add3A_314 : i32 to index
      %get3A_315 = tpu.vector_load %arg8[%get3A] {strides = array<i32>} : memref<256xf32, #tpu.memory_space<vmem>>, vector<16xf32>,
      %add3A_316 = arith.constant 16 : i32
      %add3A_317 = arith.addi %mul3A_312, %add3A_316 : i32
      %get3A_318 = arith.index_cast %add3A_317 : i32 to index
      %get3A_319 = tpu.vector_load %arg8[%get3A_318] {strides = array<i32>} : memref<256xf32, #tpu.memory_space<vmem>>, vector<16xf32>,
      %add3A_320 = arith.constant 32 : i32
      %add3A_321 = arith.addi %mul3A_312, %add3A_320 : i32
      %get3A_322 = arith.index_cast %add3A_321 : i32 to index
      %get3A_323 = tpu.vector_load %arg8[%get3A_322] {strides = array<i32>} : memref<256xf32, #tpu.memory_space<vmem>>, vector<16xf32>,
      %add3A_324 = arith.constant 48 : i32
      %add3A_325 = arith.addi %mul3A_312, %add3A_324 : i32
      %get3A_326 = arith.index_cast %add3A_325 : i32 to index
      %get3A_327 = tpu.vector_load %arg8[%get3A_326] {strides = array<i32>} : memref<256xf32, #tpu.memory_space<vmem>>, vector<16xf32>,
      %scan3A_328 = arith.constant 0 : i32
      %scan3A_329 = arith.constant 13 : i32
      %scan3A_330 = arith.addi %scan3A_328, %scan3A_329 : i32
      %scan3A_331 = arith.constant 1 : i32
      scf.for %scan3A_458 = %scan3A_328 to %scan3A_330 step %scan3A_331  : i32 {
        %mul3A_459 = arith.constant 1 : i32
        %mul3A_460 = arith.muli %scan3A_458, %mul3A_459 : i32
        %add3A_461 = arith.constant 0 : i32
        %add3A_462 = arith.addi %add3A_461, %mul3A_460 : i32
        %lt3A_463 = arith.constant 12 : i32
        %lt3A_464 = arith.cmpi slt, %add3A_462, %lt3A_463 : i32
        %mul3A_465 = arith.constant 16 : i32
        %mul3A_466 = arith.muli %add3A_462, %mul3A_465 : i32
        %jit3A_467 = arith.constant 184 : i32
        %select_n3A_468 = arith.select %lt3A_464, %mul3A_466, %jit3A_467 : i32
        %add3A_469 = arith.addi %mul3A_310, %select_n3A_468 : i32
        %ge3A_470 = arith.constant 96 : i32
        %ge3A_471 = arith.cmpi sge, %select_n3A_468, %ge3A_470 : i32
        %jit3A_472 = arith.constant 8 : i32
        %jit3A_473 = arith.constant 0 : i32
        %select_n3A_474 = arith.select %ge3A_471, %jit3A_472, %jit3A_473 : i32
        %add3A_475 = arith.addi %add3A_469, %select_n3A_474 : i32
        %add3A_476 = arith.constant 0 : i32
        %add3A_477 = arith.addi %add3A_475, %add3A_476 : i32
        %get3A_478 = arith.index_cast %add3A_477 : i32 to index
        %get3A_479 = arith.constant 0 : index
        %get3A_480 = tpu.vector_load %arg7[%get3A_478, %get3A_479] {strides = array<i32>} : memref<832x64xf32, #tpu.memory_space<vmem>>, vector<16xf32>,
        %add3A_481 = arith.constant 0 : i32
        %add3A_482 = arith.addi %add3A_475, %add3A_481 : i32
        %get3A_483 = arith.index_cast %add3A_482 : i32 to index
        %get3A_484 = arith.constant 16 : index
        %get3A_485 = tpu.vector_load %arg7[%get3A_483, %get3A_484] {strides = array<i32>} : memref<832x64xf32, #tpu.memory_space<vmem>>, vector<16xf32>,
        %add3A_486 = arith.constant 0 : i32
        %add3A_487 = arith.addi %add3A_475, %add3A_486 : i32
        %get3A_488 = arith.index_cast %add3A_487 : i32 to index
        %get3A_489 = arith.constant 32 : index
        %get3A_490 = tpu.vector_load %arg7[%get3A_488, %get3A_489] {strides = array<i32>} : memref<832x64xf32, #tpu.memory_space<vmem>>, vector<16xf32>,
        %add3A_491 = arith.constant 0 : i32
        %add3A_492 = arith.addi %add3A_475, %add3A_491 : i32
        %get3A_493 = arith.index_cast %add3A_492 : i32 to index
        %get3A_494 = arith.constant 48 : index
        %get3A_495 = tpu.vector_load %arg7[%get3A_493, %get3A_494] {strides = array<i32>} : memref<832x64xf32, #tpu.memory_space<vmem>>, vector<16xf32>,
        %mul3A_496 = arith.mulf %get3A_480, %get3A_315 : vector<16xf32>
        %mul3A_497 = arith.mulf %get3A_485, %get3A_319 : vector<16xf32>
        %add3A_498 = arith.addf %mul3A_496, %mul3A_497 : vector<16xf32>
        %mul3A_499 = arith.mulf %get3A_490, %get3A_323 : vector<16xf32>
        %mul3A_500 = arith.mulf %get3A_495, %get3A_327 : vector<16xf32>
        %add3A_501 = arith.addf %mul3A_499, %mul3A_500 : vector<16xf32>
        %add3A_502 = arith.addf %add3A_498, %add3A_501 : vector<16xf32>
        %add3A_503 = arith.constant 1 : i32
        %add3A_504 = arith.addi %add3A_475, %add3A_503 : i32
        %get3A_505 = arith.index_cast %add3A_504 : i32 to index
        %get3A_506 = arith.constant 0 : index
        %get3A_507 = tpu.vector_load %arg7[%get3A_505, %get3A_506] {strides = array<i32>} : memref<832x64xf32, #tpu.memory_space<vmem>>, vector<16xf32>,
        %add3A_508 = arith.constant 1 : i32
        %add3A_509 = arith.addi %add3A_475, %add3A_508 : i32
        %get3A_510 = arith.index_cast %add3A_509 : i32 to index
        %get3A_511 = arith.constant 16 : index
        %get3A_512 = tpu.vector_load %arg7[%get3A_510, %get3A_511] {strides = array<i32>} : memref<832x64xf32, #tpu.memory_space<vmem>>, vector<16xf32>,
        %add3A_513 = arith.constant 1 : i32
        %add3A_514 = arith.addi %add3A_475, %add3A_513 : i32
        %get3A_515 = arith.index_cast %add3A_514 : i32 to index
        %get3A_516 = arith.constant 32 : index
        %get3A_517 = tpu.vector_load %arg7[%get3A_515, %get3A_516] {strides = array<i32>} : memref<832x64xf32, #tpu.memory_space<vmem>>, vector<16xf32>,
        %add3A_518 = arith.constant 1 : i32
        %add3A_519 = arith.addi %add3A_475, %add3A_518 : i32
        %get3A_520 = arith.index_cast %add3A_519 : i32 to index
        %get3A_521 = arith.constant 48 : index
        %get3A_522 = tpu.vector_load %arg7[%get3A_520, %get3A_521] {strides = array<i32>} : memref<832x64xf32, #tpu.memory_space<vmem>>, vector<16xf32>,
        %mul3A_523 = arith.mulf %get3A_507, %get3A_315 : vector<16xf32>
        %mul3A_524 = arith.mulf %get3A_512, %get3A_319 : vector<16xf32>
        %add3A_525 = arith.addf %mul3A_523, %mul3A_524 : vector<16xf32>
        %mul3A_526 = arith.mulf %get3A_517, %get3A_323 : vector<16xf32>
        %mul3A_527 = arith.mulf %get3A_522, %get3A_327 : vector<16xf32>
        %add3A_528 = arith.addf %mul3A_526, %mul3A_527 : vector<16xf32>
        %add3A_529 = arith.addf %add3A_525, %add3A_528 : vector<16xf32>
        %add3A_530 = arith.constant 2 : i32
        %add3A_531 = arith.addi %add3A_475, %add3A_530 : i32
        %get3A_532 = arith.index_cast %add3A_531 : i32 to index
        %get3A_533 = arith.constant 0 : index
        %get3A_534 = tpu.vector_load %arg7[%get3A_532, %get3A_533] {strides = array<i32>} : memref<832x64xf32, #tpu.memory_space<vmem>>, vector<16xf32>,
        %add3A_535 = arith.constant 2 : i32
        %add3A_536 = arith.addi %add3A_475, %add3A_535 : i32
        %get3A_537 = arith.index_cast %add3A_536 : i32 to index
        %get3A_538 = arith.constant 16 : index
        %get3A_539 = tpu.vector_load %arg7[%get3A_537, %get3A_538] {strides = array<i32>} : memref<832x64xf32, #tpu.memory_space<vmem>>, vector<16xf32>,
        %add3A_540 = arith.constant 2 : i32
        %add3A_541 = arith.addi %add3A_475, %add3A_540 : i32
        %get3A_542 = arith.index_cast %add3A_541 : i32 to index
        %get3A_543 = arith.constant 32 : index
        %get3A_544 = tpu.vector_load %arg7[%get3A_542, %get3A_543] {strides = array<i32>} : memref<832x64xf32, #tpu.memory_space<vmem>>, vector<16xf32>,
        %add3A_545 = arith.constant 2 : i32
        %add3A_546 = arith.addi %add3A_475, %add3A_545 : i32
        %get3A_547 = arith.index_cast %add3A_546 : i32 to index
        %get3A_548 = arith.constant 48 : index
        %get3A_549 = tpu.vector_load %arg7[%get3A_547, %get3A_548] {strides = array<i32>} : memref<832x64xf32, #tpu.memory_space<vmem>>, vector<16xf32>,
        %mul3A_550 = arith.mulf %get3A_534, %get3A_315 : vector<16xf32>
        %mul3A_551 = arith.mulf %get3A_539, %get3A_319 : vector<16xf32>
        %add3A_552 = arith.addf %mul3A_550, %mul3A_551 : vector<16xf32>
        %mul3A_553 = arith.mulf %get3A_544, %get3A_323 : vector<16xf32>
        %mul3A_554 = arith.mulf %get3A_549, %get3A_327 : vector<16xf32>
        %add3A_555 = arith.addf %mul3A_553, %mul3A_554 : vector<16xf32>
        %add3A_556 = arith.addf %add3A_552, %add3A_555 : vector<16xf32>
        %add3A_557 = arith.constant 3 : i32
        %add3A_558 = arith.addi %add3A_475, %add3A_557 : i32
        %get3A_559 = arith.index_cast %add3A_558 : i32 to index
        %get3A_560 = arith.constant 0 : index
        %get3A_561 = tpu.vector_load %arg7[%get3A_559, %get3A_560] {strides = array<i32>} : memref<832x64xf32, #tpu.memory_space<vmem>>, vector<16xf32>,
        %add3A_562 = arith.constant 3 : i32
        %add3A_563 = arith.addi %add3A_475, %add3A_562 : i32
        %get3A_564 = arith.index_cast %add3A_563 : i32 to index
        %get3A_565 = arith.constant 16 : index
        %get3A_566 = tpu.vector_load %arg7[%get3A_564, %get3A_565] {strides = array<i32>} : memref<832x64xf32, #tpu.memory_space<vmem>>, vector<16xf32>,
        %add3A_567 = arith.constant 3 : i32
        %add3A_568 = arith.addi %add3A_475, %add3A_567 : i32
        %get3A_569 = arith.index_cast %add3A_568 : i32 to index
        %get3A_570 = arith.constant 32 : index
        %get3A_571 = tpu.vector_load %arg7[%get3A_569, %get3A_570] {strides = array<i32>} : memref<832x64xf32, #tpu.memory_space<vmem>>, vector<16xf32>,
        %add3A_572 = arith.constant 3 : i32
        %add3A_573 = arith.addi %add3A_475, %add3A_572 : i32
        %get3A_574 = arith.index_cast %add3A_573 : i32 to index
        %get3A_575 = arith.constant 48 : index
        %get3A_576 = tpu.vector_load %arg7[%get3A_574, %get3A_575] {strides = array<i32>} : memref<832x64xf32, #tpu.memory_space<vmem>>, vector<16xf32>,
        %mul3A_577 = arith.mulf %get3A_561, %get3A_315 : vector<16xf32>
        %mul3A_578 = arith.mulf %get3A_566, %get3A_319 : vector<16xf32>
        %add3A_579 = arith.addf %mul3A_577, %mul3A_578 : vector<16xf32>
        %mul3A_580 = arith.mulf %get3A_571, %get3A_323 : vector<16xf32>
        %mul3A_581 = arith.mulf %get3A_576, %get3A_327 : vector<16xf32>
        %add3A_582 = arith.addf %mul3A_580, %mul3A_581 : vector<16xf32>
        %add3A_583 = arith.addf %add3A_579, %add3A_582 : vector<16xf32>
        %add3A_584 = arith.constant 4 : i32
        %add3A_585 = arith.addi %add3A_475, %add3A_584 : i32
        %get3A_586 = arith.index_cast %add3A_585 : i32 to index
        %get3A_587 = arith.constant 0 : index
        %get3A_588 = tpu.vector_load %arg7[%get3A_586, %get3A_587] {strides = array<i32>} : memref<832x64xf32, #tpu.memory_space<vmem>>, vector<16xf32>,
        %add3A_589 = arith.constant 4 : i32
        %add3A_590 = arith.addi %add3A_475, %add3A_589 : i32
        %get3A_591 = arith.index_cast %add3A_590 : i32 to index
        %get3A_592 = arith.constant 16 : index
        %get3A_593 = tpu.vector_load %arg7[%get3A_591, %get3A_592] {strides = array<i32>} : memref<832x64xf32, #tpu.memory_space<vmem>>, vector<16xf32>,
        %add3A_594 = arith.constant 4 : i32
        %add3A_595 = arith.addi %add3A_475, %add3A_594 : i32
        %get3A_596 = arith.index_cast %add3A_595 : i32 to index
        %get3A_597 = arith.constant 32 : index
        %get3A_598 = tpu.vector_load %arg7[%get3A_596, %get3A_597] {strides = array<i32>} : memref<832x64xf32, #tpu.memory_space<vmem>>, vector<16xf32>,
        %add3A_599 = arith.constant 4 : i32
        %add3A_600 = arith.addi %add3A_475, %add3A_599 : i32
        %get3A_601 = arith.index_cast %add3A_600 : i32 to index
        %get3A_602 = arith.constant 48 : index
        %get3A_603 = tpu.vector_load %arg7[%get3A_601, %get3A_602] {strides = array<i32>} : memref<832x64xf32, #tpu.memory_space<vmem>>, vector<16xf32>,
        %mul3A_604 = arith.mulf %get3A_588, %get3A_315 : vector<16xf32>
        %mul3A_605 = arith.mulf %get3A_593, %get3A_319 : vector<16xf32>
        %add3A_606 = arith.addf %mul3A_604, %mul3A_605 : vector<16xf32>
        %mul3A_607 = arith.mulf %get3A_598, %get3A_323 : vector<16xf32>
        %mul3A_608 = arith.mulf %get3A_603, %get3A_327 : vector<16xf32>
        %add3A_609 = arith.addf %mul3A_607, %mul3A_608 : vector<16xf32>
        %add3A_610 = arith.addf %add3A_606, %add3A_609 : vector<16xf32>
        %add3A_611 = arith.constant 5 : i32
        %add3A_612 = arith.addi %add3A_475, %add3A_611 : i32
        %get3A_613 = arith.index_cast %add3A_612 : i32 to index
        %get3A_614 = arith.constant 0 : index
        %get3A_615 = tpu.vector_load %arg7[%get3A_613, %get3A_614] {strides = array<i32>} : memref<832x64xf32, #tpu.memory_space<vmem>>, vector<16xf32>,
        %add3A_616 = arith.constant 5 : i32
        %add3A_617 = arith.addi %add3A_475, %add3A_616 : i32
        %get3A_618 = arith.index_cast %add3A_617 : i32 to index
        %get3A_619 = arith.constant 16 : index
        %get3A_620 = tpu.vector_load %arg7[%get3A_618, %get3A_619] {strides = array<i32>} : memref<832x64xf32, #tpu.memory_space<vmem>>, vector<16xf32>,
        %add3A_621 = arith.constant 5 : i32
        %add3A_622 = arith.addi %add3A_475, %add3A_621 : i32
        %get3A_623 = arith.index_cast %add3A_622 : i32 to index
        %get3A_624 = arith.constant 32 : index
        %get3A_625 = tpu.vector_load %arg7[%get3A_623, %get3A_624] {strides = array<i32>} : memref<832x64xf32, #tpu.memory_space<vmem>>, vector<16xf32>,
        %add3A_626 = arith.constant 5 : i32
        %add3A_627 = arith.addi %add3A_475, %add3A_626 : i32
        %get3A_628 = arith.index_cast %add3A_627 : i32 to index
        %get3A_629 = arith.constant 48 : index
        %get3A_630 = tpu.vector_load %arg7[%get3A_628, %get3A_629] {strides = array<i32>} : memref<832x64xf32, #tpu.memory_space<vmem>>, vector<16xf32>,
        %mul3A_631 = arith.mulf %get3A_615, %get3A_315 : vector<16xf32>
        %mul3A_632 = arith.mulf %get3A_620, %get3A_319 : vector<16xf32>
        %add3A_633 = arith.addf %mul3A_631, %mul3A_632 : vector<16xf32>
        %mul3A_634 = arith.mulf %get3A_625, %get3A_323 : vector<16xf32>
        %mul3A_635 = arith.mulf %get3A_630, %get3A_327 : vector<16xf32>
        %add3A_636 = arith.addf %mul3A_634, %mul3A_635 : vector<16xf32>
        %add3A_637 = arith.addf %add3A_633, %add3A_636 : vector<16xf32>
        %add3A_638 = arith.constant 6 : i32
        %add3A_639 = arith.addi %add3A_475, %add3A_638 : i32
        %get3A_640 = arith.index_cast %add3A_639 : i32 to index
        %get3A_641 = arith.constant 0 : index
        %get3A_642 = tpu.vector_load %arg7[%get3A_640, %get3A_641] {strides = array<i32>} : memref<832x64xf32, #tpu.memory_space<vmem>>, vector<16xf32>,
        %add3A_643 = arith.constant 6 : i32
        %add3A_644 = arith.addi %add3A_475, %add3A_643 : i32
        %get3A_645 = arith.index_cast %add3A_644 : i32 to index
        %get3A_646 = arith.constant 16 : index
        %get3A_647 = tpu.vector_load %arg7[%get3A_645, %get3A_646] {strides = array<i32>} : memref<832x64xf32, #tpu.memory_space<vmem>>, vector<16xf32>,
        %add3A_648 = arith.constant 6 : i32
        %add3A_649 = arith.addi %add3A_475, %add3A_648 : i32
        %get3A_650 = arith.index_cast %add3A_649 : i32 to index
        %get3A_651 = arith.constant 32 : index
        %get3A_652 = tpu.vector_load %arg7[%get3A_650, %get3A_651] {strides = array<i32>} : memref<832x64xf32, #tpu.memory_space<vmem>>, vector<16xf32>,
        %add3A_653 = arith.constant 6 : i32
        %add3A_654 = arith.addi %add3A_475, %add3A_653 : i32
        %get3A_655 = arith.index_cast %add3A_654 : i32 to index
        %get3A_656 = arith.constant 48 : index
        %get3A_657 = tpu.vector_load %arg7[%get3A_655, %get3A_656] {strides = array<i32>} : memref<832x64xf32, #tpu.memory_space<vmem>>, vector<16xf32>,
        %mul3A_658 = arith.mulf %get3A_642, %get3A_315 : vector<16xf32>
        %mul3A_659 = arith.mulf %get3A_647, %get3A_319 : vector<16xf32>
        %add3A_660 = arith.addf %mul3A_658, %mul3A_659 : vector<16xf32>
        %mul3A_661 = arith.mulf %get3A_652, %get3A_323 : vector<16xf32>
        %mul3A_662 = arith.mulf %get3A_657, %get3A_327 : vector<16xf32>
        %add3A_663 = arith.addf %mul3A_661, %mul3A_662 : vector<16xf32>
        %add3A_664 = arith.addf %add3A_660, %add3A_663 : vector<16xf32>
        %add3A_665 = arith.constant 7 : i32
        %add3A_666 = arith.addi %add3A_475, %add3A_665 : i32
        %get3A_667 = arith.index_cast %add3A_666 : i32 to index
        %get3A_668 = arith.constant 0 : index
        %get3A_669 = tpu.vector_load %arg7[%get3A_667, %get3A_668] {strides = array<i32>} : memref<832x64xf32, #tpu.memory_space<vmem>>, vector<16xf32>,
        %add3A_670 = arith.constant 7 : i32
        %add3A_671 = arith.addi %add3A_475, %add3A_670 : i32
        %get3A_672 = arith.index_cast %add3A_671 : i32 to index
        %get3A_673 = arith.constant 16 : index
        %get3A_674 = tpu.vector_load %arg7[%get3A_672, %get3A_673] {strides = array<i32>} : memref<832x64xf32, #tpu.memory_space<vmem>>, vector<16xf32>,
        %add3A_675 = arith.constant 7 : i32
        %add3A_676 = arith.addi %add3A_475, %add3A_675 : i32
        %get3A_677 = arith.index_cast %add3A_676 : i32 to index
        %get3A_678 = arith.constant 32 : index
        %get3A_679 = tpu.vector_load %arg7[%get3A_677, %get3A_678] {strides = array<i32>} : memref<832x64xf32, #tpu.memory_space<vmem>>, vector<16xf32>,
        %add3A_680 = arith.constant 7 : i32
        %add3A_681 = arith.addi %add3A_475, %add3A_680 : i32
        %get3A_682 = arith.index_cast %add3A_681 : i32 to index
        %get3A_683 = arith.constant 48 : index
        %get3A_684 = tpu.vector_load %arg7[%get3A_682, %get3A_683] {strides = array<i32>} : memref<832x64xf32, #tpu.memory_space<vmem>>, vector<16xf32>,
        %mul3A_685 = arith.mulf %get3A_669, %get3A_315 : vector<16xf32>
        %mul3A_686 = arith.mulf %get3A_674, %get3A_319 : vector<16xf32>
        %add3A_687 = arith.addf %mul3A_685, %mul3A_686 : vector<16xf32>
        %mul3A_688 = arith.mulf %get3A_679, %get3A_323 : vector<16xf32>
        %mul3A_689 = arith.mulf %get3A_684, %get3A_327 : vector<16xf32>
        %add3A_690 = arith.addf %mul3A_688, %mul3A_689 : vector<16xf32>
        %add3A_691 = arith.addf %add3A_687, %add3A_690 : vector<16xf32>
        %add3A_692 = arith.constant 8 : i32
        %add3A_693 = arith.addi %add3A_475, %add3A_692 : i32
        %get3A_694 = arith.index_cast %add3A_693 : i32 to index
        %get3A_695 = arith.constant 0 : index
        %get3A_696 = tpu.vector_load %arg7[%get3A_694, %get3A_695] {strides = array<i32>} : memref<832x64xf32, #tpu.memory_space<vmem>>, vector<16xf32>,
        %add3A_697 = arith.constant 8 : i32
        %add3A_698 = arith.addi %add3A_475, %add3A_697 : i32
        %get3A_699 = arith.index_cast %add3A_698 : i32 to index
        %get3A_700 = arith.constant 16 : index
        %get3A_701 = tpu.vector_load %arg7[%get3A_699, %get3A_700] {strides = array<i32>} : memref<832x64xf32, #tpu.memory_space<vmem>>, vector<16xf32>,
        %add3A_702 = arith.constant 8 : i32
        %add3A_703 = arith.addi %add3A_475, %add3A_702 : i32
        %get3A_704 = arith.index_cast %add3A_703 : i32 to index
        %get3A_705 = arith.constant 32 : index
        %get3A_706 = tpu.vector_load %arg7[%get3A_704, %get3A_705] {strides = array<i32>} : memref<832x64xf32, #tpu.memory_space<vmem>>, vector<16xf32>,
        %add3A_707 = arith.constant 8 : i32
        %add3A_708 = arith.addi %add3A_475, %add3A_707 : i32
        %get3A_709 = arith.index_cast %add3A_708 : i32 to index
        %get3A_710 = arith.constant 48 : index
        %get3A_711 = tpu.vector_load %arg7[%get3A_709, %get3A_710] {strides = array<i32>} : memref<832x64xf32, #tpu.memory_space<vmem>>, vector<16xf32>,
        %mul3A_712 = arith.mulf %get3A_696, %get3A_315 : vector<16xf32>
        %mul3A_713 = arith.mulf %get3A_701, %get3A_319 : vector<16xf32>
        %add3A_714 = arith.addf %mul3A_712, %mul3A_713 : vector<16xf32>
        %mul3A_715 = arith.mulf %get3A_706, %get3A_323 : vector<16xf32>
        %mul3A_716 = arith.mulf %get3A_711, %get3A_327 : vector<16xf32>
        %add3A_717 = arith.addf %mul3A_715, %mul3A_716 : vector<16xf32>
        %add3A_718 = arith.addf %add3A_714, %add3A_717 : vector<16xf32>
        %add3A_719 = arith.constant 9 : i32
        %add3A_720 = arith.addi %add3A_475, %add3A_719 : i32
        %get3A_721 = arith.index_cast %add3A_720 : i32 to index
        %get3A_722 = arith.constant 0 : index
        %get3A_723 = tpu.vector_load %arg7[%get3A_721, %get3A_722] {strides = array<i32>} : memref<832x64xf32, #tpu.memory_space<vmem>>, vector<16xf32>,
        %add3A_724 = arith.constant 9 : i32
        %add3A_725 = arith.addi %add3A_475, %add3A_724 : i32
        %get3A_726 = arith.index_cast %add3A_725 : i32 to index
        %get3A_727 = arith.constant 16 : index
        %get3A_728 = tpu.vector_load %arg7[%get3A_726, %get3A_727] {strides = array<i32>} : memref<832x64xf32, #tpu.memory_space<vmem>>, vector<16xf32>,
        %add3A_729 = arith.constant 9 : i32
        %add3A_730 = arith.addi %add3A_475, %add3A_729 : i32
        %get3A_731 = arith.index_cast %add3A_730 : i32 to index
        %get3A_732 = arith.constant 32 : index
        %get3A_733 = tpu.vector_load %arg7[%get3A_731, %get3A_732] {strides = array<i32>} : memref<832x64xf32, #tpu.memory_space<vmem>>, vector<16xf32>,
        %add3A_734 = arith.constant 9 : i32
        %add3A_735 = arith.addi %add3A_475, %add3A_734 : i32
        %get3A_736 = arith.index_cast %add3A_735 : i32 to index
        %get3A_737 = arith.constant 48 : index
        %get3A_738 = tpu.vector_load %arg7[%get3A_736, %get3A_737] {strides = array<i32>} : memref<832x64xf32, #tpu.memory_space<vmem>>, vector<16xf32>,
        %mul3A_739 = arith.mulf %get3A_723, %get3A_315 : vector<16xf32>
        %mul3A_740 = arith.mulf %get3A_728, %get3A_319 : vector<16xf32>
        %add3A_741 = arith.addf %mul3A_739, %mul3A_740 : vector<16xf32>
        %mul3A_742 = arith.mulf %get3A_733, %get3A_323 : vector<16xf32>
        %mul3A_743 = arith.mulf %get3A_738, %get3A_327 : vector<16xf32>
        %add3A_744 = arith.addf %mul3A_742, %mul3A_743 : vector<16xf32>
        %add3A_745 = arith.addf %add3A_741, %add3A_744 : vector<16xf32>
        %add3A_746 = arith.constant 10 : i32
        %add3A_747 = arith.addi %add3A_475, %add3A_746 : i32
        %get3A_748 = arith.index_cast %add3A_747 : i32 to index
        %get3A_749 = arith.constant 0 : index
        %get3A_750 = tpu.vector_load %arg7[%get3A_748, %get3A_749] {strides = array<i32>} : memref<832x64xf32, #tpu.memory_space<vmem>>, vector<16xf32>,
        %add3A_751 = arith.constant 10 : i32
        %add3A_752 = arith.addi %add3A_475, %add3A_751 : i32
        %get3A_753 = arith.index_cast %add3A_752 : i32 to index
        %get3A_754 = arith.constant 16 : index
        %get3A_755 = tpu.vector_load %arg7[%get3A_753, %get3A_754] {strides = array<i32>} : memref<832x64xf32, #tpu.memory_space<vmem>>, vector<16xf32>,
        %add3A_756 = arith.constant 10 : i32
        %add3A_757 = arith.addi %add3A_475, %add3A_756 : i32
        %get3A_758 = arith.index_cast %add3A_757 : i32 to index
        %get3A_759 = arith.constant 32 : index
        %get3A_760 = tpu.vector_load %arg7[%get3A_758, %get3A_759] {strides = array<i32>} : memref<832x64xf32, #tpu.memory_space<vmem>>, vector<16xf32>,
        %add3A_761 = arith.constant 10 : i32
        %add3A_762 = arith.addi %add3A_475, %add3A_761 : i32
        %get3A_763 = arith.index_cast %add3A_762 : i32 to index
        %get3A_764 = arith.constant 48 : index
        %get3A_765 = tpu.vector_load %arg7[%get3A_763, %get3A_764] {strides = array<i32>} : memref<832x64xf32, #tpu.memory_space<vmem>>, vector<16xf32>,
        %mul3A_766 = arith.mulf %get3A_750, %get3A_315 : vector<16xf32>
        %mul3A_767 = arith.mulf %get3A_755, %get3A_319 : vector<16xf32>
        %add3A_768 = arith.addf %mul3A_766, %mul3A_767 : vector<16xf32>
        %mul3A_769 = arith.mulf %get3A_760, %get3A_323 : vector<16xf32>
        %mul3A_770 = arith.mulf %get3A_765, %get3A_327 : vector<16xf32>
        %add3A_771 = arith.addf %mul3A_769, %mul3A_770 : vector<16xf32>
        %add3A_772 = arith.addf %add3A_768, %add3A_771 : vector<16xf32>
        %add3A_773 = arith.constant 11 : i32
        %add3A_774 = arith.addi %add3A_475, %add3A_773 : i32
        %get3A_775 = arith.index_cast %add3A_774 : i32 to index
        %get3A_776 = arith.constant 0 : index
        %get3A_777 = tpu.vector_load %arg7[%get3A_775, %get3A_776] {strides = array<i32>} : memref<832x64xf32, #tpu.memory_space<vmem>>, vector<16xf32>,
        %add3A_778 = arith.constant 11 : i32
        %add3A_779 = arith.addi %add3A_475, %add3A_778 : i32
        %get3A_780 = arith.index_cast %add3A_779 : i32 to index
        %get3A_781 = arith.constant 16 : index
        %get3A_782 = tpu.vector_load %arg7[%get3A_780, %get3A_781] {strides = array<i32>} : memref<832x64xf32, #tpu.memory_space<vmem>>, vector<16xf32>,
        %add3A_783 = arith.constant 11 : i32
        %add3A_784 = arith.addi %add3A_475, %add3A_783 : i32
        %get3A_785 = arith.index_cast %add3A_784 : i32 to index
        %get3A_786 = arith.constant 32 : index
        %get3A_787 = tpu.vector_load %arg7[%get3A_785, %get3A_786] {strides = array<i32>} : memref<832x64xf32, #tpu.memory_space<vmem>>, vector<16xf32>,
        %add3A_788 = arith.constant 11 : i32
        %add3A_789 = arith.addi %add3A_475, %add3A_788 : i32
        %get3A_790 = arith.index_cast %add3A_789 : i32 to index
        %get3A_791 = arith.constant 48 : index
        %get3A_792 = tpu.vector_load %arg7[%get3A_790, %get3A_791] {strides = array<i32>} : memref<832x64xf32, #tpu.memory_space<vmem>>, vector<16xf32>,
        %mul3A_793 = arith.mulf %get3A_777, %get3A_315 : vector<16xf32>
        %mul3A_794 = arith.mulf %get3A_782, %get3A_319 : vector<16xf32>
        %add3A_795 = arith.addf %mul3A_793, %mul3A_794 : vector<16xf32>
        %mul3A_796 = arith.mulf %get3A_787, %get3A_323 : vector<16xf32>
        %mul3A_797 = arith.mulf %get3A_792, %get3A_327 : vector<16xf32>
        %add3A_798 = arith.addf %mul3A_796, %mul3A_797 : vector<16xf32>
        %add3A_799 = arith.addf %add3A_795, %add3A_798 : vector<16xf32>
        %add3A_800 = arith.constant 12 : i32
        %add3A_801 = arith.addi %add3A_475, %add3A_800 : i32
        %get3A_802 = arith.index_cast %add3A_801 : i32 to index
        %get3A_803 = arith.constant 0 : index
        %get3A_804 = tpu.vector_load %arg7[%get3A_802, %get3A_803] {strides = array<i32>} : memref<832x64xf32, #tpu.memory_space<vmem>>, vector<16xf32>,
        %add3A_805 = arith.constant 12 : i32
        %add3A_806 = arith.addi %add3A_475, %add3A_805 : i32
        %get3A_807 = arith.index_cast %add3A_806 : i32 to index
        %get3A_808 = arith.constant 16 : index
        %get3A_809 = tpu.vector_load %arg7[%get3A_807, %get3A_808] {strides = array<i32>} : memref<832x64xf32, #tpu.memory_space<vmem>>, vector<16xf32>,
        %add3A_810 = arith.constant 12 : i32
        %add3A_811 = arith.addi %add3A_475, %add3A_810 : i32
        %get3A_812 = arith.index_cast %add3A_811 : i32 to index
        %get3A_813 = arith.constant 32 : index
        %get3A_814 = tpu.vector_load %arg7[%get3A_812, %get3A_813] {strides = array<i32>} : memref<832x64xf32, #tpu.memory_space<vmem>>, vector<16xf32>,
        %add3A_815 = arith.constant 12 : i32
        %add3A_816 = arith.addi %add3A_475, %add3A_815 : i32
        %get3A_817 = arith.index_cast %add3A_816 : i32 to index
        %get3A_818 = arith.constant 48 : index
        %get3A_819 = tpu.vector_load %arg7[%get3A_817, %get3A_818] {strides = array<i32>} : memref<832x64xf32, #tpu.memory_space<vmem>>, vector<16xf32>,
        %mul3A_820 = arith.mulf %get3A_804, %get3A_315 : vector<16xf32>
        %mul3A_821 = arith.mulf %get3A_809, %get3A_319 : vector<16xf32>
        %add3A_822 = arith.addf %mul3A_820, %mul3A_821 : vector<16xf32>
        %mul3A_823 = arith.mulf %get3A_814, %get3A_323 : vector<16xf32>
        %mul3A_824 = arith.mulf %get3A_819, %get3A_327 : vector<16xf32>
        %add3A_825 = arith.addf %mul3A_823, %mul3A_824 : vector<16xf32>
        %add3A_826 = arith.addf %add3A_822, %add3A_825 : vector<16xf32>
        %add3A_827 = arith.constant 13 : i32
        %add3A_828 = arith.addi %add3A_475, %add3A_827 : i32
        %get3A_829 = arith.index_cast %add3A_828 : i32 to index
        %get3A_830 = arith.constant 0 : index
        %get3A_831 = tpu.vector_load %arg7[%get3A_829, %get3A_830] {strides = array<i32>} : memref<832x64xf32, #tpu.memory_space<vmem>>, vector<16xf32>,
        %add3A_832 = arith.constant 13 : i32
        %add3A_833 = arith.addi %add3A_475, %add3A_832 : i32
        %get3A_834 = arith.index_cast %add3A_833 : i32 to index
        %get3A_835 = arith.constant 16 : index
        %get3A_836 = tpu.vector_load %arg7[%get3A_834, %get3A_835] {strides = array<i32>} : memref<832x64xf32, #tpu.memory_space<vmem>>, vector<16xf32>,
        %add3A_837 = arith.constant 13 : i32
        %add3A_838 = arith.addi %add3A_475, %add3A_837 : i32
        %get3A_839 = arith.index_cast %add3A_838 : i32 to index
        %get3A_840 = arith.constant 32 : index
        %get3A_841 = tpu.vector_load %arg7[%get3A_839, %get3A_840] {strides = array<i32>} : memref<832x64xf32, #tpu.memory_space<vmem>>, vector<16xf32>,
        %add3A_842 = arith.constant 13 : i32
        %add3A_843 = arith.addi %add3A_475, %add3A_842 : i32
        %get3A_844 = arith.index_cast %add3A_843 : i32 to index
        %get3A_845 = arith.constant 48 : index
        %get3A_846 = tpu.vector_load %arg7[%get3A_844, %get3A_845] {strides = array<i32>} : memref<832x64xf32, #tpu.memory_space<vmem>>, vector<16xf32>,
        %mul3A_847 = arith.mulf %get3A_831, %get3A_315 : vector<16xf32>
        %mul3A_848 = arith.mulf %get3A_836, %get3A_319 : vector<16xf32>
        %add3A_849 = arith.addf %mul3A_847, %mul3A_848 : vector<16xf32>
        %mul3A_850 = arith.mulf %get3A_841, %get3A_323 : vector<16xf32>
        %mul3A_851 = arith.mulf %get3A_846, %get3A_327 : vector<16xf32>
        %add3A_852 = arith.addf %mul3A_850, %mul3A_851 : vector<16xf32>
        %add3A_853 = arith.addf %add3A_849, %add3A_852 : vector<16xf32>
        %add3A_854 = arith.constant 14 : i32
        %add3A_855 = arith.addi %add3A_475, %add3A_854 : i32
        %get3A_856 = arith.index_cast %add3A_855 : i32 to index
        %get3A_857 = arith.constant 0 : index
        %get3A_858 = tpu.vector_load %arg7[%get3A_856, %get3A_857] {strides = array<i32>} : memref<832x64xf32, #tpu.memory_space<vmem>>, vector<16xf32>,
        %add3A_859 = arith.constant 14 : i32
        %add3A_860 = arith.addi %add3A_475, %add3A_859 : i32
        %get3A_861 = arith.index_cast %add3A_860 : i32 to index
        %get3A_862 = arith.constant 16 : index
        %get3A_863 = tpu.vector_load %arg7[%get3A_861, %get3A_862] {strides = array<i32>} : memref<832x64xf32, #tpu.memory_space<vmem>>, vector<16xf32>,
        %add3A_864 = arith.constant 14 : i32
        %add3A_865 = arith.addi %add3A_475, %add3A_864 : i32
        %get3A_866 = arith.index_cast %add3A_865 : i32 to index
        %get3A_867 = arith.constant 32 : index
        %get3A_868 = tpu.vector_load %arg7[%get3A_866, %get3A_867] {strides = array<i32>} : memref<832x64xf32, #tpu.memory_space<vmem>>, vector<16xf32>,
        %add3A_869 = arith.constant 14 : i32
        %add3A_870 = arith.addi %add3A_475, %add3A_869 : i32
        %get3A_871 = arith.index_cast %add3A_870 : i32 to index
        %get3A_872 = arith.constant 48 : index
        %get3A_873 = tpu.vector_load %arg7[%get3A_871, %get3A_872] {strides = array<i32>} : memref<832x64xf32, #tpu.memory_space<vmem>>, vector<16xf32>,
        %mul3A_874 = arith.mulf %get3A_858, %get3A_315 : vector<16xf32>
        %mul3A_875 = arith.mulf %get3A_863, %get3A_319 : vector<16xf32>
        %add3A_876 = arith.addf %mul3A_874, %mul3A_875 : vector<16xf32>
        %mul3A_877 = arith.mulf %get3A_868, %get3A_323 : vector<16xf32>
        %mul3A_878 = arith.mulf %get3A_873, %get3A_327 : vector<16xf32>
        %add3A_879 = arith.addf %mul3A_877, %mul3A_878 : vector<16xf32>
        %add3A_880 = arith.addf %add3A_876, %add3A_879 : vector<16xf32>
        %add3A_881 = arith.constant 15 : i32
        %add3A_882 = arith.addi %add3A_475, %add3A_881 : i32
        %get3A_883 = arith.index_cast %add3A_882 : i32 to index
        %get3A_884 = arith.constant 0 : index
        %get3A_885 = tpu.vector_load %arg7[%get3A_883, %get3A_884] {strides = array<i32>} : memref<832x64xf32, #tpu.memory_space<vmem>>, vector<16xf32>,
        %add3A_886 = arith.constant 15 : i32
        %add3A_887 = arith.addi %add3A_475, %add3A_886 : i32
        %get3A_888 = arith.index_cast %add3A_887 : i32 to index
        %get3A_889 = arith.constant 16 : index
        %get3A_890 = tpu.vector_load %arg7[%get3A_888, %get3A_889] {strides = array<i32>} : memref<832x64xf32, #tpu.memory_space<vmem>>, vector<16xf32>,
        %add3A_891 = arith.constant 15 : i32
        %add3A_892 = arith.addi %add3A_475, %add3A_891 : i32
        %get3A_893 = arith.index_cast %add3A_892 : i32 to index
        %get3A_894 = arith.constant 32 : index
        %get3A_895 = tpu.vector_load %arg7[%get3A_893, %get3A_894] {strides = array<i32>} : memref<832x64xf32, #tpu.memory_space<vmem>>, vector<16xf32>,
        %add3A_896 = arith.constant 15 : i32
        %add3A_897 = arith.addi %add3A_475, %add3A_896 : i32
        %get3A_898 = arith.index_cast %add3A_897 : i32 to index
        %get3A_899 = arith.constant 48 : index
        %get3A_900 = tpu.vector_load %arg7[%get3A_898, %get3A_899] {strides = array<i32>} : memref<832x64xf32, #tpu.memory_space<vmem>>, vector<16xf32>,
        %mul3A_901 = arith.mulf %get3A_885, %get3A_315 : vector<16xf32>
        %mul3A_902 = arith.mulf %get3A_890, %get3A_319 : vector<16xf32>
        %add3A_903 = arith.addf %mul3A_901, %mul3A_902 : vector<16xf32>
        %mul3A_904 = arith.mulf %get3A_895, %get3A_323 : vector<16xf32>
        %mul3A_905 = arith.mulf %get3A_900, %get3A_327 : vector<16xf32>
        %add3A_906 = arith.addf %mul3A_904, %mul3A_905 : vector<16xf32>
        %add3A_907 = arith.addf %add3A_903, %add3A_906 : vector<16xf32>
        %lt3A_908 = arith.constant 0 : i32
        %lt3A_909 = vector.broadcast %lt3A_908 : i32 to vector<16xi32>
        %lt3A_910 = arith.cmpi slt, %xor3A_4, %lt3A_909 : vector<16xi32>
        %add3A_911 = arith.constant 16 : i32
        %add3A_912 = vector.broadcast %add3A_911 : i32 to vector<16xi32>
        %add3A_913 = arith.addi %xor3A_4, %add3A_912 : vector<16xi32>
        %select_n3A_914 = arith.select %lt3A_910, %add3A_913, %xor3A_4 : vector<16xi1>, vector<16xi32>
        %broadcast_in_dim3A = vector.shape_cast %select_n3A_914 : vector<16xi32> to vector<16x1xi32>
        %gather3A = vector.shape_cast %broadcast_in_dim3A : vector<16x1xi32> to vector<16xi32>
        %gather3A_915 = tpu.dynamic_gather %add3A_502[%gather3A] in [0] : vector<16xf32>, vector<16xi32> -> vector<16xf32>
        %add3A_916 = arith.addf %add3A_502, %gather3A_915 : vector<16xf32>
        %lt3A_917 = arith.constant 0 : i32
        %lt3A_918 = vector.broadcast %lt3A_917 : i32 to vector<16xi32>
        %lt3A_919 = arith.cmpi slt, %xor3A_4, %lt3A_918 : vector<16xi32>
        %add3A_920 = arith.constant 16 : i32
        %add3A_921 = vector.broadcast %add3A_920 : i32 to vector<16xi32>
        %add3A_922 = arith.addi %xor3A_4, %add3A_921 : vector<16xi32>
        %select_n3A_923 = arith.select %lt3A_919, %add3A_922, %xor3A_4 : vector<16xi1>, vector<16xi32>
        %broadcast_in_dim3A_924 = vector.shape_cast %select_n3A_923 : vector<16xi32> to vector<16x1xi32>
        %gather3A_925 = vector.shape_cast %broadcast_in_dim3A_924 : vector<16x1xi32> to vector<16xi32>
        %gather3A_926 = tpu.dynamic_gather %add3A_529[%gather3A_925] in [0] : vector<16xf32>, vector<16xi32> -> vector<16xf32>
        %add3A_927 = arith.addf %add3A_529, %gather3A_926 : vector<16xf32>
        %select_n3A_928 = arith.select %ne3A_17, %add3A_927, %add3A_916 : vector<16xi1>, vector<16xf32>
        %lt3A_929 = arith.constant 0 : i32
        %lt3A_930 = vector.broadcast %lt3A_929 : i32 to vector<16xi32>
        %lt3A_931 = arith.cmpi slt, %xor3A_4, %lt3A_930 : vector<16xi32>
        %add3A_932 = arith.constant 16 : i32
        %add3A_933 = vector.broadcast %add3A_932 : i32 to vector<16xi32>
        %add3A_934 = arith.addi %xor3A_4, %add3A_933 : vector<16xi32>
        %select_n3A_935 = arith.select %lt3A_931, %add3A_934, %xor3A_4 : vector<16xi1>, vector<16xi32>
        %broadcast_in_dim3A_936 = vector.shape_cast %select_n3A_935 : vector<16xi32> to vector<16x1xi32>
        %gather3A_937 = vector.shape_cast %broadcast_in_dim3A_936 : vector<16x1xi32> to vector<16xi32>
        %gather3A_938 = tpu.dynamic_gather %add3A_556[%gather3A_937] in [0] : vector<16xf32>, vector<16xi32> -> vector<16xf32>
        %add3A_939 = arith.addf %add3A_556, %gather3A_938 : vector<16xf32>
        %lt3A_940 = arith.constant 0 : i32
        %lt3A_941 = vector.broadcast %lt3A_940 : i32 to vector<16xi32>
        %lt3A_942 = arith.cmpi slt, %xor3A_4, %lt3A_941 : vector<16xi32>
        %add3A_943 = arith.constant 16 : i32
        %add3A_944 = vector.broadcast %add3A_943 : i32 to vector<16xi32>
        %add3A_945 = arith.addi %xor3A_4, %add3A_944 : vector<16xi32>
        %select_n3A_946 = arith.select %lt3A_942, %add3A_945, %xor3A_4 : vector<16xi1>, vector<16xi32>
        %broadcast_in_dim3A_947 = vector.shape_cast %select_n3A_946 : vector<16xi32> to vector<16x1xi32>
        %gather3A_948 = vector.shape_cast %broadcast_in_dim3A_947 : vector<16x1xi32> to vector<16xi32>
        %gather3A_949 = tpu.dynamic_gather %add3A_583[%gather3A_948] in [0] : vector<16xf32>, vector<16xi32> -> vector<16xf32>
        %add3A_950 = arith.addf %add3A_583, %gather3A_949 : vector<16xf32>
        %select_n3A_951 = arith.select %ne3A_17, %add3A_950, %add3A_939 : vector<16xi1>, vector<16xf32>
        %lt3A_952 = arith.constant 0 : i32
        %lt3A_953 = vector.broadcast %lt3A_952 : i32 to vector<16xi32>
        %lt3A_954 = arith.cmpi slt, %xor3A_4, %lt3A_953 : vector<16xi32>
        %add3A_955 = arith.constant 16 : i32
        %add3A_956 = vector.broadcast %add3A_955 : i32 to vector<16xi32>
        %add3A_957 = arith.addi %xor3A_4, %add3A_956 : vector<16xi32>
        %select_n3A_958 = arith.select %lt3A_954, %add3A_957, %xor3A_4 : vector<16xi1>, vector<16xi32>
        %broadcast_in_dim3A_959 = vector.shape_cast %select_n3A_958 : vector<16xi32> to vector<16x1xi32>
        %gather3A_960 = vector.shape_cast %broadcast_in_dim3A_959 : vector<16x1xi32> to vector<16xi32>
        %gather3A_961 = tpu.dynamic_gather %add3A_610[%gather3A_960] in [0] : vector<16xf32>, vector<16xi32> -> vector<16xf32>
        %add3A_962 = arith.addf %add3A_610, %gather3A_961 : vector<16xf32>
        %lt3A_963 = arith.constant 0 : i32
        %lt3A_964 = vector.broadcast %lt3A_963 : i32 to vector<16xi32>
        %lt3A_965 = arith.cmpi slt, %xor3A_4, %lt3A_964 : vector<16xi32>
        %add3A_966 = arith.constant 16 : i32
        %add3A_967 = vector.broadcast %add3A_966 : i32 to vector<16xi32>
        %add3A_968 = arith.addi %xor3A_4, %add3A_967 : vector<16xi32>
        %select_n3A_969 = arith.select %lt3A_965, %add3A_968, %xor3A_4 : vector<16xi1>, vector<16xi32>
        %broadcast_in_dim3A_970 = vector.shape_cast %select_n3A_969 : vector<16xi32> to vector<16x1xi32>
        %gather3A_971 = vector.shape_cast %broadcast_in_dim3A_970 : vector<16x1xi32> to vector<16xi32>
        %gather3A_972 = tpu.dynamic_gather %add3A_637[%gather3A_971] in [0] : vector<16xf32>, vector<16xi32> -> vector<16xf32>
        %add3A_973 = arith.addf %add3A_637, %gather3A_972 : vector<16xf32>
        %select_n3A_974 = arith.select %ne3A_17, %add3A_973, %add3A_962 : vector<16xi1>, vector<16xf32>
        %lt3A_975 = arith.constant 0 : i32
        %lt3A_976 = vector.broadcast %lt3A_975 : i32 to vector<16xi32>
        %lt3A_977 = arith.cmpi slt, %xor3A_4, %lt3A_976 : vector<16xi32>
        %add3A_978 = arith.constant 16 : i32
        %add3A_979 = vector.broadcast %add3A_978 : i32 to vector<16xi32>
        %add3A_980 = arith.addi %xor3A_4, %add3A_979 : vector<16xi32>
        %select_n3A_981 = arith.select %lt3A_977, %add3A_980, %xor3A_4 : vector<16xi1>, vector<16xi32>
        %broadcast_in_dim3A_982 = vector.shape_cast %select_n3A_981 : vector<16xi32> to vector<16x1xi32>
        %gather3A_983 = vector.shape_cast %broadcast_in_dim3A_982 : vector<16x1xi32> to vector<16xi32>
        %gather3A_984 = tpu.dynamic_gather %add3A_664[%gather3A_983] in [0] : vector<16xf32>, vector<16xi32> -> vector<16xf32>
        %add3A_985 = arith.addf %add3A_664, %gather3A_984 : vector<16xf32>
        %lt3A_986 = arith.constant 0 : i32
        %lt3A_987 = vector.broadcast %lt3A_986 : i32 to vector<16xi32>
        %lt3A_988 = arith.cmpi slt, %xor3A_4, %lt3A_987 : vector<16xi32>
        %add3A_989 = arith.constant 16 : i32
        %add3A_990 = vector.broadcast %add3A_989 : i32 to vector<16xi32>
        %add3A_991 = arith.addi %xor3A_4, %add3A_990 : vector<16xi32>
        %select_n3A_992 = arith.select %lt3A_988, %add3A_991, %xor3A_4 : vector<16xi1>, vector<16xi32>
        %broadcast_in_dim3A_993 = vector.shape_cast %select_n3A_992 : vector<16xi32> to vector<16x1xi32>
        %gather3A_994 = vector.shape_cast %broadcast_in_dim3A_993 : vector<16x1xi32> to vector<16xi32>
        %gather3A_995 = tpu.dynamic_gather %add3A_691[%gather3A_994] in [0] : vector<16xf32>, vector<16xi32> -> vector<16xf32>
        %add3A_996 = arith.addf %add3A_691, %gather3A_995 : vector<16xf32>
        %select_n3A_997 = arith.select %ne3A_17, %add3A_996, %add3A_985 : vector<16xi1>, vector<16xf32>
        %lt3A_998 = arith.constant 0 : i32
        %lt3A_999 = vector.broadcast %lt3A_998 : i32 to vector<16xi32>
        %lt3A_1000 = arith.cmpi slt, %xor3A_4, %lt3A_999 : vector<16xi32>
        %add3A_1001 = arith.constant 16 : i32
        %add3A_1002 = vector.broadcast %add3A_1001 : i32 to vector<16xi32>
        %add3A_1003 = arith.addi %xor3A_4, %add3A_1002 : vector<16xi32>
        %select_n3A_1004 = arith.select %lt3A_1000, %add3A_1003, %xor3A_4 : vector<16xi1>, vector<16xi32>
        %broadcast_in_dim3A_1005 = vector.shape_cast %select_n3A_1004 : vector<16xi32> to vector<16x1xi32>
        %gather3A_1006 = vector.shape_cast %broadcast_in_dim3A_1005 : vector<16x1xi32> to vector<16xi32>
        %gather3A_1007 = tpu.dynamic_gather %add3A_718[%gather3A_1006] in [0] : vector<16xf32>, vector<16xi32> -> vector<16xf32>
        %add3A_1008 = arith.addf %add3A_718, %gather3A_1007 : vector<16xf32>
        %lt3A_1009 = arith.constant 0 : i32
        %lt3A_1010 = vector.broadcast %lt3A_1009 : i32 to vector<16xi32>
        %lt3A_1011 = arith.cmpi slt, %xor3A_4, %lt3A_1010 : vector<16xi32>
        %add3A_1012 = arith.constant 16 : i32
        %add3A_1013 = vector.broadcast %add3A_1012 : i32 to vector<16xi32>
        %add3A_1014 = arith.addi %xor3A_4, %add3A_1013 : vector<16xi32>
        %select_n3A_1015 = arith.select %lt3A_1011, %add3A_1014, %xor3A_4 : vector<16xi1>, vector<16xi32>
        %broadcast_in_dim3A_1016 = vector.shape_cast %select_n3A_1015 : vector<16xi32> to vector<16x1xi32>
        %gather3A_1017 = vector.shape_cast %broadcast_in_dim3A_1016 : vector<16x1xi32> to vector<16xi32>
        %gather3A_1018 = tpu.dynamic_gather %add3A_745[%gather3A_1017] in [0] : vector<16xf32>, vector<16xi32> -> vector<16xf32>
        %add3A_1019 = arith.addf %add3A_745, %gather3A_1018 : vector<16xf32>
        %select_n3A_1020 = arith.select %ne3A_17, %add3A_1019, %add3A_1008 : vector<16xi1>, vector<16xf32>
        %lt3A_1021 = arith.constant 0 : i32
        %lt3A_1022 = vector.broadcast %lt3A_1021 : i32 to vector<16xi32>
        %lt3A_1023 = arith.cmpi slt, %xor3A_4, %lt3A_1022 : vector<16xi32>
        %add3A_1024 = arith.constant 16 : i32
        %add3A_1025 = vector.broadcast %add3A_1024 : i32 to vector<16xi32>
        %add3A_1026 = arith.addi %xor3A_4, %add3A_1025 : vector<16xi32>
        %select_n3A_1027 = arith.select %lt3A_1023, %add3A_1026, %xor3A_4 : vector<16xi1>, vector<16xi32>
        %broadcast_in_dim3A_1028 = vector.shape_cast %select_n3A_1027 : vector<16xi32> to vector<16x1xi32>
        %gather3A_1029 = vector.shape_cast %broadcast_in_dim3A_1028 : vector<16x1xi32> to vector<16xi32>
        %gather3A_1030 = tpu.dynamic_gather %add3A_772[%gather3A_1029] in [0] : vector<16xf32>, vector<16xi32> -> vector<16xf32>
        %add3A_1031 = arith.addf %add3A_772, %gather3A_1030 : vector<16xf32>
        %lt3A_1032 = arith.constant 0 : i32
        %lt3A_1033 = vector.broadcast %lt3A_1032 : i32 to vector<16xi32>
        %lt3A_1034 = arith.cmpi slt, %xor3A_4, %lt3A_1033 : vector<16xi32>
        %add3A_1035 = arith.constant 16 : i32
        %add3A_1036 = vector.broadcast %add3A_1035 : i32 to vector<16xi32>
        %add3A_1037 = arith.addi %xor3A_4, %add3A_1036 : vector<16xi32>
        %select_n3A_1038 = arith.select %lt3A_1034, %add3A_1037, %xor3A_4 : vector<16xi1>, vector<16xi32>
        %broadcast_in_dim3A_1039 = vector.shape_cast %select_n3A_1038 : vector<16xi32> to vector<16x1xi32>
        %gather3A_1040 = vector.shape_cast %broadcast_in_dim3A_1039 : vector<16x1xi32> to vector<16xi32>
        %gather3A_1041 = tpu.dynamic_gather %add3A_799[%gather3A_1040] in [0] : vector<16xf32>, vector<16xi32> -> vector<16xf32>
        %add3A_1042 = arith.addf %add3A_799, %gather3A_1041 : vector<16xf32>
        %select_n3A_1043 = arith.select %ne3A_17, %add3A_1042, %add3A_1031 : vector<16xi1>, vector<16xf32>
        %lt3A_1044 = arith.constant 0 : i32
        %lt3A_1045 = vector.broadcast %lt3A_1044 : i32 to vector<16xi32>
        %lt3A_1046 = arith.cmpi slt, %xor3A_4, %lt3A_1045 : vector<16xi32>
        %add3A_1047 = arith.constant 16 : i32
        %add3A_1048 = vector.broadcast %add3A_1047 : i32 to vector<16xi32>
        %add3A_1049 = arith.addi %xor3A_4, %add3A_1048 : vector<16xi32>
        %select_n3A_1050 = arith.select %lt3A_1046, %add3A_1049, %xor3A_4 : vector<16xi1>, vector<16xi32>
        %broadcast_in_dim3A_1051 = vector.shape_cast %select_n3A_1050 : vector<16xi32> to vector<16x1xi32>
        %gather3A_1052 = vector.shape_cast %broadcast_in_dim3A_1051 : vector<16x1xi32> to vector<16xi32>
        %gather3A_1053 = tpu.dynamic_gather %add3A_826[%gather3A_1052] in [0] : vector<16xf32>, vector<16xi32> -> vector<16xf32>
        %add3A_1054 = arith.addf %add3A_826, %gather3A_1053 : vector<16xf32>
        %lt3A_1055 = arith.constant 0 : i32
        %lt3A_1056 = vector.broadcast %lt3A_1055 : i32 to vector<16xi32>
        %lt3A_1057 = arith.cmpi slt, %xor3A_4, %lt3A_1056 : vector<16xi32>
        %add3A_1058 = arith.constant 16 : i32
        %add3A_1059 = vector.broadcast %add3A_1058 : i32 to vector<16xi32>
        %add3A_1060 = arith.addi %xor3A_4, %add3A_1059 : vector<16xi32>
        %select_n3A_1061 = arith.select %lt3A_1057, %add3A_1060, %xor3A_4 : vector<16xi1>, vector<16xi32>
        %broadcast_in_dim3A_1062 = vector.shape_cast %select_n3A_1061 : vector<16xi32> to vector<16x1xi32>
        %gather3A_1063 = vector.shape_cast %broadcast_in_dim3A_1062 : vector<16x1xi32> to vector<16xi32>
        %gather3A_1064 = tpu.dynamic_gather %add3A_853[%gather3A_1063] in [0] : vector<16xf32>, vector<16xi32> -> vector<16xf32>
        %add3A_1065 = arith.addf %add3A_853, %gather3A_1064 : vector<16xf32>
        %select_n3A_1066 = arith.select %ne3A_17, %add3A_1065, %add3A_1054 : vector<16xi1>, vector<16xf32>
        %lt3A_1067 = arith.constant 0 : i32
        %lt3A_1068 = vector.broadcast %lt3A_1067 : i32 to vector<16xi32>
        %lt3A_1069 = arith.cmpi slt, %xor3A_4, %lt3A_1068 : vector<16xi32>
        %add3A_1070 = arith.constant 16 : i32
        %add3A_1071 = vector.broadcast %add3A_1070 : i32 to vector<16xi32>
        %add3A_1072 = arith.addi %xor3A_4, %add3A_1071 : vector<16xi32>
        %select_n3A_1073 = arith.select %lt3A_1069, %add3A_1072, %xor3A_4 : vector<16xi1>, vector<16xi32>
        %broadcast_in_dim3A_1074 = vector.shape_cast %select_n3A_1073 : vector<16xi32> to vector<16x1xi32>
        %gather3A_1075 = vector.shape_cast %broadcast_in_dim3A_1074 : vector<16x1xi32> to vector<16xi32>
        %gather3A_1076 = tpu.dynamic_gather %add3A_880[%gather3A_1075] in [0] : vector<16xf32>, vector<16xi32> -> vector<16xf32>
        %add3A_1077 = arith.addf %add3A_880, %gather3A_1076 : vector<16xf32>
        %lt3A_1078 = arith.constant 0 : i32
        %lt3A_1079 = vector.broadcast %lt3A_1078 : i32 to vector<16xi32>
        %lt3A_1080 = arith.cmpi slt, %xor3A_4, %lt3A_1079 : vector<16xi32>
        %add3A_1081 = arith.constant 16 : i32
        %add3A_1082 = vector.broadcast %add3A_1081 : i32 to vector<16xi32>
        %add3A_1083 = arith.addi %xor3A_4, %add3A_1082 : vector<16xi32>
        %select_n3A_1084 = arith.select %lt3A_1080, %add3A_1083, %xor3A_4 : vector<16xi1>, vector<16xi32>
        %broadcast_in_dim3A_1085 = vector.shape_cast %select_n3A_1084 : vector<16xi32> to vector<16x1xi32>
        %gather3A_1086 = vector.shape_cast %broadcast_in_dim3A_1085 : vector<16x1xi32> to vector<16xi32>
        %gather3A_1087 = tpu.dynamic_gather %add3A_907[%gather3A_1086] in [0] : vector<16xf32>, vector<16xi32> -> vector<16xf32>
        %add3A_1088 = arith.addf %add3A_907, %gather3A_1087 : vector<16xf32>
        %select_n3A_1089 = arith.select %ne3A_17, %add3A_1088, %add3A_1077 : vector<16xi1>, vector<16xf32>
        %lt3A_1090 = arith.constant 0 : i32
        %lt3A_1091 = vector.broadcast %lt3A_1090 : i32 to vector<16xi32>
        %lt3A_1092 = arith.cmpi slt, %xor3A_7, %lt3A_1091 : vector<16xi32>
        %add3A_1093 = arith.constant 16 : i32
        %add3A_1094 = vector.broadcast %add3A_1093 : i32 to vector<16xi32>
        %add3A_1095 = arith.addi %xor3A_7, %add3A_1094 : vector<16xi32>
        %select_n3A_1096 = arith.select %lt3A_1092, %add3A_1095, %xor3A_7 : vector<16xi1>, vector<16xi32>
        %broadcast_in_dim3A_1097 = vector.shape_cast %select_n3A_1096 : vector<16xi32> to vector<16x1xi32>
        %gather3A_1098 = vector.shape_cast %broadcast_in_dim3A_1097 : vector<16x1xi32> to vector<16xi32>
        %gather3A_1099 = tpu.dynamic_gather %select_n3A_928[%gather3A_1098] in [0] : vector<16xf32>, vector<16xi32> -> vector<16xf32>
        %add3A_1100 = arith.addf %select_n3A_928, %gather3A_1099 : vector<16xf32>
        %lt3A_1101 = arith.constant 0 : i32
        %lt3A_1102 = vector.broadcast %lt3A_1101 : i32 to vector<16xi32>
        %lt3A_1103 = arith.cmpi slt, %xor3A_7, %lt3A_1102 : vector<16xi32>
        %add3A_1104 = arith.constant 16 : i32
        %add3A_1105 = vector.broadcast %add3A_1104 : i32 to vector<16xi32>
        %add3A_1106 = arith.addi %xor3A_7, %add3A_1105 : vector<16xi32>
        %select_n3A_1107 = arith.select %lt3A_1103, %add3A_1106, %xor3A_7 : vector<16xi1>, vector<16xi32>
        %broadcast_in_dim3A_1108 = vector.shape_cast %select_n3A_1107 : vector<16xi32> to vector<16x1xi32>
        %gather3A_1109 = vector.shape_cast %broadcast_in_dim3A_1108 : vector<16x1xi32> to vector<16xi32>
        %gather3A_1110 = tpu.dynamic_gather %select_n3A_951[%gather3A_1109] in [0] : vector<16xf32>, vector<16xi32> -> vector<16xf32>
        %add3A_1111 = arith.addf %select_n3A_951, %gather3A_1110 : vector<16xf32>
        %select_n3A_1112 = arith.select %ne3A_23, %add3A_1111, %add3A_1100 : vector<16xi1>, vector<16xf32>
        %lt3A_1113 = arith.constant 0 : i32
        %lt3A_1114 = vector.broadcast %lt3A_1113 : i32 to vector<16xi32>
        %lt3A_1115 = arith.cmpi slt, %xor3A_7, %lt3A_1114 : vector<16xi32>
        %add3A_1116 = arith.constant 16 : i32
        %add3A_1117 = vector.broadcast %add3A_1116 : i32 to vector<16xi32>
        %add3A_1118 = arith.addi %xor3A_7, %add3A_1117 : vector<16xi32>
        %select_n3A_1119 = arith.select %lt3A_1115, %add3A_1118, %xor3A_7 : vector<16xi1>, vector<16xi32>
        %broadcast_in_dim3A_1120 = vector.shape_cast %select_n3A_1119 : vector<16xi32> to vector<16x1xi32>
        %gather3A_1121 = vector.shape_cast %broadcast_in_dim3A_1120 : vector<16x1xi32> to vector<16xi32>
        %gather3A_1122 = tpu.dynamic_gather %select_n3A_974[%gather3A_1121] in [0] : vector<16xf32>, vector<16xi32> -> vector<16xf32>
        %add3A_1123 = arith.addf %select_n3A_974, %gather3A_1122 : vector<16xf32>
        %lt3A_1124 = arith.constant 0 : i32
        %lt3A_1125 = vector.broadcast %lt3A_1124 : i32 to vector<16xi32>
        %lt3A_1126 = arith.cmpi slt, %xor3A_7, %lt3A_1125 : vector<16xi32>
        %add3A_1127 = arith.constant 16 : i32
        %add3A_1128 = vector.broadcast %add3A_1127 : i32 to vector<16xi32>
        %add3A_1129 = arith.addi %xor3A_7, %add3A_1128 : vector<16xi32>
        %select_n3A_1130 = arith.select %lt3A_1126, %add3A_1129, %xor3A_7 : vector<16xi1>, vector<16xi32>
        %broadcast_in_dim3A_1131 = vector.shape_cast %select_n3A_1130 : vector<16xi32> to vector<16x1xi32>
        %gather3A_1132 = vector.shape_cast %broadcast_in_dim3A_1131 : vector<16x1xi32> to vector<16xi32>
        %gather3A_1133 = tpu.dynamic_gather %select_n3A_997[%gather3A_1132] in [0] : vector<16xf32>, vector<16xi32> -> vector<16xf32>
        %add3A_1134 = arith.addf %select_n3A_997, %gather3A_1133 : vector<16xf32>
        %select_n3A_1135 = arith.select %ne3A_23, %add3A_1134, %add3A_1123 : vector<16xi1>, vector<16xf32>
        %lt3A_1136 = arith.constant 0 : i32
        %lt3A_1137 = vector.broadcast %lt3A_1136 : i32 to vector<16xi32>
        %lt3A_1138 = arith.cmpi slt, %xor3A_7, %lt3A_1137 : vector<16xi32>
        %add3A_1139 = arith.constant 16 : i32
        %add3A_1140 = vector.broadcast %add3A_1139 : i32 to vector<16xi32>
        %add3A_1141 = arith.addi %xor3A_7, %add3A_1140 : vector<16xi32>
        %select_n3A_1142 = arith.select %lt3A_1138, %add3A_1141, %xor3A_7 : vector<16xi1>, vector<16xi32>
        %broadcast_in_dim3A_1143 = vector.shape_cast %select_n3A_1142 : vector<16xi32> to vector<16x1xi32>
        %gather3A_1144 = vector.shape_cast %broadcast_in_dim3A_1143 : vector<16x1xi32> to vector<16xi32>
        %gather3A_1145 = tpu.dynamic_gather %select_n3A_1020[%gather3A_1144] in [0] : vector<16xf32>, vector<16xi32> -> vector<16xf32>
        %add3A_1146 = arith.addf %select_n3A_1020, %gather3A_1145 : vector<16xf32>
        %lt3A_1147 = arith.constant 0 : i32
        %lt3A_1148 = vector.broadcast %lt3A_1147 : i32 to vector<16xi32>
        %lt3A_1149 = arith.cmpi slt, %xor3A_7, %lt3A_1148 : vector<16xi32>
        %add3A_1150 = arith.constant 16 : i32
        %add3A_1151 = vector.broadcast %add3A_1150 : i32 to vector<16xi32>
        %add3A_1152 = arith.addi %xor3A_7, %add3A_1151 : vector<16xi32>
        %select_n3A_1153 = arith.select %lt3A_1149, %add3A_1152, %xor3A_7 : vector<16xi1>, vector<16xi32>
        %broadcast_in_dim3A_1154 = vector.shape_cast %select_n3A_1153 : vector<16xi32> to vector<16x1xi32>
        %gather3A_1155 = vector.shape_cast %broadcast_in_dim3A_1154 : vector<16x1xi32> to vector<16xi32>
        %gather3A_1156 = tpu.dynamic_gather %select_n3A_1043[%gather3A_1155] in [0] : vector<16xf32>, vector<16xi32> -> vector<16xf32>
        %add3A_1157 = arith.addf %select_n3A_1043, %gather3A_1156 : vector<16xf32>
        %select_n3A_1158 = arith.select %ne3A_23, %add3A_1157, %add3A_1146 : vector<16xi1>, vector<16xf32>
        %lt3A_1159 = arith.constant 0 : i32
        %lt3A_1160 = vector.broadcast %lt3A_1159 : i32 to vector<16xi32>
        %lt3A_1161 = arith.cmpi slt, %xor3A_7, %lt3A_1160 : vector<16xi32>
        %add3A_1162 = arith.constant 16 : i32
        %add3A_1163 = vector.broadcast %add3A_1162 : i32 to vector<16xi32>
        %add3A_1164 = arith.addi %xor3A_7, %add3A_1163 : vector<16xi32>
        %select_n3A_1165 = arith.select %lt3A_1161, %add3A_1164, %xor3A_7 : vector<16xi1>, vector<16xi32>
        %broadcast_in_dim3A_1166 = vector.shape_cast %select_n3A_1165 : vector<16xi32> to vector<16x1xi32>
        %gather3A_1167 = vector.shape_cast %broadcast_in_dim3A_1166 : vector<16x1xi32> to vector<16xi32>
        %gather3A_1168 = tpu.dynamic_gather %select_n3A_1066[%gather3A_1167] in [0] : vector<16xf32>, vector<16xi32> -> vector<16xf32>
        %add3A_1169 = arith.addf %select_n3A_1066, %gather3A_1168 : vector<16xf32>
        %lt3A_1170 = arith.constant 0 : i32
        %lt3A_1171 = vector.broadcast %lt3A_1170 : i32 to vector<16xi32>
        %lt3A_1172 = arith.cmpi slt, %xor3A_7, %lt3A_1171 : vector<16xi32>
        %add3A_1173 = arith.constant 16 : i32
        %add3A_1174 = vector.broadcast %add3A_1173 : i32 to vector<16xi32>
        %add3A_1175 = arith.addi %xor3A_7, %add3A_1174 : vector<16xi32>
        %select_n3A_1176 = arith.select %lt3A_1172, %add3A_1175, %xor3A_7 : vector<16xi1>, vector<16xi32>
        %broadcast_in_dim3A_1177 = vector.shape_cast %select_n3A_1176 : vector<16xi32> to vector<16x1xi32>
        %gather3A_1178 = vector.shape_cast %broadcast_in_dim3A_1177 : vector<16x1xi32> to vector<16xi32>
        %gather3A_1179 = tpu.dynamic_gather %select_n3A_1089[%gather3A_1178] in [0] : vector<16xf32>, vector<16xi32> -> vector<16xf32>
        %add3A_1180 = arith.addf %select_n3A_1089, %gather3A_1179 : vector<16xf32>
        %select_n3A_1181 = arith.select %ne3A_23, %add3A_1180, %add3A_1169 : vector<16xi1>, vector<16xf32>
        %lt3A_1182 = arith.constant 0 : i32
        %lt3A_1183 = vector.broadcast %lt3A_1182 : i32 to vector<16xi32>
        %lt3A_1184 = arith.cmpi slt, %xor3A_10, %lt3A_1183 : vector<16xi32>
        %add3A_1185 = arith.constant 16 : i32
        %add3A_1186 = vector.broadcast %add3A_1185 : i32 to vector<16xi32>
        %add3A_1187 = arith.addi %xor3A_10, %add3A_1186 : vector<16xi32>
        %select_n3A_1188 = arith.select %lt3A_1184, %add3A_1187, %xor3A_10 : vector<16xi1>, vector<16xi32>
        %broadcast_in_dim3A_1189 = vector.shape_cast %select_n3A_1188 : vector<16xi32> to vector<16x1xi32>
        %gather3A_1190 = vector.shape_cast %broadcast_in_dim3A_1189 : vector<16x1xi32> to vector<16xi32>
        %gather3A_1191 = tpu.dynamic_gather %select_n3A_1112[%gather3A_1190] in [0] : vector<16xf32>, vector<16xi32> -> vector<16xf32>
        %add3A_1192 = arith.addf %select_n3A_1112, %gather3A_1191 : vector<16xf32>
        %lt3A_1193 = arith.constant 0 : i32
        %lt3A_1194 = vector.broadcast %lt3A_1193 : i32 to vector<16xi32>
        %lt3A_1195 = arith.cmpi slt, %xor3A_10, %lt3A_1194 : vector<16xi32>
        %add3A_1196 = arith.constant 16 : i32
        %add3A_1197 = vector.broadcast %add3A_1196 : i32 to vector<16xi32>
        %add3A_1198 = arith.addi %xor3A_10, %add3A_1197 : vector<16xi32>
        %select_n3A_1199 = arith.select %lt3A_1195, %add3A_1198, %xor3A_10 : vector<16xi1>, vector<16xi32>
        %broadcast_in_dim3A_1200 = vector.shape_cast %select_n3A_1199 : vector<16xi32> to vector<16x1xi32>
        %gather3A_1201 = vector.shape_cast %broadcast_in_dim3A_1200 : vector<16x1xi32> to vector<16xi32>
        %gather3A_1202 = tpu.dynamic_gather %select_n3A_1135[%gather3A_1201] in [0] : vector<16xf32>, vector<16xi32> -> vector<16xf32>
        %add3A_1203 = arith.addf %select_n3A_1135, %gather3A_1202 : vector<16xf32>
        %select_n3A_1204 = arith.select %ne3A_29, %add3A_1203, %add3A_1192 : vector<16xi1>, vector<16xf32>
        %lt3A_1205 = arith.constant 0 : i32
        %lt3A_1206 = vector.broadcast %lt3A_1205 : i32 to vector<16xi32>
        %lt3A_1207 = arith.cmpi slt, %xor3A_10, %lt3A_1206 : vector<16xi32>
        %add3A_1208 = arith.constant 16 : i32
        %add3A_1209 = vector.broadcast %add3A_1208 : i32 to vector<16xi32>
        %add3A_1210 = arith.addi %xor3A_10, %add3A_1209 : vector<16xi32>
        %select_n3A_1211 = arith.select %lt3A_1207, %add3A_1210, %xor3A_10 : vector<16xi1>, vector<16xi32>
        %broadcast_in_dim3A_1212 = vector.shape_cast %select_n3A_1211 : vector<16xi32> to vector<16x1xi32>
        %gather3A_1213 = vector.shape_cast %broadcast_in_dim3A_1212 : vector<16x1xi32> to vector<16xi32>
        %gather3A_1214 = tpu.dynamic_gather %select_n3A_1158[%gather3A_1213] in [0] : vector<16xf32>, vector<16xi32> -> vector<16xf32>
        %add3A_1215 = arith.addf %select_n3A_1158, %gather3A_1214 : vector<16xf32>
        %lt3A_1216 = arith.constant 0 : i32
        %lt3A_1217 = vector.broadcast %lt3A_1216 : i32 to vector<16xi32>
        %lt3A_1218 = arith.cmpi slt, %xor3A_10, %lt3A_1217 : vector<16xi32>
        %add3A_1219 = arith.constant 16 : i32
        %add3A_1220 = vector.broadcast %add3A_1219 : i32 to vector<16xi32>
        %add3A_1221 = arith.addi %xor3A_10, %add3A_1220 : vector<16xi32>
        %select_n3A_1222 = arith.select %lt3A_1218, %add3A_1221, %xor3A_10 : vector<16xi1>, vector<16xi32>
        %broadcast_in_dim3A_1223 = vector.shape_cast %select_n3A_1222 : vector<16xi32> to vector<16x1xi32>
        %gather3A_1224 = vector.shape_cast %broadcast_in_dim3A_1223 : vector<16x1xi32> to vector<16xi32>
        %gather3A_1225 = tpu.dynamic_gather %select_n3A_1181[%gather3A_1224] in [0] : vector<16xf32>, vector<16xi32> -> vector<16xf32>
        %add3A_1226 = arith.addf %select_n3A_1181, %gather3A_1225 : vector<16xf32>
        %select_n3A_1227 = arith.select %ne3A_29, %add3A_1226, %add3A_1215 : vector<16xi1>, vector<16xf32>
        %lt3A_1228 = arith.constant 0 : i32
        %lt3A_1229 = vector.broadcast %lt3A_1228 : i32 to vector<16xi32>
        %lt3A_1230 = arith.cmpi slt, %xor3A_13, %lt3A_1229 : vector<16xi32>
        %add3A_1231 = arith.constant 16 : i32
        %add3A_1232 = vector.broadcast %add3A_1231 : i32 to vector<16xi32>
        %add3A_1233 = arith.addi %xor3A_13, %add3A_1232 : vector<16xi32>
        %select_n3A_1234 = arith.select %lt3A_1230, %add3A_1233, %xor3A_13 : vector<16xi1>, vector<16xi32>
        %broadcast_in_dim3A_1235 = vector.shape_cast %select_n3A_1234 : vector<16xi32> to vector<16x1xi32>
        %gather3A_1236 = vector.shape_cast %broadcast_in_dim3A_1235 : vector<16x1xi32> to vector<16xi32>
        %gather3A_1237 = tpu.dynamic_gather %select_n3A_1204[%gather3A_1236] in [0] : vector<16xf32>, vector<16xi32> -> vector<16xf32>
        %add3A_1238 = arith.addf %select_n3A_1204, %gather3A_1237 : vector<16xf32>
        %lt3A_1239 = arith.constant 0 : i32
        %lt3A_1240 = vector.broadcast %lt3A_1239 : i32 to vector<16xi32>
        %lt3A_1241 = arith.cmpi slt, %xor3A_13, %lt3A_1240 : vector<16xi32>
        %add3A_1242 = arith.constant 16 : i32
        %add3A_1243 = vector.broadcast %add3A_1242 : i32 to vector<16xi32>
        %add3A_1244 = arith.addi %xor3A_13, %add3A_1243 : vector<16xi32>
        %select_n3A_1245 = arith.select %lt3A_1241, %add3A_1244, %xor3A_13 : vector<16xi1>, vector<16xi32>
        %broadcast_in_dim3A_1246 = vector.shape_cast %select_n3A_1245 : vector<16xi32> to vector<16x1xi32>
        %gather3A_1247 = vector.shape_cast %broadcast_in_dim3A_1246 : vector<16x1xi32> to vector<16xi32>
        %gather3A_1248 = tpu.dynamic_gather %select_n3A_1227[%gather3A_1247] in [0] : vector<16xf32>, vector<16xi32> -> vector<16xf32>
        %add3A_1249 = arith.addf %select_n3A_1227, %gather3A_1248 : vector<16xf32>
        %select_n3A_1250 = arith.select %ne3A_35, %add3A_1249, %add3A_1238 : vector<16xi1>, vector<16xf32>
        %mul3A_1251 = arith.constant 200 : i32
        %mul3A_1252 = arith.muli %select_n3A_253, %mul3A_1251 : i32
        %add3A_1253 = arith.addi %mul3A_1252, %select_n3A_468 : i32
        %swap3A = arith.index_cast %add3A_1253 : i32 to index
        %swap3A_1254 = tpu.vector_load %arg9[%swap3A] {strides = array<i32>} : memref<800xf32, #tpu.memory_space<vmem>>, vector<16xf32>,
        tpu.vector_store %arg9[%swap3A], %select_n3A_1250 {strides = array<i32>} : memref<800xf32, #tpu.memory_space<vmem>>, vector<16xf32>,
      }
      %scan3A_332 = arith.constant 13 : i32
      %mul3A_333 = arith.constant 200 : i32
      %mul3A_334 = arith.muli %select_n3A_253, %mul3A_333 : i32
      %add3A_335 = arith.addi %mul3A_2, %add3A_242 : i32
      %mul3A_336 = arith.constant 200 : i32
      %mul3A_337 = arith.muli %add3A_335, %mul3A_336 : i32
      %dma_start3A_338 = tpu.memref_slice %arg9[%mul3A_334] : memref<800xf32, #tpu.memory_space<vmem>> -> memref<200xf32, #tpu.memory_space<vmem>>
      %dma_start3A_339 = tpu.memref_slice %arg5[%mul3A_337] : memref<3276800xf32, #tpu.memory_space<hbm>> -> memref<200xf32, #tpu.memory_space<hbm>>
      %dma_start3A_340 = tpu.memref_slice %arg13[%select_n3A_253] : memref<4x!tpu.dma_semaphore, #tpu.memory_space<semaphore_mem>> -> memref<1x!tpu.dma_semaphore, #tpu.memory_space<semaphore_mem>>
      %dma_start3A_341 = tpu.memref_squeeze %dma_start3A_340 : memref<1x!tpu.dma_semaphore, #tpu.memory_space<semaphore_mem>> -> memref<!tpu.dma_semaphore, #tpu.memory_space<semaphore_mem>>
      %dma_start3A_342 = tpu.memref_slice %arg5[%mul3A_337] : memref<3276800xf32, #tpu.memory_space<hbm>> -> memref<200xf32, #tpu.memory_space<hbm>>
      %dma_start3A_343 = tpu.memref_slice %arg9[%mul3A_334] : memref<800xf32, #tpu.memory_space<vmem>> -> memref<200xf32, #tpu.memory_space<vmem>>
      tpu.enqueue_dma source(%dma_start3A_343 : memref<200xf32, #tpu.memory_space<vmem>>) target(%dma_start3A_342 : memref<200xf32, #tpu.memory_space<hbm>>) target_semaphore(%dma_start3A_341 : memref<!tpu.dma_semaphore, #tpu.memory_space<semaphore_mem>>)
      %add3A_344 = arith.constant 1 : i32
      %add3A_345 = arith.addi %add3A_242, %add3A_344 : i32
      %add3A_346 = arith.constant 1 : i32
      %add3A_347 = arith.addi %add3A_242, %add3A_346 : i32
      %jit3A_348 = arith.constant 4 : i32
      %eq3A_349 = arith.constant 0 : i32
      %eq3A_350 = arith.cmpi eq, %jit3A_348, %eq3A_349 : i32
      %jit3A_351 = arith.constant 1 : i32
      %select_n3A_352 = arith.select %eq3A_350, %jit3A_351, %jit3A_348 : i32
      %rem3A_353 = arith.remsi %add3A_347, %select_n3A_352 : i32
      %ne3A_354 = arith.constant 0 : i32
      %ne3A_355 = arith.cmpi ne, %rem3A_353, %ne3A_354 : i32
      %lt3A_356 = arith.constant 0 : i32
      %lt3A_357 = arith.cmpi slt, %rem3A_353, %lt3A_356 : i32
      %lt3A_358 = arith.constant 0 : i32
      %lt3A_359 = arith.cmpi slt, %select_n3A_352, %lt3A_358 : i32
      %ne3A_360 = arith.xori %lt3A_357, %lt3A_359 : i1
      %and3A_361 = arith.andi %ne3A_360, %ne3A_355 : i1
      %add3A_362 = arith.addi %rem3A_353, %select_n3A_352 : i32
      %select_n3A_363 = arith.select %and3A_361, %add3A_362, %rem3A_353 : i32
      %lt3A_364 = arith.constant 510 : i32
      %lt3A_365 = arith.cmpi slt, %add3A_345, %lt3A_364 : i32
      %convert_element_type3A_366 = arith.extui %lt3A_365 : i1 to i32
      %cond3A_367 = arith.constant 0 : i32
      %cond3A_368 = arith.cmpi ne, %convert_element_type3A_366, %cond3A_367 : i32
      scf.if %cond3A_368 {
        %add3A_458 = arith.constant 2 : i32
        %add3A_459 = arith.addi %select_n3A_363, %add3A_458 : i32
        %jit3A_460 = arith.constant 4 : i32
        %eq3A_461 = arith.constant 0 : i32
        %eq3A_462 = arith.cmpi eq, %jit3A_460, %eq3A_461 : i32
        %jit3A_463 = arith.constant 1 : i32
        %select_n3A_464 = arith.select %eq3A_462, %jit3A_463, %jit3A_460 : i32
        %rem3A_465 = arith.remsi %add3A_459, %select_n3A_464 : i32
        %ne3A_466 = arith.constant 0 : i32
        %ne3A_467 = arith.cmpi ne, %rem3A_465, %ne3A_466 : i32
        %lt3A_468 = arith.constant 0 : i32
        %lt3A_469 = arith.cmpi slt, %rem3A_465, %lt3A_468 : i32
        %lt3A_470 = arith.constant 0 : i32
        %lt3A_471 = arith.cmpi slt, %select_n3A_464, %lt3A_470 : i32
        %ne3A_472 = arith.xori %lt3A_469, %lt3A_471 : i1
        %and3A_473 = arith.andi %ne3A_472, %ne3A_467 : i1
        %add3A_474 = arith.addi %rem3A_465, %select_n3A_464 : i32
        %select_n3A_475 = arith.select %and3A_473, %add3A_474, %rem3A_465 : i32
        %add3A_476 = arith.constant 2 : i32
        %add3A_477 = arith.addi %add3A_345, %add3A_476 : i32
        %add3A_478 = arith.addi %mul3A_2, %add3A_477 : i32
        %mul3A_479 = arith.constant 200 : i32
        %mul3A_480 = arith.muli %add3A_478, %mul3A_479 : i32
        %mul3A_481 = arith.constant 208 : i32
        %mul3A_482 = arith.muli %select_n3A_475, %mul3A_481 : i32
        %dma_wait3A_483 = tpu.memref_slice %arg6[%mul3A_482] : memref<832xi32, #tpu.memory_space<vmem>> -> memref<200xi32, #tpu.memory_space<vmem>>
        %dma_wait3A_484 = tpu.memref_slice %arg3[%mul3A_480] : memref<3276800xi32, #tpu.memory_space<hbm>> -> memref<200xi32, #tpu.memory_space<hbm>>
        %dma_wait3A_485 = tpu.memref_slice %arg10[%select_n3A_475] : memref<4x!tpu.dma_semaphore, #tpu.memory_space<semaphore_mem>> -> memref<1x!tpu.dma_semaphore, #tpu.memory_space<semaphore_mem>>
        %dma_wait3A_486 = tpu.memref_squeeze %dma_wait3A_485 : memref<1x!tpu.dma_semaphore, #tpu.memory_space<semaphore_mem>> -> memref<!tpu.dma_semaphore, #tpu.memory_space<semaphore_mem>>
        %dma_wait3A_487 = tpu.memref_slice %arg6[%mul3A_482] : memref<832xi32, #tpu.memory_space<vmem>> -> memref<200xi32, #tpu.memory_space<vmem>>
        %dma_wait3A_488 = tpu.memref_slice %arg3[%mul3A_480] : memref<3276800xi32, #tpu.memory_space<hbm>> -> memref<200xi32, #tpu.memory_space<hbm>>
        tpu.wait_dma2 semaphore(%dma_wait3A_486 : memref<!tpu.dma_semaphore, #tpu.memory_space<semaphore_mem>>) src(%dma_wait3A_488 : memref<200xi32, #tpu.memory_space<hbm>>) dst(%dma_wait3A_487 : memref<200xi32, #tpu.memory_space<vmem>>)
        %add3A_489 = arith.constant 2 : i32
        %add3A_490 = arith.addi %add3A_345, %add3A_489 : i32
        %mul3A_491 = arith.constant 208 : i32
        %mul3A_492 = arith.muli %select_n3A_475, %mul3A_491 : i32
        %add3A_493 = arith.constant 0 : i32
        %add3A_494 = arith.addi %mul3A_492, %add3A_493 : i32
        %mul3A_495 = arith.constant 208 : i32
        %mul3A_496 = arith.muli %select_n3A_475, %mul3A_495 : i32
        %add3A_497 = arith.constant 0 : i32
        %add3A_498 = arith.addi %mul3A_496, %add3A_497 : i32
        %mul3A_499 = arith.constant 208 : i32
        %mul3A_500 = arith.muli %select_n3A_475, %mul3A_499 : i32
        %add3A_501 = arith.constant 96 : i32
        %add3A_502 = arith.addi %mul3A_500, %add3A_501 : i32
        %mul3A_503 = arith.constant 208 : i32
        %mul3A_504 = arith.muli %select_n3A_475, %mul3A_503 : i32
        %add3A_505 = arith.constant 104 : i32
        %add3A_506 = arith.addi %mul3A_504, %add3A_505 : i32
        %dma_start3A_507 = arith.constant 0 : i32
        %dma_start3A_508 = tpu.memref_slice %arg7[%add3A_498, %dma_start3A_507] : memref<832x64xf32, #tpu.memory_space<vmem>> -> memref<104x64xf32, #tpu.memory_space<vmem>>
        %dma_start3A_509 = tpu.memref_slice %arg6[%add3A_494] : memref<832xi32, #tpu.memory_space<vmem>> -> memref<104xi32, #tpu.memory_space<vmem>>
        %dma_start3A_510 = arith.constant 0 : i32
        %dma_start3A_511 = arith.constant 0 : i32
        %dma_start3A_512 = tpu.memref_slice %arg4[%dma_start3A_510, %dma_start3A_511] : memref<1000000x64xf32, #tpu.memory_space<hbm>> -> memref<1000000x64xf32, #tpu.memory_space<hbm>>
        %dma_start3A_513 = tpu.memref_slice %arg11[%select_n3A_475] : memref<4x!tpu.dma_semaphore, #tpu.memory_space<semaphore_mem>> -> memref<1x!tpu.dma_semaphore, #tpu.memory_space<semaphore_mem>>
        %dma_start3A_514 = tpu.memref_squeeze %dma_start3A_513 : memref<1x!tpu.dma_semaphore, #tpu.memory_space<semaphore_mem>> -> memref<!tpu.dma_semaphore, #tpu.memory_space<semaphore_mem>>
        tpu.enqueue_indirect_dma source(%dma_start3A_512 : memref<1000000x64xf32, #tpu.memory_space<hbm>>) target(%dma_start3A_508 : memref<104x64xf32, #tpu.memory_space<vmem>>) offsets(%dma_start3A_509 : memref<104xi32, #tpu.memory_space<vmem>>) semaphore(%dma_start3A_514 : memref<!tpu.dma_semaphore, #tpu.memory_space<semaphore_mem>>)
        %dma_start3A_515 = arith.constant 0 : i32
        %dma_start3A_516 = tpu.memref_slice %arg7[%add3A_506, %dma_start3A_515] : memref<832x64xf32, #tpu.memory_space<vmem>> -> memref<104x64xf32, #tpu.memory_space<vmem>>
        %dma_start3A_517 = tpu.memref_slice %arg6[%add3A_502] : memref<832xi32, #tpu.memory_space<vmem>> -> memref<104xi32, #tpu.memory_space<vmem>>
        %dma_start3A_518 = arith.constant 0 : i32
        %dma_start3A_519 = arith.constant 0 : i32
        %dma_start3A_520 = tpu.memref_slice %arg4[%dma_start3A_518, %dma_start3A_519] : memref<1000000x64xf32, #tpu.memory_space<hbm>> -> memref<1000000x64xf32, #tpu.memory_space<hbm>>
        %dma_start3A_521 = tpu.memref_slice %arg11[%select_n3A_475] : memref<4x!tpu.dma_semaphore, #tpu.memory_space<semaphore_mem>> -> memref<1x!tpu.dma_semaphore, #tpu.memory_space<semaphore_mem>>
        %dma_start3A_522 = tpu.memref_squeeze %dma_start3A_521 : memref<1x!tpu.dma_semaphore, #tpu.memory_space<semaphore_mem>> -> memref<!tpu.dma_semaphore, #tpu.memory_space<semaphore_mem>>
        tpu.enqueue_indirect_dma source(%dma_start3A_520 : memref<1000000x64xf32, #tpu.memory_space<hbm>>) target(%dma_start3A_516 : memref<104x64xf32, #tpu.memory_space<vmem>>) offsets(%dma_start3A_517 : memref<104xi32, #tpu.memory_space<vmem>>) semaphore(%dma_start3A_522 : memref<!tpu.dma_semaphore, #tpu.memory_space<semaphore_mem>>)
        %add3A_523 = arith.constant 2 : i32
        %add3A_524 = arith.addi %add3A_345, %add3A_523 : i32
        %add3A_525 = arith.addi %mul3A_2, %add3A_524 : i32
        %mul3A_526 = arith.constant 64 : i32
        %mul3A_527 = arith.muli %add3A_525, %mul3A_526 : i32
        %mul3A_528 = arith.constant 64 : i32
        %mul3A_529 = arith.muli %select_n3A_475, %mul3A_528 : i32
        %dma_start3A_530 = tpu.memref_slice %arg8[%mul3A_529] : memref<256xf32, #tpu.memory_space<vmem>> -> memref<64xf32, #tpu.memory_space<vmem>>
        %dma_start3A_531 = tpu.memref_slice %arg2[%mul3A_527] : memref<1048576xf32, #tpu.memory_space<hbm>> -> memref<64xf32, #tpu.memory_space<hbm>>
        %dma_start3A_532 = tpu.memref_slice %arg12[%select_n3A_475] : memref<4x!tpu.dma_semaphore, #tpu.memory_space<semaphore_mem>> -> memref<1x!tpu.dma_semaphore, #tpu.memory_space<semaphore_mem>>
        %dma_start3A_533 = tpu.memref_squeeze %dma_start3A_532 : memref<1x!tpu.dma_semaphore, #tpu.memory_space<semaphore_mem>> -> memref<!tpu.dma_semaphore, #tpu.memory_space<semaphore_mem>>
        %dma_start3A_534 = tpu.memref_slice %arg8[%mul3A_529] : memref<256xf32, #tpu.memory_space<vmem>> -> memref<64xf32, #tpu.memory_space<vmem>>
        %dma_start3A_535 = tpu.memref_slice %arg2[%mul3A_527] : memref<1048576xf32, #tpu.memory_space<hbm>> -> memref<64xf32, #tpu.memory_space<hbm>>
        tpu.enqueue_dma source(%dma_start3A_535 : memref<64xf32, #tpu.memory_space<hbm>>) target(%dma_start3A_534 : memref<64xf32, #tpu.memory_space<vmem>>) target_semaphore(%dma_start3A_533 : memref<!tpu.dma_semaphore, #tpu.memory_space<semaphore_mem>>)
      } else {
      }
      %ge3A_369 = arith.constant 4 : i32
      %ge3A_370 = arith.cmpi sge, %add3A_345, %ge3A_369 : i32
      %convert_element_type3A_371 = arith.extui %ge3A_370 : i1 to i32
      %cond3A_372 = arith.constant 0 : i32
      %cond3A_373 = arith.cmpi ne, %convert_element_type3A_371, %cond3A_372 : i32
      scf.if %cond3A_373 {
        %mul3A_458 = arith.constant 200 : i32
        %mul3A_459 = arith.muli %select_n3A_363, %mul3A_458 : i32
        %add3A_460 = arith.addi %mul3A_2, %add3A_345 : i32
        %mul3A_461 = arith.constant 200 : i32
        %mul3A_462 = arith.muli %add3A_460, %mul3A_461 : i32
        %dma_wait3A_463 = tpu.memref_slice %arg9[%mul3A_459] : memref<800xf32, #tpu.memory_space<vmem>> -> memref<200xf32, #tpu.memory_space<vmem>>
        %dma_wait3A_464 = tpu.memref_slice %arg5[%mul3A_462] : memref<3276800xf32, #tpu.memory_space<hbm>> -> memref<200xf32, #tpu.memory_space<hbm>>
        %dma_wait3A_465 = tpu.memref_slice %arg13[%select_n3A_363] : memref<4x!tpu.dma_semaphore, #tpu.memory_space<semaphore_mem>> -> memref<1x!tpu.dma_semaphore, #tpu.memory_space<semaphore_mem>>
        %dma_wait3A_466 = tpu.memref_squeeze %dma_wait3A_465 : memref<1x!tpu.dma_semaphore, #tpu.memory_space<semaphore_mem>> -> memref<!tpu.dma_semaphore, #tpu.memory_space<semaphore_mem>>
        %dma_wait3A_467 = tpu.memref_slice %arg5[%mul3A_462] : memref<3276800xf32, #tpu.memory_space<hbm>> -> memref<200xf32, #tpu.memory_space<hbm>>
        %dma_wait3A_468 = tpu.memref_slice %arg9[%mul3A_459] : memref<800xf32, #tpu.memory_space<vmem>> -> memref<200xf32, #tpu.memory_space<vmem>>
        tpu.wait_dma2 semaphore(%dma_wait3A_466 : memref<!tpu.dma_semaphore, #tpu.memory_space<semaphore_mem>>) src(%dma_wait3A_468 : memref<200xf32, #tpu.memory_space<vmem>>) dst(%dma_wait3A_467 : memref<200xf32, #tpu.memory_space<hbm>>)
      } else {
      }
      %mul3A_374 = arith.constant 208 : i32
      %mul3A_375 = arith.muli %select_n3A_363, %mul3A_374 : i32
      %add3A_376 = arith.constant 0 : i32
      %add3A_377 = arith.addi %mul3A_375, %add3A_376 : i32
      %mul3A_378 = arith.constant 208 : i32
      %mul3A_379 = arith.muli %select_n3A_363, %mul3A_378 : i32
      %add3A_380 = arith.constant 0 : i32
      %add3A_381 = arith.addi %mul3A_379, %add3A_380 : i32
      %mul3A_382 = arith.constant 208 : i32
      %mul3A_383 = arith.muli %select_n3A_363, %mul3A_382 : i32
      %add3A_384 = arith.constant 96 : i32
      %add3A_385 = arith.addi %mul3A_383, %add3A_384 : i32
      %mul3A_386 = arith.constant 208 : i32
      %mul3A_387 = arith.muli %select_n3A_363, %mul3A_386 : i32
      %add3A_388 = arith.constant 104 : i32
      %add3A_389 = arith.addi %mul3A_387, %add3A_388 : i32
      %dma_wait3A_390 = arith.constant 0 : i32
      %dma_wait3A_391 = tpu.memref_slice %arg7[%add3A_381, %dma_wait3A_390] : memref<832x64xf32, #tpu.memory_space<vmem>> -> memref<104x64xf32, #tpu.memory_space<vmem>>
      %dma_wait3A_392 = tpu.memref_slice %arg6[%add3A_377] : memref<832xi32, #tpu.memory_space<vmem>> -> memref<104xi32, #tpu.memory_space<vmem>>
      %dma_wait3A_393 = arith.constant 0 : i32
      %dma_wait3A_394 = arith.constant 0 : i32
      %dma_wait3A_395 = tpu.memref_slice %arg4[%dma_wait3A_393, %dma_wait3A_394] : memref<1000000x64xf32, #tpu.memory_space<hbm>> -> memref<1000000x64xf32, #tpu.memory_space<hbm>>
      %dma_wait3A_396 = tpu.memref_slice %arg11[%select_n3A_363] : memref<4x!tpu.dma_semaphore, #tpu.memory_space<semaphore_mem>> -> memref<1x!tpu.dma_semaphore, #tpu.memory_space<semaphore_mem>>
      %dma_wait3A_397 = tpu.memref_squeeze %dma_wait3A_396 : memref<1x!tpu.dma_semaphore, #tpu.memory_space<semaphore_mem>> -> memref<!tpu.dma_semaphore, #tpu.memory_space<semaphore_mem>>
      tpu.wait_indirect_dma semaphore(%dma_wait3A_397 : memref<!tpu.dma_semaphore, #tpu.memory_space<semaphore_mem>>) src(%dma_wait3A_395 : memref<1000000x64xf32, #tpu.memory_space<hbm>>) dst(%dma_wait3A_391 : memref<104x64xf32, #tpu.memory_space<vmem>>)
      %dma_wait3A_398 = arith.constant 0 : i32
      %dma_wait3A_399 = tpu.memref_slice %arg7[%add3A_389, %dma_wait3A_398] : memref<832x64xf32, #tpu.memory_space<vmem>> -> memref<104x64xf32, #tpu.memory_space<vmem>>
      %dma_wait3A_400 = tpu.memref_slice %arg6[%add3A_385] : memref<832xi32, #tpu.memory_space<vmem>> -> memref<104xi32, #tpu.memory_space<vmem>>
      %dma_wait3A_401 = arith.constant 0 : i32
      %dma_wait3A_402 = arith.constant 0 : i32
      %dma_wait3A_403 = tpu.memref_slice %arg4[%dma_wait3A_401, %dma_wait3A_402] : memref<1000000x64xf32, #tpu.memory_space<hbm>> -> memref<1000000x64xf32, #tpu.memory_space<hbm>>
      %dma_wait3A_404 = tpu.memref_slice %arg11[%select_n3A_363] : memref<4x!tpu.dma_semaphore, #tpu.memory_space<semaphore_mem>> -> memref<1x!tpu.dma_semaphore, #tpu.memory_space<semaphore_mem>>
      %dma_wait3A_405 = tpu.memref_squeeze %dma_wait3A_404 : memref<1x!tpu.dma_semaphore, #tpu.memory_space<semaphore_mem>> -> memref<!tpu.dma_semaphore, #tpu.memory_space<semaphore_mem>>
      tpu.wait_indirect_dma semaphore(%dma_wait3A_405 : memref<!tpu.dma_semaphore, #tpu.memory_space<semaphore_mem>>) src(%dma_wait3A_403 : memref<1000000x64xf32, #tpu.memory_space<hbm>>) dst(%dma_wait3A_399 : memref<104x64xf32, #tpu.memory_space<vmem>>)
      %add3A_406 = arith.addi %mul3A_2, %add3A_345 : i32
      %mul3A_407 = arith.constant 64 : i32
      %mul3A_408 = arith.muli %add3A_406, %mul3A_407 : i32
      %mul3A_409 = arith.constant 64 : i32
      %mul3A_410 = arith.muli %select_n3A_363, %mul3A_409 : i32
      %dma_wait3A_411 = tpu.memref_slice %arg8[%mul3A_410] : memref<256xf32, #tpu.memory_space<vmem>> -> memref<64xf32, #tpu.memory_space<vmem>>
      %dma_wait3A_412 = tpu.memref_slice %arg2[%mul3A_408] : memref<1048576xf32, #tpu.memory_space<hbm>> -> memref<64xf32, #tpu.memory_space<hbm>>
      %dma_wait3A_413 = tpu.memref_slice %arg12[%select_n3A_363] : memref<4x!tpu.dma_semaphore, #tpu.memory_space<semaphore_mem>> -> memref<1x!tpu.dma_semaphore, #tpu.memory_space<semaphore_mem>>
      %dma_wait3A_414 = tpu.memref_squeeze %dma_wait3A_413 : memref<1x!tpu.dma_semaphore, #tpu.memory_space<semaphore_mem>> -> memref<!tpu.dma_semaphore, #tpu.memory_space<semaphore_mem>>
      %dma_wait3A_415 = tpu.memref_slice %arg8[%mul3A_410] : memref<256xf32, #tpu.memory_space<vmem>> -> memref<64xf32, #tpu.memory_space<vmem>>
      %dma_wait3A_416 = tpu.memref_slice %arg2[%mul3A_408] : memref<1048576xf32, #tpu.memory_space<hbm>> -> memref<64xf32, #tpu.memory_space<hbm>>
      tpu.wait_dma2 semaphore(%dma_wait3A_414 : memref<!tpu.dma_semaphore, #tpu.memory_space<semaphore_mem>>) src(%dma_wait3A_416 : memref<64xf32, #tpu.memory_space<hbm>>) dst(%dma_wait3A_415 : memref<64xf32, #tpu.memory_space<vmem>>)
      %lt3A_417 = arith.constant 508 : i32
      %lt3A_418 = arith.cmpi slt, %add3A_345, %lt3A_417 : i32
      %convert_element_type3A_419 = arith.extui %lt3A_418 : i1 to i32
      %cond3A_420 = arith.constant 0 : i32
      %cond3A_421 = arith.cmpi ne, %convert_element_type3A_419, %cond3A_420 : i32
      scf.if %cond3A_421 {
        %add3A_458 = arith.constant 4 : i32
        %add3A_459 = arith.addi %add3A_345, %add3A_458 : i32
        %add3A_460 = arith.addi %mul3A_2, %add3A_459 : i32
        %mul3A_461 = arith.constant 200 : i32
        %mul3A_462 = arith.muli %add3A_460, %mul3A_461 : i32
        %mul3A_463 = arith.constant 208 : i32
        %mul3A_464 = arith.muli %select_n3A_363, %mul3A_463 : i32
        %dma_start3A_465 = tpu.memref_slice %arg6[%mul3A_464] : memref<832xi32, #tpu.memory_space<vmem>> -> memref<200xi32, #tpu.memory_space<vmem>>
        %dma_start3A_466 = tpu.memref_slice %arg3[%mul3A_462] : memref<3276800xi32, #tpu.memory_space<hbm>> -> memref<200xi32, #tpu.memory_space<hbm>>
        %dma_start3A_467 = tpu.memref_slice %arg10[%select_n3A_363] : memref<4x!tpu.dma_semaphore, #tpu.memory_space<semaphore_mem>> -> memref<1x!tpu.dma_semaphore, #tpu.memory_space<semaphore_mem>>
        %dma_start3A_468 = tpu.memref_squeeze %dma_start3A_467 : memref<1x!tpu.dma_semaphore, #tpu.memory_space<semaphore_mem>> -> memref<!tpu.dma_semaphore, #tpu.memory_space<semaphore_mem>>
        %dma_start3A_469 = tpu.memref_slice %arg6[%mul3A_464] : memref<832xi32, #tpu.memory_space<vmem>> -> memref<200xi32, #tpu.memory_space<vmem>>
        %dma_start3A_470 = tpu.memref_slice %arg3[%mul3A_462] : memref<3276800xi32, #tpu.memory_space<hbm>> -> memref<200xi32, #tpu.memory_space<hbm>>
        tpu.enqueue_dma source(%dma_start3A_470 : memref<200xi32, #tpu.memory_space<hbm>>) target(%dma_start3A_469 : memref<200xi32, #tpu.memory_space<vmem>>) target_semaphore(%dma_start3A_468 : memref<!tpu.dma_semaphore, #tpu.memory_space<semaphore_mem>>)
      } else {
      }
      %mul3A_422 = arith.constant 208 : i32
      %mul3A_423 = arith.muli %select_n3A_363, %mul3A_422 : i32
      %mul3A_424 = arith.constant 64 : i32
      %mul3A_425 = arith.muli %select_n3A_363, %mul3A_424 : i32
      %add3A_426 = arith.constant 0 : i32
      %add3A_427 = arith.addi %mul3A_425, %add3A_426 : i32
      %get3A_428 = arith.index_cast %add3A_427 : i32 to index
      %get3A_429 = tpu.vector_load %arg8[%get3A_428] {strides = array<i32>} : memref<256xf32, #tpu.memory_space<vmem>>, vector<16xf32>,
      %add3A_430 = arith.constant 16 : i32
      %add3A_431 = arith.addi %mul3A_425, %add3A_430 : i32
      %get3A_432 = arith.index_cast %add3A_431 : i32 to index
      %get3A_433 = tpu.vector_load %arg8[%get3A_432] {strides = array<i32>} : memref<256xf32, #tpu.memory_space<vmem>>, vector<16xf32>,
      %add3A_434 = arith.constant 32 : i32
      %add3A_435 = arith.addi %mul3A_425, %add3A_434 : i32
      %get3A_436 = arith.index_cast %add3A_435 : i32 to index
      %get3A_437 = tpu.vector_load %arg8[%get3A_436] {strides = array<i32>} : memref<256xf32, #tpu.memory_space<vmem>>, vector<16xf32>,
      %add3A_438 = arith.constant 48 : i32
      %add3A_439 = arith.addi %mul3A_425, %add3A_438 : i32
      %get3A_440 = arith.index_cast %add3A_439 : i32 to index
      %get3A_441 = tpu.vector_load %arg8[%get3A_440] {strides = array<i32>} : memref<256xf32, #tpu.memory_space<vmem>>, vector<16xf32>,
      %scan3A_442 = arith.constant 0 : i32
      %scan3A_443 = arith.constant 13 : i32
      %scan3A_444 = arith.addi %scan3A_442, %scan3A_443 : i32
      %scan3A_445 = arith.constant 1 : i32
      scf.for %scan3A_458 = %scan3A_442 to %scan3A_444 step %scan3A_445  : i32 {
        %mul3A_459 = arith.constant 1 : i32
        %mul3A_460 = arith.muli %scan3A_458, %mul3A_459 : i32
        %add3A_461 = arith.constant 0 : i32
        %add3A_462 = arith.addi %add3A_461, %mul3A_460 : i32
        %lt3A_463 = arith.constant 12 : i32
        %lt3A_464 = arith.cmpi slt, %add3A_462, %lt3A_463 : i32
        %mul3A_465 = arith.constant 16 : i32
        %mul3A_466 = arith.muli %add3A_462, %mul3A_465 : i32
        %jit3A_467 = arith.constant 184 : i32
        %select_n3A_468 = arith.select %lt3A_464, %mul3A_466, %jit3A_467 : i32
        %add3A_469 = arith.addi %mul3A_423, %select_n3A_468 : i32
        %ge3A_470 = arith.constant 96 : i32
        %ge3A_471 = arith.cmpi sge, %select_n3A_468, %ge3A_470 : i32
        %jit3A_472 = arith.constant 8 : i32
        %jit3A_473 = arith.constant 0 : i32
        %select_n3A_474 = arith.select %ge3A_471, %jit3A_472, %jit3A_473 : i32
        %add3A_475 = arith.addi %add3A_469, %select_n3A_474 : i32
        %add3A_476 = arith.constant 0 : i32
        %add3A_477 = arith.addi %add3A_475, %add3A_476 : i32
        %get3A_478 = arith.index_cast %add3A_477 : i32 to index
        %get3A_479 = arith.constant 0 : index
        %get3A_480 = tpu.vector_load %arg7[%get3A_478, %get3A_479] {strides = array<i32>} : memref<832x64xf32, #tpu.memory_space<vmem>>, vector<16xf32>,
        %add3A_481 = arith.constant 0 : i32
        %add3A_482 = arith.addi %add3A_475, %add3A_481 : i32
        %get3A_483 = arith.index_cast %add3A_482 : i32 to index
        %get3A_484 = arith.constant 16 : index
        %get3A_485 = tpu.vector_load %arg7[%get3A_483, %get3A_484] {strides = array<i32>} : memref<832x64xf32, #tpu.memory_space<vmem>>, vector<16xf32>,
        %add3A_486 = arith.constant 0 : i32
        %add3A_487 = arith.addi %add3A_475, %add3A_486 : i32
        %get3A_488 = arith.index_cast %add3A_487 : i32 to index
        %get3A_489 = arith.constant 32 : index
        %get3A_490 = tpu.vector_load %arg7[%get3A_488, %get3A_489] {strides = array<i32>} : memref<832x64xf32, #tpu.memory_space<vmem>>, vector<16xf32>,
        %add3A_491 = arith.constant 0 : i32
        %add3A_492 = arith.addi %add3A_475, %add3A_491 : i32
        %get3A_493 = arith.index_cast %add3A_492 : i32 to index
        %get3A_494 = arith.constant 48 : index
        %get3A_495 = tpu.vector_load %arg7[%get3A_493, %get3A_494] {strides = array<i32>} : memref<832x64xf32, #tpu.memory_space<vmem>>, vector<16xf32>,
        %mul3A_496 = arith.mulf %get3A_480, %get3A_429 : vector<16xf32>
        %mul3A_497 = arith.mulf %get3A_485, %get3A_433 : vector<16xf32>
        %add3A_498 = arith.addf %mul3A_496, %mul3A_497 : vector<16xf32>
        %mul3A_499 = arith.mulf %get3A_490, %get3A_437 : vector<16xf32>
        %mul3A_500 = arith.mulf %get3A_495, %get3A_441 : vector<16xf32>
        %add3A_501 = arith.addf %mul3A_499, %mul3A_500 : vector<16xf32>
        %add3A_502 = arith.addf %add3A_498, %add3A_501 : vector<16xf32>
        %add3A_503 = arith.constant 1 : i32
        %add3A_504 = arith.addi %add3A_475, %add3A_503 : i32
        %get3A_505 = arith.index_cast %add3A_504 : i32 to index
        %get3A_506 = arith.constant 0 : index
        %get3A_507 = tpu.vector_load %arg7[%get3A_505, %get3A_506] {strides = array<i32>} : memref<832x64xf32, #tpu.memory_space<vmem>>, vector<16xf32>,
        %add3A_508 = arith.constant 1 : i32
        %add3A_509 = arith.addi %add3A_475, %add3A_508 : i32
        %get3A_510 = arith.index_cast %add3A_509 : i32 to index
        %get3A_511 = arith.constant 16 : index
        %get3A_512 = tpu.vector_load %arg7[%get3A_510, %get3A_511] {strides = array<i32>} : memref<832x64xf32, #tpu.memory_space<vmem>>, vector<16xf32>,
        %add3A_513 = arith.constant 1 : i32
        %add3A_514 = arith.addi %add3A_475, %add3A_513 : i32
        %get3A_515 = arith.index_cast %add3A_514 : i32 to index
        %get3A_516 = arith.constant 32 : index
        %get3A_517 = tpu.vector_load %arg7[%get3A_515, %get3A_516] {strides = array<i32>} : memref<832x64xf32, #tpu.memory_space<vmem>>, vector<16xf32>,
        %add3A_518 = arith.constant 1 : i32
        %add3A_519 = arith.addi %add3A_475, %add3A_518 : i32
        %get3A_520 = arith.index_cast %add3A_519 : i32 to index
        %get3A_521 = arith.constant 48 : index
        %get3A_522 = tpu.vector_load %arg7[%get3A_520, %get3A_521] {strides = array<i32>} : memref<832x64xf32, #tpu.memory_space<vmem>>, vector<16xf32>,
        %mul3A_523 = arith.mulf %get3A_507, %get3A_429 : vector<16xf32>
        %mul3A_524 = arith.mulf %get3A_512, %get3A_433 : vector<16xf32>
        %add3A_525 = arith.addf %mul3A_523, %mul3A_524 : vector<16xf32>
        %mul3A_526 = arith.mulf %get3A_517, %get3A_437 : vector<16xf32>
        %mul3A_527 = arith.mulf %get3A_522, %get3A_441 : vector<16xf32>
        %add3A_528 = arith.addf %mul3A_526, %mul3A_527 : vector<16xf32>
        %add3A_529 = arith.addf %add3A_525, %add3A_528 : vector<16xf32>
        %add3A_530 = arith.constant 2 : i32
        %add3A_531 = arith.addi %add3A_475, %add3A_530 : i32
        %get3A_532 = arith.index_cast %add3A_531 : i32 to index
        %get3A_533 = arith.constant 0 : index
        %get3A_534 = tpu.vector_load %arg7[%get3A_532, %get3A_533] {strides = array<i32>} : memref<832x64xf32, #tpu.memory_space<vmem>>, vector<16xf32>,
        %add3A_535 = arith.constant 2 : i32
        %add3A_536 = arith.addi %add3A_475, %add3A_535 : i32
        %get3A_537 = arith.index_cast %add3A_536 : i32 to index
        %get3A_538 = arith.constant 16 : index
        %get3A_539 = tpu.vector_load %arg7[%get3A_537, %get3A_538] {strides = array<i32>} : memref<832x64xf32, #tpu.memory_space<vmem>>, vector<16xf32>,
        %add3A_540 = arith.constant 2 : i32
        %add3A_541 = arith.addi %add3A_475, %add3A_540 : i32
        %get3A_542 = arith.index_cast %add3A_541 : i32 to index
        %get3A_543 = arith.constant 32 : index
        %get3A_544 = tpu.vector_load %arg7[%get3A_542, %get3A_543] {strides = array<i32>} : memref<832x64xf32, #tpu.memory_space<vmem>>, vector<16xf32>,
        %add3A_545 = arith.constant 2 : i32
        %add3A_546 = arith.addi %add3A_475, %add3A_545 : i32
        %get3A_547 = arith.index_cast %add3A_546 : i32 to index
        %get3A_548 = arith.constant 48 : index
        %get3A_549 = tpu.vector_load %arg7[%get3A_547, %get3A_548] {strides = array<i32>} : memref<832x64xf32, #tpu.memory_space<vmem>>, vector<16xf32>,
        %mul3A_550 = arith.mulf %get3A_534, %get3A_429 : vector<16xf32>
        %mul3A_551 = arith.mulf %get3A_539, %get3A_433 : vector<16xf32>
        %add3A_552 = arith.addf %mul3A_550, %mul3A_551 : vector<16xf32>
        %mul3A_553 = arith.mulf %get3A_544, %get3A_437 : vector<16xf32>
        %mul3A_554 = arith.mulf %get3A_549, %get3A_441 : vector<16xf32>
        %add3A_555 = arith.addf %mul3A_553, %mul3A_554 : vector<16xf32>
        %add3A_556 = arith.addf %add3A_552, %add3A_555 : vector<16xf32>
        %add3A_557 = arith.constant 3 : i32
        %add3A_558 = arith.addi %add3A_475, %add3A_557 : i32
        %get3A_559 = arith.index_cast %add3A_558 : i32 to index
        %get3A_560 = arith.constant 0 : index
        %get3A_561 = tpu.vector_load %arg7[%get3A_559, %get3A_560] {strides = array<i32>} : memref<832x64xf32, #tpu.memory_space<vmem>>, vector<16xf32>,
        %add3A_562 = arith.constant 3 : i32
        %add3A_563 = arith.addi %add3A_475, %add3A_562 : i32
        %get3A_564 = arith.index_cast %add3A_563 : i32 to index
        %get3A_565 = arith.constant 16 : index
        %get3A_566 = tpu.vector_load %arg7[%get3A_564, %get3A_565] {strides = array<i32>} : memref<832x64xf32, #tpu.memory_space<vmem>>, vector<16xf32>,
        %add3A_567 = arith.constant 3 : i32
        %add3A_568 = arith.addi %add3A_475, %add3A_567 : i32
        %get3A_569 = arith.index_cast %add3A_568 : i32 to index
        %get3A_570 = arith.constant 32 : index
        %get3A_571 = tpu.vector_load %arg7[%get3A_569, %get3A_570] {strides = array<i32>} : memref<832x64xf32, #tpu.memory_space<vmem>>, vector<16xf32>,
        %add3A_572 = arith.constant 3 : i32
        %add3A_573 = arith.addi %add3A_475, %add3A_572 : i32
        %get3A_574 = arith.index_cast %add3A_573 : i32 to index
        %get3A_575 = arith.constant 48 : index
        %get3A_576 = tpu.vector_load %arg7[%get3A_574, %get3A_575] {strides = array<i32>} : memref<832x64xf32, #tpu.memory_space<vmem>>, vector<16xf32>,
        %mul3A_577 = arith.mulf %get3A_561, %get3A_429 : vector<16xf32>
        %mul3A_578 = arith.mulf %get3A_566, %get3A_433 : vector<16xf32>
        %add3A_579 = arith.addf %mul3A_577, %mul3A_578 : vector<16xf32>
        %mul3A_580 = arith.mulf %get3A_571, %get3A_437 : vector<16xf32>
        %mul3A_581 = arith.mulf %get3A_576, %get3A_441 : vector<16xf32>
        %add3A_582 = arith.addf %mul3A_580, %mul3A_581 : vector<16xf32>
        %add3A_583 = arith.addf %add3A_579, %add3A_582 : vector<16xf32>
        %add3A_584 = arith.constant 4 : i32
        %add3A_585 = arith.addi %add3A_475, %add3A_584 : i32
        %get3A_586 = arith.index_cast %add3A_585 : i32 to index
        %get3A_587 = arith.constant 0 : index
        %get3A_588 = tpu.vector_load %arg7[%get3A_586, %get3A_587] {strides = array<i32>} : memref<832x64xf32, #tpu.memory_space<vmem>>, vector<16xf32>,
        %add3A_589 = arith.constant 4 : i32
        %add3A_590 = arith.addi %add3A_475, %add3A_589 : i32
        %get3A_591 = arith.index_cast %add3A_590 : i32 to index
        %get3A_592 = arith.constant 16 : index
        %get3A_593 = tpu.vector_load %arg7[%get3A_591, %get3A_592] {strides = array<i32>} : memref<832x64xf32, #tpu.memory_space<vmem>>, vector<16xf32>,
        %add3A_594 = arith.constant 4 : i32
        %add3A_595 = arith.addi %add3A_475, %add3A_594 : i32
        %get3A_596 = arith.index_cast %add3A_595 : i32 to index
        %get3A_597 = arith.constant 32 : index
        %get3A_598 = tpu.vector_load %arg7[%get3A_596, %get3A_597] {strides = array<i32>} : memref<832x64xf32, #tpu.memory_space<vmem>>, vector<16xf32>,
        %add3A_599 = arith.constant 4 : i32
        %add3A_600 = arith.addi %add3A_475, %add3A_599 : i32
        %get3A_601 = arith.index_cast %add3A_600 : i32 to index
        %get3A_602 = arith.constant 48 : index
        %get3A_603 = tpu.vector_load %arg7[%get3A_601, %get3A_602] {strides = array<i32>} : memref<832x64xf32, #tpu.memory_space<vmem>>, vector<16xf32>,
        %mul3A_604 = arith.mulf %get3A_588, %get3A_429 : vector<16xf32>
        %mul3A_605 = arith.mulf %get3A_593, %get3A_433 : vector<16xf32>
        %add3A_606 = arith.addf %mul3A_604, %mul3A_605 : vector<16xf32>
        %mul3A_607 = arith.mulf %get3A_598, %get3A_437 : vector<16xf32>
        %mul3A_608 = arith.mulf %get3A_603, %get3A_441 : vector<16xf32>
        %add3A_609 = arith.addf %mul3A_607, %mul3A_608 : vector<16xf32>
        %add3A_610 = arith.addf %add3A_606, %add3A_609 : vector<16xf32>
        %add3A_611 = arith.constant 5 : i32
        %add3A_612 = arith.addi %add3A_475, %add3A_611 : i32
        %get3A_613 = arith.index_cast %add3A_612 : i32 to index
        %get3A_614 = arith.constant 0 : index
        %get3A_615 = tpu.vector_load %arg7[%get3A_613, %get3A_614] {strides = array<i32>} : memref<832x64xf32, #tpu.memory_space<vmem>>, vector<16xf32>,
        %add3A_616 = arith.constant 5 : i32
        %add3A_617 = arith.addi %add3A_475, %add3A_616 : i32
        %get3A_618 = arith.index_cast %add3A_617 : i32 to index
        %get3A_619 = arith.constant 16 : index
        %get3A_620 = tpu.vector_load %arg7[%get3A_618, %get3A_619] {strides = array<i32>} : memref<832x64xf32, #tpu.memory_space<vmem>>, vector<16xf32>,
        %add3A_621 = arith.constant 5 : i32
        %add3A_622 = arith.addi %add3A_475, %add3A_621 : i32
        %get3A_623 = arith.index_cast %add3A_622 : i32 to index
        %get3A_624 = arith.constant 32 : index
        %get3A_625 = tpu.vector_load %arg7[%get3A_623, %get3A_624] {strides = array<i32>} : memref<832x64xf32, #tpu.memory_space<vmem>>, vector<16xf32>,
        %add3A_626 = arith.constant 5 : i32
        %add3A_627 = arith.addi %add3A_475, %add3A_626 : i32
        %get3A_628 = arith.index_cast %add3A_627 : i32 to index
        %get3A_629 = arith.constant 48 : index
        %get3A_630 = tpu.vector_load %arg7[%get3A_628, %get3A_629] {strides = array<i32>} : memref<832x64xf32, #tpu.memory_space<vmem>>, vector<16xf32>,
        %mul3A_631 = arith.mulf %get3A_615, %get3A_429 : vector<16xf32>
        %mul3A_632 = arith.mulf %get3A_620, %get3A_433 : vector<16xf32>
        %add3A_633 = arith.addf %mul3A_631, %mul3A_632 : vector<16xf32>
        %mul3A_634 = arith.mulf %get3A_625, %get3A_437 : vector<16xf32>
        %mul3A_635 = arith.mulf %get3A_630, %get3A_441 : vector<16xf32>
        %add3A_636 = arith.addf %mul3A_634, %mul3A_635 : vector<16xf32>
        %add3A_637 = arith.addf %add3A_633, %add3A_636 : vector<16xf32>
        %add3A_638 = arith.constant 6 : i32
        %add3A_639 = arith.addi %add3A_475, %add3A_638 : i32
        %get3A_640 = arith.index_cast %add3A_639 : i32 to index
        %get3A_641 = arith.constant 0 : index
        %get3A_642 = tpu.vector_load %arg7[%get3A_640, %get3A_641] {strides = array<i32>} : memref<832x64xf32, #tpu.memory_space<vmem>>, vector<16xf32>,
        %add3A_643 = arith.constant 6 : i32
        %add3A_644 = arith.addi %add3A_475, %add3A_643 : i32
        %get3A_645 = arith.index_cast %add3A_644 : i32 to index
        %get3A_646 = arith.constant 16 : index
        %get3A_647 = tpu.vector_load %arg7[%get3A_645, %get3A_646] {strides = array<i32>} : memref<832x64xf32, #tpu.memory_space<vmem>>, vector<16xf32>,
        %add3A_648 = arith.constant 6 : i32
        %add3A_649 = arith.addi %add3A_475, %add3A_648 : i32
        %get3A_650 = arith.index_cast %add3A_649 : i32 to index
        %get3A_651 = arith.constant 32 : index
        %get3A_652 = tpu.vector_load %arg7[%get3A_650, %get3A_651] {strides = array<i32>} : memref<832x64xf32, #tpu.memory_space<vmem>>, vector<16xf32>,
        %add3A_653 = arith.constant 6 : i32
        %add3A_654 = arith.addi %add3A_475, %add3A_653 : i32
        %get3A_655 = arith.index_cast %add3A_654 : i32 to index
        %get3A_656 = arith.constant 48 : index
        %get3A_657 = tpu.vector_load %arg7[%get3A_655, %get3A_656] {strides = array<i32>} : memref<832x64xf32, #tpu.memory_space<vmem>>, vector<16xf32>,
        %mul3A_658 = arith.mulf %get3A_642, %get3A_429 : vector<16xf32>
        %mul3A_659 = arith.mulf %get3A_647, %get3A_433 : vector<16xf32>
        %add3A_660 = arith.addf %mul3A_658, %mul3A_659 : vector<16xf32>
        %mul3A_661 = arith.mulf %get3A_652, %get3A_437 : vector<16xf32>
        %mul3A_662 = arith.mulf %get3A_657, %get3A_441 : vector<16xf32>
        %add3A_663 = arith.addf %mul3A_661, %mul3A_662 : vector<16xf32>
        %add3A_664 = arith.addf %add3A_660, %add3A_663 : vector<16xf32>
        %add3A_665 = arith.constant 7 : i32
        %add3A_666 = arith.addi %add3A_475, %add3A_665 : i32
        %get3A_667 = arith.index_cast %add3A_666 : i32 to index
        %get3A_668 = arith.constant 0 : index
        %get3A_669 = tpu.vector_load %arg7[%get3A_667, %get3A_668] {strides = array<i32>} : memref<832x64xf32, #tpu.memory_space<vmem>>, vector<16xf32>,
        %add3A_670 = arith.constant 7 : i32
        %add3A_671 = arith.addi %add3A_475, %add3A_670 : i32
        %get3A_672 = arith.index_cast %add3A_671 : i32 to index
        %get3A_673 = arith.constant 16 : index
        %get3A_674 = tpu.vector_load %arg7[%get3A_672, %get3A_673] {strides = array<i32>} : memref<832x64xf32, #tpu.memory_space<vmem>>, vector<16xf32>,
        %add3A_675 = arith.constant 7 : i32
        %add3A_676 = arith.addi %add3A_475, %add3A_675 : i32
        %get3A_677 = arith.index_cast %add3A_676 : i32 to index
        %get3A_678 = arith.constant 32 : index
        %get3A_679 = tpu.vector_load %arg7[%get3A_677, %get3A_678] {strides = array<i32>} : memref<832x64xf32, #tpu.memory_space<vmem>>, vector<16xf32>,
        %add3A_680 = arith.constant 7 : i32
        %add3A_681 = arith.addi %add3A_475, %add3A_680 : i32
        %get3A_682 = arith.index_cast %add3A_681 : i32 to index
        %get3A_683 = arith.constant 48 : index
        %get3A_684 = tpu.vector_load %arg7[%get3A_682, %get3A_683] {strides = array<i32>} : memref<832x64xf32, #tpu.memory_space<vmem>>, vector<16xf32>,
        %mul3A_685 = arith.mulf %get3A_669, %get3A_429 : vector<16xf32>
        %mul3A_686 = arith.mulf %get3A_674, %get3A_433 : vector<16xf32>
        %add3A_687 = arith.addf %mul3A_685, %mul3A_686 : vector<16xf32>
        %mul3A_688 = arith.mulf %get3A_679, %get3A_437 : vector<16xf32>
        %mul3A_689 = arith.mulf %get3A_684, %get3A_441 : vector<16xf32>
        %add3A_690 = arith.addf %mul3A_688, %mul3A_689 : vector<16xf32>
        %add3A_691 = arith.addf %add3A_687, %add3A_690 : vector<16xf32>
        %add3A_692 = arith.constant 8 : i32
        %add3A_693 = arith.addi %add3A_475, %add3A_692 : i32
        %get3A_694 = arith.index_cast %add3A_693 : i32 to index
        %get3A_695 = arith.constant 0 : index
        %get3A_696 = tpu.vector_load %arg7[%get3A_694, %get3A_695] {strides = array<i32>} : memref<832x64xf32, #tpu.memory_space<vmem>>, vector<16xf32>,
        %add3A_697 = arith.constant 8 : i32
        %add3A_698 = arith.addi %add3A_475, %add3A_697 : i32
        %get3A_699 = arith.index_cast %add3A_698 : i32 to index
        %get3A_700 = arith.constant 16 : index
        %get3A_701 = tpu.vector_load %arg7[%get3A_699, %get3A_700] {strides = array<i32>} : memref<832x64xf32, #tpu.memory_space<vmem>>, vector<16xf32>,
        %add3A_702 = arith.constant 8 : i32
        %add3A_703 = arith.addi %add3A_475, %add3A_702 : i32
        %get3A_704 = arith.index_cast %add3A_703 : i32 to index
        %get3A_705 = arith.constant 32 : index
        %get3A_706 = tpu.vector_load %arg7[%get3A_704, %get3A_705] {strides = array<i32>} : memref<832x64xf32, #tpu.memory_space<vmem>>, vector<16xf32>,
        %add3A_707 = arith.constant 8 : i32
        %add3A_708 = arith.addi %add3A_475, %add3A_707 : i32
        %get3A_709 = arith.index_cast %add3A_708 : i32 to index
        %get3A_710 = arith.constant 48 : index
        %get3A_711 = tpu.vector_load %arg7[%get3A_709, %get3A_710] {strides = array<i32>} : memref<832x64xf32, #tpu.memory_space<vmem>>, vector<16xf32>,
        %mul3A_712 = arith.mulf %get3A_696, %get3A_429 : vector<16xf32>
        %mul3A_713 = arith.mulf %get3A_701, %get3A_433 : vector<16xf32>
        %add3A_714 = arith.addf %mul3A_712, %mul3A_713 : vector<16xf32>
        %mul3A_715 = arith.mulf %get3A_706, %get3A_437 : vector<16xf32>
        %mul3A_716 = arith.mulf %get3A_711, %get3A_441 : vector<16xf32>
        %add3A_717 = arith.addf %mul3A_715, %mul3A_716 : vector<16xf32>
        %add3A_718 = arith.addf %add3A_714, %add3A_717 : vector<16xf32>
        %add3A_719 = arith.constant 9 : i32
        %add3A_720 = arith.addi %add3A_475, %add3A_719 : i32
        %get3A_721 = arith.index_cast %add3A_720 : i32 to index
        %get3A_722 = arith.constant 0 : index
        %get3A_723 = tpu.vector_load %arg7[%get3A_721, %get3A_722] {strides = array<i32>} : memref<832x64xf32, #tpu.memory_space<vmem>>, vector<16xf32>,
        %add3A_724 = arith.constant 9 : i32
        %add3A_725 = arith.addi %add3A_475, %add3A_724 : i32
        %get3A_726 = arith.index_cast %add3A_725 : i32 to index
        %get3A_727 = arith.constant 16 : index
        %get3A_728 = tpu.vector_load %arg7[%get3A_726, %get3A_727] {strides = array<i32>} : memref<832x64xf32, #tpu.memory_space<vmem>>, vector<16xf32>,
        %add3A_729 = arith.constant 9 : i32
        %add3A_730 = arith.addi %add3A_475, %add3A_729 : i32
        %get3A_731 = arith.index_cast %add3A_730 : i32 to index
        %get3A_732 = arith.constant 32 : index
        %get3A_733 = tpu.vector_load %arg7[%get3A_731, %get3A_732] {strides = array<i32>} : memref<832x64xf32, #tpu.memory_space<vmem>>, vector<16xf32>,
        %add3A_734 = arith.constant 9 : i32
        %add3A_735 = arith.addi %add3A_475, %add3A_734 : i32
        %get3A_736 = arith.index_cast %add3A_735 : i32 to index
        %get3A_737 = arith.constant 48 : index
        %get3A_738 = tpu.vector_load %arg7[%get3A_736, %get3A_737] {strides = array<i32>} : memref<832x64xf32, #tpu.memory_space<vmem>>, vector<16xf32>,
        %mul3A_739 = arith.mulf %get3A_723, %get3A_429 : vector<16xf32>
        %mul3A_740 = arith.mulf %get3A_728, %get3A_433 : vector<16xf32>
        %add3A_741 = arith.addf %mul3A_739, %mul3A_740 : vector<16xf32>
        %mul3A_742 = arith.mulf %get3A_733, %get3A_437 : vector<16xf32>
        %mul3A_743 = arith.mulf %get3A_738, %get3A_441 : vector<16xf32>
        %add3A_744 = arith.addf %mul3A_742, %mul3A_743 : vector<16xf32>
        %add3A_745 = arith.addf %add3A_741, %add3A_744 : vector<16xf32>
        %add3A_746 = arith.constant 10 : i32
        %add3A_747 = arith.addi %add3A_475, %add3A_746 : i32
        %get3A_748 = arith.index_cast %add3A_747 : i32 to index
        %get3A_749 = arith.constant 0 : index
        %get3A_750 = tpu.vector_load %arg7[%get3A_748, %get3A_749] {strides = array<i32>} : memref<832x64xf32, #tpu.memory_space<vmem>>, vector<16xf32>,
        %add3A_751 = arith.constant 10 : i32
        %add3A_752 = arith.addi %add3A_475, %add3A_751 : i32
        %get3A_753 = arith.index_cast %add3A_752 : i32 to index
        %get3A_754 = arith.constant 16 : index
        %get3A_755 = tpu.vector_load %arg7[%get3A_753, %get3A_754] {strides = array<i32>} : memref<832x64xf32, #tpu.memory_space<vmem>>, vector<16xf32>,
        %add3A_756 = arith.constant 10 : i32
        %add3A_757 = arith.addi %add3A_475, %add3A_756 : i32
        %get3A_758 = arith.index_cast %add3A_757 : i32 to index
        %get3A_759 = arith.constant 32 : index
        %get3A_760 = tpu.vector_load %arg7[%get3A_758, %get3A_759] {strides = array<i32>} : memref<832x64xf32, #tpu.memory_space<vmem>>, vector<16xf32>,
        %add3A_761 = arith.constant 10 : i32
        %add3A_762 = arith.addi %add3A_475, %add3A_761 : i32
        %get3A_763 = arith.index_cast %add3A_762 : i32 to index
        %get3A_764 = arith.constant 48 : index
        %get3A_765 = tpu.vector_load %arg7[%get3A_763, %get3A_764] {strides = array<i32>} : memref<832x64xf32, #tpu.memory_space<vmem>>, vector<16xf32>,
        %mul3A_766 = arith.mulf %get3A_750, %get3A_429 : vector<16xf32>
        %mul3A_767 = arith.mulf %get3A_755, %get3A_433 : vector<16xf32>
        %add3A_768 = arith.addf %mul3A_766, %mul3A_767 : vector<16xf32>
        %mul3A_769 = arith.mulf %get3A_760, %get3A_437 : vector<16xf32>
        %mul3A_770 = arith.mulf %get3A_765, %get3A_441 : vector<16xf32>
        %add3A_771 = arith.addf %mul3A_769, %mul3A_770 : vector<16xf32>
        %add3A_772 = arith.addf %add3A_768, %add3A_771 : vector<16xf32>
        %add3A_773 = arith.constant 11 : i32
        %add3A_774 = arith.addi %add3A_475, %add3A_773 : i32
        %get3A_775 = arith.index_cast %add3A_774 : i32 to index
        %get3A_776 = arith.constant 0 : index
        %get3A_777 = tpu.vector_load %arg7[%get3A_775, %get3A_776] {strides = array<i32>} : memref<832x64xf32, #tpu.memory_space<vmem>>, vector<16xf32>,
        %add3A_778 = arith.constant 11 : i32
        %add3A_779 = arith.addi %add3A_475, %add3A_778 : i32
        %get3A_780 = arith.index_cast %add3A_779 : i32 to index
        %get3A_781 = arith.constant 16 : index
        %get3A_782 = tpu.vector_load %arg7[%get3A_780, %get3A_781] {strides = array<i32>} : memref<832x64xf32, #tpu.memory_space<vmem>>, vector<16xf32>,
        %add3A_783 = arith.constant 11 : i32
        %add3A_784 = arith.addi %add3A_475, %add3A_783 : i32
        %get3A_785 = arith.index_cast %add3A_784 : i32 to index
        %get3A_786 = arith.constant 32 : index
        %get3A_787 = tpu.vector_load %arg7[%get3A_785, %get3A_786] {strides = array<i32>} : memref<832x64xf32, #tpu.memory_space<vmem>>, vector<16xf32>,
        %add3A_788 = arith.constant 11 : i32
        %add3A_789 = arith.addi %add3A_475, %add3A_788 : i32
        %get3A_790 = arith.index_cast %add3A_789 : i32 to index
        %get3A_791 = arith.constant 48 : index
        %get3A_792 = tpu.vector_load %arg7[%get3A_790, %get3A_791] {strides = array<i32>} : memref<832x64xf32, #tpu.memory_space<vmem>>, vector<16xf32>,
        %mul3A_793 = arith.mulf %get3A_777, %get3A_429 : vector<16xf32>
        %mul3A_794 = arith.mulf %get3A_782, %get3A_433 : vector<16xf32>
        %add3A_795 = arith.addf %mul3A_793, %mul3A_794 : vector<16xf32>
        %mul3A_796 = arith.mulf %get3A_787, %get3A_437 : vector<16xf32>
        %mul3A_797 = arith.mulf %get3A_792, %get3A_441 : vector<16xf32>
        %add3A_798 = arith.addf %mul3A_796, %mul3A_797 : vector<16xf32>
        %add3A_799 = arith.addf %add3A_795, %add3A_798 : vector<16xf32>
        %add3A_800 = arith.constant 12 : i32
        %add3A_801 = arith.addi %add3A_475, %add3A_800 : i32
        %get3A_802 = arith.index_cast %add3A_801 : i32 to index
        %get3A_803 = arith.constant 0 : index
        %get3A_804 = tpu.vector_load %arg7[%get3A_802, %get3A_803] {strides = array<i32>} : memref<832x64xf32, #tpu.memory_space<vmem>>, vector<16xf32>,
        %add3A_805 = arith.constant 12 : i32
        %add3A_806 = arith.addi %add3A_475, %add3A_805 : i32
        %get3A_807 = arith.index_cast %add3A_806 : i32 to index
        %get3A_808 = arith.constant 16 : index
        %get3A_809 = tpu.vector_load %arg7[%get3A_807, %get3A_808] {strides = array<i32>} : memref<832x64xf32, #tpu.memory_space<vmem>>, vector<16xf32>,
        %add3A_810 = arith.constant 12 : i32
        %add3A_811 = arith.addi %add3A_475, %add3A_810 : i32
        %get3A_812 = arith.index_cast %add3A_811 : i32 to index
        %get3A_813 = arith.constant 32 : index
        %get3A_814 = tpu.vector_load %arg7[%get3A_812, %get3A_813] {strides = array<i32>} : memref<832x64xf32, #tpu.memory_space<vmem>>, vector<16xf32>,
        %add3A_815 = arith.constant 12 : i32
        %add3A_816 = arith.addi %add3A_475, %add3A_815 : i32
        %get3A_817 = arith.index_cast %add3A_816 : i32 to index
        %get3A_818 = arith.constant 48 : index
        %get3A_819 = tpu.vector_load %arg7[%get3A_817, %get3A_818] {strides = array<i32>} : memref<832x64xf32, #tpu.memory_space<vmem>>, vector<16xf32>,
        %mul3A_820 = arith.mulf %get3A_804, %get3A_429 : vector<16xf32>
        %mul3A_821 = arith.mulf %get3A_809, %get3A_433 : vector<16xf32>
        %add3A_822 = arith.addf %mul3A_820, %mul3A_821 : vector<16xf32>
        %mul3A_823 = arith.mulf %get3A_814, %get3A_437 : vector<16xf32>
        %mul3A_824 = arith.mulf %get3A_819, %get3A_441 : vector<16xf32>
        %add3A_825 = arith.addf %mul3A_823, %mul3A_824 : vector<16xf32>
        %add3A_826 = arith.addf %add3A_822, %add3A_825 : vector<16xf32>
        %add3A_827 = arith.constant 13 : i32
        %add3A_828 = arith.addi %add3A_475, %add3A_827 : i32
        %get3A_829 = arith.index_cast %add3A_828 : i32 to index
        %get3A_830 = arith.constant 0 : index
        %get3A_831 = tpu.vector_load %arg7[%get3A_829, %get3A_830] {strides = array<i32>} : memref<832x64xf32, #tpu.memory_space<vmem>>, vector<16xf32>,
        %add3A_832 = arith.constant 13 : i32
        %add3A_833 = arith.addi %add3A_475, %add3A_832 : i32
        %get3A_834 = arith.index_cast %add3A_833 : i32 to index
        %get3A_835 = arith.constant 16 : index
        %get3A_836 = tpu.vector_load %arg7[%get3A_834, %get3A_835] {strides = array<i32>} : memref<832x64xf32, #tpu.memory_space<vmem>>, vector<16xf32>,
        %add3A_837 = arith.constant 13 : i32
        %add3A_838 = arith.addi %add3A_475, %add3A_837 : i32
        %get3A_839 = arith.index_cast %add3A_838 : i32 to index
        %get3A_840 = arith.constant 32 : index
        %get3A_841 = tpu.vector_load %arg7[%get3A_839, %get3A_840] {strides = array<i32>} : memref<832x64xf32, #tpu.memory_space<vmem>>, vector<16xf32>,
        %add3A_842 = arith.constant 13 : i32
        %add3A_843 = arith.addi %add3A_475, %add3A_842 : i32
        %get3A_844 = arith.index_cast %add3A_843 : i32 to index
        %get3A_845 = arith.constant 48 : index
        %get3A_846 = tpu.vector_load %arg7[%get3A_844, %get3A_845] {strides = array<i32>} : memref<832x64xf32, #tpu.memory_space<vmem>>, vector<16xf32>,
        %mul3A_847 = arith.mulf %get3A_831, %get3A_429 : vector<16xf32>
        %mul3A_848 = arith.mulf %get3A_836, %get3A_433 : vector<16xf32>
        %add3A_849 = arith.addf %mul3A_847, %mul3A_848 : vector<16xf32>
        %mul3A_850 = arith.mulf %get3A_841, %get3A_437 : vector<16xf32>
        %mul3A_851 = arith.mulf %get3A_846, %get3A_441 : vector<16xf32>
        %add3A_852 = arith.addf %mul3A_850, %mul3A_851 : vector<16xf32>
        %add3A_853 = arith.addf %add3A_849, %add3A_852 : vector<16xf32>
        %add3A_854 = arith.constant 14 : i32
        %add3A_855 = arith.addi %add3A_475, %add3A_854 : i32
        %get3A_856 = arith.index_cast %add3A_855 : i32 to index
        %get3A_857 = arith.constant 0 : index
        %get3A_858 = tpu.vector_load %arg7[%get3A_856, %get3A_857] {strides = array<i32>} : memref<832x64xf32, #tpu.memory_space<vmem>>, vector<16xf32>,
        %add3A_859 = arith.constant 14 : i32
        %add3A_860 = arith.addi %add3A_475, %add3A_859 : i32
        %get3A_861 = arith.index_cast %add3A_860 : i32 to index
        %get3A_862 = arith.constant 16 : index
        %get3A_863 = tpu.vector_load %arg7[%get3A_861, %get3A_862] {strides = array<i32>} : memref<832x64xf32, #tpu.memory_space<vmem>>, vector<16xf32>,
        %add3A_864 = arith.constant 14 : i32
        %add3A_865 = arith.addi %add3A_475, %add3A_864 : i32
        %get3A_866 = arith.index_cast %add3A_865 : i32 to index
        %get3A_867 = arith.constant 32 : index
        %get3A_868 = tpu.vector_load %arg7[%get3A_866, %get3A_867] {strides = array<i32>} : memref<832x64xf32, #tpu.memory_space<vmem>>, vector<16xf32>,
        %add3A_869 = arith.constant 14 : i32
        %add3A_870 = arith.addi %add3A_475, %add3A_869 : i32
        %get3A_871 = arith.index_cast %add3A_870 : i32 to index
        %get3A_872 = arith.constant 48 : index
        %get3A_873 = tpu.vector_load %arg7[%get3A_871, %get3A_872] {strides = array<i32>} : memref<832x64xf32, #tpu.memory_space<vmem>>, vector<16xf32>,
        %mul3A_874 = arith.mulf %get3A_858, %get3A_429 : vector<16xf32>
        %mul3A_875 = arith.mulf %get3A_863, %get3A_433 : vector<16xf32>
        %add3A_876 = arith.addf %mul3A_874, %mul3A_875 : vector<16xf32>
        %mul3A_877 = arith.mulf %get3A_868, %get3A_437 : vector<16xf32>
        %mul3A_878 = arith.mulf %get3A_873, %get3A_441 : vector<16xf32>
        %add3A_879 = arith.addf %mul3A_877, %mul3A_878 : vector<16xf32>
        %add3A_880 = arith.addf %add3A_876, %add3A_879 : vector<16xf32>
        %add3A_881 = arith.constant 15 : i32
        %add3A_882 = arith.addi %add3A_475, %add3A_881 : i32
        %get3A_883 = arith.index_cast %add3A_882 : i32 to index
        %get3A_884 = arith.constant 0 : index
        %get3A_885 = tpu.vector_load %arg7[%get3A_883, %get3A_884] {strides = array<i32>} : memref<832x64xf32, #tpu.memory_space<vmem>>, vector<16xf32>,
        %add3A_886 = arith.constant 15 : i32
        %add3A_887 = arith.addi %add3A_475, %add3A_886 : i32
        %get3A_888 = arith.index_cast %add3A_887 : i32 to index
        %get3A_889 = arith.constant 16 : index
        %get3A_890 = tpu.vector_load %arg7[%get3A_888, %get3A_889] {strides = array<i32>} : memref<832x64xf32, #tpu.memory_space<vmem>>, vector<16xf32>,
        %add3A_891 = arith.constant 15 : i32
        %add3A_892 = arith.addi %add3A_475, %add3A_891 : i32
        %get3A_893 = arith.index_cast %add3A_892 : i32 to index
        %get3A_894 = arith.constant 32 : index
        %get3A_895 = tpu.vector_load %arg7[%get3A_893, %get3A_894] {strides = array<i32>} : memref<832x64xf32, #tpu.memory_space<vmem>>, vector<16xf32>,
        %add3A_896 = arith.constant 15 : i32
        %add3A_897 = arith.addi %add3A_475, %add3A_896 : i32
        %get3A_898 = arith.index_cast %add3A_897 : i32 to index
        %get3A_899 = arith.constant 48 : index
        %get3A_900 = tpu.vector_load %arg7[%get3A_898, %get3A_899] {strides = array<i32>} : memref<832x64xf32, #tpu.memory_space<vmem>>, vector<16xf32>,
        %mul3A_901 = arith.mulf %get3A_885, %get3A_429 : vector<16xf32>
        %mul3A_902 = arith.mulf %get3A_890, %get3A_433 : vector<16xf32>
        %add3A_903 = arith.addf %mul3A_901, %mul3A_902 : vector<16xf32>
        %mul3A_904 = arith.mulf %get3A_895, %get3A_437 : vector<16xf32>
        %mul3A_905 = arith.mulf %get3A_900, %get3A_441 : vector<16xf32>
        %add3A_906 = arith.addf %mul3A_904, %mul3A_905 : vector<16xf32>
        %add3A_907 = arith.addf %add3A_903, %add3A_906 : vector<16xf32>
        %lt3A_908 = arith.constant 0 : i32
        %lt3A_909 = vector.broadcast %lt3A_908 : i32 to vector<16xi32>
        %lt3A_910 = arith.cmpi slt, %xor3A_4, %lt3A_909 : vector<16xi32>
        %add3A_911 = arith.constant 16 : i32
        %add3A_912 = vector.broadcast %add3A_911 : i32 to vector<16xi32>
        %add3A_913 = arith.addi %xor3A_4, %add3A_912 : vector<16xi32>
        %select_n3A_914 = arith.select %lt3A_910, %add3A_913, %xor3A_4 : vector<16xi1>, vector<16xi32>
        %broadcast_in_dim3A = vector.shape_cast %select_n3A_914 : vector<16xi32> to vector<16x1xi32>
        %gather3A = vector.shape_cast %broadcast_in_dim3A : vector<16x1xi32> to vector<16xi32>
        %gather3A_915 = tpu.dynamic_gather %add3A_502[%gather3A] in [0] : vector<16xf32>, vector<16xi32> -> vector<16xf32>
        %add3A_916 = arith.addf %add3A_502, %gather3A_915 : vector<16xf32>
        %lt3A_917 = arith.constant 0 : i32
        %lt3A_918 = vector.broadcast %lt3A_917 : i32 to vector<16xi32>
        %lt3A_919 = arith.cmpi slt, %xor3A_4, %lt3A_918 : vector<16xi32>
        %add3A_920 = arith.constant 16 : i32
        %add3A_921 = vector.broadcast %add3A_920 : i32 to vector<16xi32>
        %add3A_922 = arith.addi %xor3A_4, %add3A_921 : vector<16xi32>
        %select_n3A_923 = arith.select %lt3A_919, %add3A_922, %xor3A_4 : vector<16xi1>, vector<16xi32>
        %broadcast_in_dim3A_924 = vector.shape_cast %select_n3A_923 : vector<16xi32> to vector<16x1xi32>
        %gather3A_925 = vector.shape_cast %broadcast_in_dim3A_924 : vector<16x1xi32> to vector<16xi32>
        %gather3A_926 = tpu.dynamic_gather %add3A_529[%gather3A_925] in [0] : vector<16xf32>, vector<16xi32> -> vector<16xf32>
        %add3A_927 = arith.addf %add3A_529, %gather3A_926 : vector<16xf32>
        %select_n3A_928 = arith.select %ne3A_17, %add3A_927, %add3A_916 : vector<16xi1>, vector<16xf32>
        %lt3A_929 = arith.constant 0 : i32
        %lt3A_930 = vector.broadcast %lt3A_929 : i32 to vector<16xi32>
        %lt3A_931 = arith.cmpi slt, %xor3A_4, %lt3A_930 : vector<16xi32>
        %add3A_932 = arith.constant 16 : i32
        %add3A_933 = vector.broadcast %add3A_932 : i32 to vector<16xi32>
        %add3A_934 = arith.addi %xor3A_4, %add3A_933 : vector<16xi32>
        %select_n3A_935 = arith.select %lt3A_931, %add3A_934, %xor3A_4 : vector<16xi1>, vector<16xi32>
        %broadcast_in_dim3A_936 = vector.shape_cast %select_n3A_935 : vector<16xi32> to vector<16x1xi32>
        %gather3A_937 = vector.shape_cast %broadcast_in_dim3A_936 : vector<16x1xi32> to vector<16xi32>
        %gather3A_938 = tpu.dynamic_gather %add3A_556[%gather3A_937] in [0] : vector<16xf32>, vector<16xi32> -> vector<16xf32>
        %add3A_939 = arith.addf %add3A_556, %gather3A_938 : vector<16xf32>
        %lt3A_940 = arith.constant 0 : i32
        %lt3A_941 = vector.broadcast %lt3A_940 : i32 to vector<16xi32>
        %lt3A_942 = arith.cmpi slt, %xor3A_4, %lt3A_941 : vector<16xi32>
        %add3A_943 = arith.constant 16 : i32
        %add3A_944 = vector.broadcast %add3A_943 : i32 to vector<16xi32>
        %add3A_945 = arith.addi %xor3A_4, %add3A_944 : vector<16xi32>
        %select_n3A_946 = arith.select %lt3A_942, %add3A_945, %xor3A_4 : vector<16xi1>, vector<16xi32>
        %broadcast_in_dim3A_947 = vector.shape_cast %select_n3A_946 : vector<16xi32> to vector<16x1xi32>
        %gather3A_948 = vector.shape_cast %broadcast_in_dim3A_947 : vector<16x1xi32> to vector<16xi32>
        %gather3A_949 = tpu.dynamic_gather %add3A_583[%gather3A_948] in [0] : vector<16xf32>, vector<16xi32> -> vector<16xf32>
        %add3A_950 = arith.addf %add3A_583, %gather3A_949 : vector<16xf32>
        %select_n3A_951 = arith.select %ne3A_17, %add3A_950, %add3A_939 : vector<16xi1>, vector<16xf32>
        %lt3A_952 = arith.constant 0 : i32
        %lt3A_953 = vector.broadcast %lt3A_952 : i32 to vector<16xi32>
        %lt3A_954 = arith.cmpi slt, %xor3A_4, %lt3A_953 : vector<16xi32>
        %add3A_955 = arith.constant 16 : i32
        %add3A_956 = vector.broadcast %add3A_955 : i32 to vector<16xi32>
        %add3A_957 = arith.addi %xor3A_4, %add3A_956 : vector<16xi32>
        %select_n3A_958 = arith.select %lt3A_954, %add3A_957, %xor3A_4 : vector<16xi1>, vector<16xi32>
        %broadcast_in_dim3A_959 = vector.shape_cast %select_n3A_958 : vector<16xi32> to vector<16x1xi32>
        %gather3A_960 = vector.shape_cast %broadcast_in_dim3A_959 : vector<16x1xi32> to vector<16xi32>
        %gather3A_961 = tpu.dynamic_gather %add3A_610[%gather3A_960] in [0] : vector<16xf32>, vector<16xi32> -> vector<16xf32>
        %add3A_962 = arith.addf %add3A_610, %gather3A_961 : vector<16xf32>
        %lt3A_963 = arith.constant 0 : i32
        %lt3A_964 = vector.broadcast %lt3A_963 : i32 to vector<16xi32>
        %lt3A_965 = arith.cmpi slt, %xor3A_4, %lt3A_964 : vector<16xi32>
        %add3A_966 = arith.constant 16 : i32
        %add3A_967 = vector.broadcast %add3A_966 : i32 to vector<16xi32>
        %add3A_968 = arith.addi %xor3A_4, %add3A_967 : vector<16xi32>
        %select_n3A_969 = arith.select %lt3A_965, %add3A_968, %xor3A_4 : vector<16xi1>, vector<16xi32>
        %broadcast_in_dim3A_970 = vector.shape_cast %select_n3A_969 : vector<16xi32> to vector<16x1xi32>
        %gather3A_971 = vector.shape_cast %broadcast_in_dim3A_970 : vector<16x1xi32> to vector<16xi32>
        %gather3A_972 = tpu.dynamic_gather %add3A_637[%gather3A_971] in [0] : vector<16xf32>, vector<16xi32> -> vector<16xf32>
        %add3A_973 = arith.addf %add3A_637, %gather3A_972 : vector<16xf32>
        %select_n3A_974 = arith.select %ne3A_17, %add3A_973, %add3A_962 : vector<16xi1>, vector<16xf32>
        %lt3A_975 = arith.constant 0 : i32
        %lt3A_976 = vector.broadcast %lt3A_975 : i32 to vector<16xi32>
        %lt3A_977 = arith.cmpi slt, %xor3A_4, %lt3A_976 : vector<16xi32>
        %add3A_978 = arith.constant 16 : i32
        %add3A_979 = vector.broadcast %add3A_978 : i32 to vector<16xi32>
        %add3A_980 = arith.addi %xor3A_4, %add3A_979 : vector<16xi32>
        %select_n3A_981 = arith.select %lt3A_977, %add3A_980, %xor3A_4 : vector<16xi1>, vector<16xi32>
        %broadcast_in_dim3A_982 = vector.shape_cast %select_n3A_981 : vector<16xi32> to vector<16x1xi32>
        %gather3A_983 = vector.shape_cast %broadcast_in_dim3A_982 : vector<16x1xi32> to vector<16xi32>
        %gather3A_984 = tpu.dynamic_gather %add3A_664[%gather3A_983] in [0] : vector<16xf32>, vector<16xi32> -> vector<16xf32>
        %add3A_985 = arith.addf %add3A_664, %gather3A_984 : vector<16xf32>
        %lt3A_986 = arith.constant 0 : i32
        %lt3A_987 = vector.broadcast %lt3A_986 : i32 to vector<16xi32>
        %lt3A_988 = arith.cmpi slt, %xor3A_4, %lt3A_987 : vector<16xi32>
        %add3A_989 = arith.constant 16 : i32
        %add3A_990 = vector.broadcast %add3A_989 : i32 to vector<16xi32>
        %add3A_991 = arith.addi %xor3A_4, %add3A_990 : vector<16xi32>
        %select_n3A_992 = arith.select %lt3A_988, %add3A_991, %xor3A_4 : vector<16xi1>, vector<16xi32>
        %broadcast_in_dim3A_993 = vector.shape_cast %select_n3A_992 : vector<16xi32> to vector<16x1xi32>
        %gather3A_994 = vector.shape_cast %broadcast_in_dim3A_993 : vector<16x1xi32> to vector<16xi32>
        %gather3A_995 = tpu.dynamic_gather %add3A_691[%gather3A_994] in [0] : vector<16xf32>, vector<16xi32> -> vector<16xf32>
        %add3A_996 = arith.addf %add3A_691, %gather3A_995 : vector<16xf32>
        %select_n3A_997 = arith.select %ne3A_17, %add3A_996, %add3A_985 : vector<16xi1>, vector<16xf32>
        %lt3A_998 = arith.constant 0 : i32
        %lt3A_999 = vector.broadcast %lt3A_998 : i32 to vector<16xi32>
        %lt3A_1000 = arith.cmpi slt, %xor3A_4, %lt3A_999 : vector<16xi32>
        %add3A_1001 = arith.constant 16 : i32
        %add3A_1002 = vector.broadcast %add3A_1001 : i32 to vector<16xi32>
        %add3A_1003 = arith.addi %xor3A_4, %add3A_1002 : vector<16xi32>
        %select_n3A_1004 = arith.select %lt3A_1000, %add3A_1003, %xor3A_4 : vector<16xi1>, vector<16xi32>
        %broadcast_in_dim3A_1005 = vector.shape_cast %select_n3A_1004 : vector<16xi32> to vector<16x1xi32>
        %gather3A_1006 = vector.shape_cast %broadcast_in_dim3A_1005 : vector<16x1xi32> to vector<16xi32>
        %gather3A_1007 = tpu.dynamic_gather %add3A_718[%gather3A_1006] in [0] : vector<16xf32>, vector<16xi32> -> vector<16xf32>
        %add3A_1008 = arith.addf %add3A_718, %gather3A_1007 : vector<16xf32>
        %lt3A_1009 = arith.constant 0 : i32
        %lt3A_1010 = vector.broadcast %lt3A_1009 : i32 to vector<16xi32>
        %lt3A_1011 = arith.cmpi slt, %xor3A_4, %lt3A_1010 : vector<16xi32>
        %add3A_1012 = arith.constant 16 : i32
        %add3A_1013 = vector.broadcast %add3A_1012 : i32 to vector<16xi32>
        %add3A_1014 = arith.addi %xor3A_4, %add3A_1013 : vector<16xi32>
        %select_n3A_1015 = arith.select %lt3A_1011, %add3A_1014, %xor3A_4 : vector<16xi1>, vector<16xi32>
        %broadcast_in_dim3A_1016 = vector.shape_cast %select_n3A_1015 : vector<16xi32> to vector<16x1xi32>
        %gather3A_1017 = vector.shape_cast %broadcast_in_dim3A_1016 : vector<16x1xi32> to vector<16xi32>
        %gather3A_1018 = tpu.dynamic_gather %add3A_745[%gather3A_1017] in [0] : vector<16xf32>, vector<16xi32> -> vector<16xf32>
        %add3A_1019 = arith.addf %add3A_745, %gather3A_1018 : vector<16xf32>
        %select_n3A_1020 = arith.select %ne3A_17, %add3A_1019, %add3A_1008 : vector<16xi1>, vector<16xf32>
        %lt3A_1021 = arith.constant 0 : i32
        %lt3A_1022 = vector.broadcast %lt3A_1021 : i32 to vector<16xi32>
        %lt3A_1023 = arith.cmpi slt, %xor3A_4, %lt3A_1022 : vector<16xi32>
        %add3A_1024 = arith.constant 16 : i32
        %add3A_1025 = vector.broadcast %add3A_1024 : i32 to vector<16xi32>
        %add3A_1026 = arith.addi %xor3A_4, %add3A_1025 : vector<16xi32>
        %select_n3A_1027 = arith.select %lt3A_1023, %add3A_1026, %xor3A_4 : vector<16xi1>, vector<16xi32>
        %broadcast_in_dim3A_1028 = vector.shape_cast %select_n3A_1027 : vector<16xi32> to vector<16x1xi32>
        %gather3A_1029 = vector.shape_cast %broadcast_in_dim3A_1028 : vector<16x1xi32> to vector<16xi32>
        %gather3A_1030 = tpu.dynamic_gather %add3A_772[%gather3A_1029] in [0] : vector<16xf32>, vector<16xi32> -> vector<16xf32>
        %add3A_1031 = arith.addf %add3A_772, %gather3A_1030 : vector<16xf32>
        %lt3A_1032 = arith.constant 0 : i32
        %lt3A_1033 = vector.broadcast %lt3A_1032 : i32 to vector<16xi32>
        %lt3A_1034 = arith.cmpi slt, %xor3A_4, %lt3A_1033 : vector<16xi32>
        %add3A_1035 = arith.constant 16 : i32
        %add3A_1036 = vector.broadcast %add3A_1035 : i32 to vector<16xi32>
        %add3A_1037 = arith.addi %xor3A_4, %add3A_1036 : vector<16xi32>
        %select_n3A_1038 = arith.select %lt3A_1034, %add3A_1037, %xor3A_4 : vector<16xi1>, vector<16xi32>
        %broadcast_in_dim3A_1039 = vector.shape_cast %select_n3A_1038 : vector<16xi32> to vector<16x1xi32>
        %gather3A_1040 = vector.shape_cast %broadcast_in_dim3A_1039 : vector<16x1xi32> to vector<16xi32>
        %gather3A_1041 = tpu.dynamic_gather %add3A_799[%gather3A_1040] in [0] : vector<16xf32>, vector<16xi32> -> vector<16xf32>
        %add3A_1042 = arith.addf %add3A_799, %gather3A_1041 : vector<16xf32>
        %select_n3A_1043 = arith.select %ne3A_17, %add3A_1042, %add3A_1031 : vector<16xi1>, vector<16xf32>
        %lt3A_1044 = arith.constant 0 : i32
        %lt3A_1045 = vector.broadcast %lt3A_1044 : i32 to vector<16xi32>
        %lt3A_1046 = arith.cmpi slt, %xor3A_4, %lt3A_1045 : vector<16xi32>
        %add3A_1047 = arith.constant 16 : i32
        %add3A_1048 = vector.broadcast %add3A_1047 : i32 to vector<16xi32>
        %add3A_1049 = arith.addi %xor3A_4, %add3A_1048 : vector<16xi32>
        %select_n3A_1050 = arith.select %lt3A_1046, %add3A_1049, %xor3A_4 : vector<16xi1>, vector<16xi32>
        %broadcast_in_dim3A_1051 = vector.shape_cast %select_n3A_1050 : vector<16xi32> to vector<16x1xi32>
        %gather3A_1052 = vector.shape_cast %broadcast_in_dim3A_1051 : vector<16x1xi32> to vector<16xi32>
        %gather3A_1053 = tpu.dynamic_gather %add3A_826[%gather3A_1052] in [0] : vector<16xf32>, vector<16xi32> -> vector<16xf32>
        %add3A_1054 = arith.addf %add3A_826, %gather3A_1053 : vector<16xf32>
        %lt3A_1055 = arith.constant 0 : i32
        %lt3A_1056 = vector.broadcast %lt3A_1055 : i32 to vector<16xi32>
        %lt3A_1057 = arith.cmpi slt, %xor3A_4, %lt3A_1056 : vector<16xi32>
        %add3A_1058 = arith.constant 16 : i32
        %add3A_1059 = vector.broadcast %add3A_1058 : i32 to vector<16xi32>
        %add3A_1060 = arith.addi %xor3A_4, %add3A_1059 : vector<16xi32>
        %select_n3A_1061 = arith.select %lt3A_1057, %add3A_1060, %xor3A_4 : vector<16xi1>, vector<16xi32>
        %broadcast_in_dim3A_1062 = vector.shape_cast %select_n3A_1061 : vector<16xi32> to vector<16x1xi32>
        %gather3A_1063 = vector.shape_cast %broadcast_in_dim3A_1062 : vector<16x1xi32> to vector<16xi32>
        %gather3A_1064 = tpu.dynamic_gather %add3A_853[%gather3A_1063] in [0] : vector<16xf32>, vector<16xi32> -> vector<16xf32>
        %add3A_1065 = arith.addf %add3A_853, %gather3A_1064 : vector<16xf32>
        %select_n3A_1066 = arith.select %ne3A_17, %add3A_1065, %add3A_1054 : vector<16xi1>, vector<16xf32>
        %lt3A_1067 = arith.constant 0 : i32
        %lt3A_1068 = vector.broadcast %lt3A_1067 : i32 to vector<16xi32>
        %lt3A_1069 = arith.cmpi slt, %xor3A_4, %lt3A_1068 : vector<16xi32>
        %add3A_1070 = arith.constant 16 : i32
        %add3A_1071 = vector.broadcast %add3A_1070 : i32 to vector<16xi32>
        %add3A_1072 = arith.addi %xor3A_4, %add3A_1071 : vector<16xi32>
        %select_n3A_1073 = arith.select %lt3A_1069, %add3A_1072, %xor3A_4 : vector<16xi1>, vector<16xi32>
        %broadcast_in_dim3A_1074 = vector.shape_cast %select_n3A_1073 : vector<16xi32> to vector<16x1xi32>
        %gather3A_1075 = vector.shape_cast %broadcast_in_dim3A_1074 : vector<16x1xi32> to vector<16xi32>
        %gather3A_1076 = tpu.dynamic_gather %add3A_880[%gather3A_1075] in [0] : vector<16xf32>, vector<16xi32> -> vector<16xf32>
        %add3A_1077 = arith.addf %add3A_880, %gather3A_1076 : vector<16xf32>
        %lt3A_1078 = arith.constant 0 : i32
        %lt3A_1079 = vector.broadcast %lt3A_1078 : i32 to vector<16xi32>
        %lt3A_1080 = arith.cmpi slt, %xor3A_4, %lt3A_1079 : vector<16xi32>
        %add3A_1081 = arith.constant 16 : i32
        %add3A_1082 = vector.broadcast %add3A_1081 : i32 to vector<16xi32>
        %add3A_1083 = arith.addi %xor3A_4, %add3A_1082 : vector<16xi32>
        %select_n3A_1084 = arith.select %lt3A_1080, %add3A_1083, %xor3A_4 : vector<16xi1>, vector<16xi32>
        %broadcast_in_dim3A_1085 = vector.shape_cast %select_n3A_1084 : vector<16xi32> to vector<16x1xi32>
        %gather3A_1086 = vector.shape_cast %broadcast_in_dim3A_1085 : vector<16x1xi32> to vector<16xi32>
        %gather3A_1087 = tpu.dynamic_gather %add3A_907[%gather3A_1086] in [0] : vector<16xf32>, vector<16xi32> -> vector<16xf32>
        %add3A_1088 = arith.addf %add3A_907, %gather3A_1087 : vector<16xf32>
        %select_n3A_1089 = arith.select %ne3A_17, %add3A_1088, %add3A_1077 : vector<16xi1>, vector<16xf32>
        %lt3A_1090 = arith.constant 0 : i32
        %lt3A_1091 = vector.broadcast %lt3A_1090 : i32 to vector<16xi32>
        %lt3A_1092 = arith.cmpi slt, %xor3A_7, %lt3A_1091 : vector<16xi32>
        %add3A_1093 = arith.constant 16 : i32
        %add3A_1094 = vector.broadcast %add3A_1093 : i32 to vector<16xi32>
        %add3A_1095 = arith.addi %xor3A_7, %add3A_1094 : vector<16xi32>
        %select_n3A_1096 = arith.select %lt3A_1092, %add3A_1095, %xor3A_7 : vector<16xi1>, vector<16xi32>
        %broadcast_in_dim3A_1097 = vector.shape_cast %select_n3A_1096 : vector<16xi32> to vector<16x1xi32>
        %gather3A_1098 = vector.shape_cast %broadcast_in_dim3A_1097 : vector<16x1xi32> to vector<16xi32>
        %gather3A_1099 = tpu.dynamic_gather %select_n3A_928[%gather3A_1098] in [0] : vector<16xf32>, vector<16xi32> -> vector<16xf32>
        %add3A_1100 = arith.addf %select_n3A_928, %gather3A_1099 : vector<16xf32>
        %lt3A_1101 = arith.constant 0 : i32
        %lt3A_1102 = vector.broadcast %lt3A_1101 : i32 to vector<16xi32>
        %lt3A_1103 = arith.cmpi slt, %xor3A_7, %lt3A_1102 : vector<16xi32>
        %add3A_1104 = arith.constant 16 : i32
        %add3A_1105 = vector.broadcast %add3A_1104 : i32 to vector<16xi32>
        %add3A_1106 = arith.addi %xor3A_7, %add3A_1105 : vector<16xi32>
        %select_n3A_1107 = arith.select %lt3A_1103, %add3A_1106, %xor3A_7 : vector<16xi1>, vector<16xi32>
        %broadcast_in_dim3A_1108 = vector.shape_cast %select_n3A_1107 : vector<16xi32> to vector<16x1xi32>
        %gather3A_1109 = vector.shape_cast %broadcast_in_dim3A_1108 : vector<16x1xi32> to vector<16xi32>
        %gather3A_1110 = tpu.dynamic_gather %select_n3A_951[%gather3A_1109] in [0] : vector<16xf32>, vector<16xi32> -> vector<16xf32>
        %add3A_1111 = arith.addf %select_n3A_951, %gather3A_1110 : vector<16xf32>
        %select_n3A_1112 = arith.select %ne3A_23, %add3A_1111, %add3A_1100 : vector<16xi1>, vector<16xf32>
        %lt3A_1113 = arith.constant 0 : i32
        %lt3A_1114 = vector.broadcast %lt3A_1113 : i32 to vector<16xi32>
        %lt3A_1115 = arith.cmpi slt, %xor3A_7, %lt3A_1114 : vector<16xi32>
        %add3A_1116 = arith.constant 16 : i32
        %add3A_1117 = vector.broadcast %add3A_1116 : i32 to vector<16xi32>
        %add3A_1118 = arith.addi %xor3A_7, %add3A_1117 : vector<16xi32>
        %select_n3A_1119 = arith.select %lt3A_1115, %add3A_1118, %xor3A_7 : vector<16xi1>, vector<16xi32>
        %broadcast_in_dim3A_1120 = vector.shape_cast %select_n3A_1119 : vector<16xi32> to vector<16x1xi32>
        %gather3A_1121 = vector.shape_cast %broadcast_in_dim3A_1120 : vector<16x1xi32> to vector<16xi32>
        %gather3A_1122 = tpu.dynamic_gather %select_n3A_974[%gather3A_1121] in [0] : vector<16xf32>, vector<16xi32> -> vector<16xf32>
        %add3A_1123 = arith.addf %select_n3A_974, %gather3A_1122 : vector<16xf32>
        %lt3A_1124 = arith.constant 0 : i32
        %lt3A_1125 = vector.broadcast %lt3A_1124 : i32 to vector<16xi32>
        %lt3A_1126 = arith.cmpi slt, %xor3A_7, %lt3A_1125 : vector<16xi32>
        %add3A_1127 = arith.constant 16 : i32
        %add3A_1128 = vector.broadcast %add3A_1127 : i32 to vector<16xi32>
        %add3A_1129 = arith.addi %xor3A_7, %add3A_1128 : vector<16xi32>
        %select_n3A_1130 = arith.select %lt3A_1126, %add3A_1129, %xor3A_7 : vector<16xi1>, vector<16xi32>
        %broadcast_in_dim3A_1131 = vector.shape_cast %select_n3A_1130 : vector<16xi32> to vector<16x1xi32>
        %gather3A_1132 = vector.shape_cast %broadcast_in_dim3A_1131 : vector<16x1xi32> to vector<16xi32>
        %gather3A_1133 = tpu.dynamic_gather %select_n3A_997[%gather3A_1132] in [0] : vector<16xf32>, vector<16xi32> -> vector<16xf32>
        %add3A_1134 = arith.addf %select_n3A_997, %gather3A_1133 : vector<16xf32>
        %select_n3A_1135 = arith.select %ne3A_23, %add3A_1134, %add3A_1123 : vector<16xi1>, vector<16xf32>
        %lt3A_1136 = arith.constant 0 : i32
        %lt3A_1137 = vector.broadcast %lt3A_1136 : i32 to vector<16xi32>
        %lt3A_1138 = arith.cmpi slt, %xor3A_7, %lt3A_1137 : vector<16xi32>
        %add3A_1139 = arith.constant 16 : i32
        %add3A_1140 = vector.broadcast %add3A_1139 : i32 to vector<16xi32>
        %add3A_1141 = arith.addi %xor3A_7, %add3A_1140 : vector<16xi32>
        %select_n3A_1142 = arith.select %lt3A_1138, %add3A_1141, %xor3A_7 : vector<16xi1>, vector<16xi32>
        %broadcast_in_dim3A_1143 = vector.shape_cast %select_n3A_1142 : vector<16xi32> to vector<16x1xi32>
        %gather3A_1144 = vector.shape_cast %broadcast_in_dim3A_1143 : vector<16x1xi32> to vector<16xi32>
        %gather3A_1145 = tpu.dynamic_gather %select_n3A_1020[%gather3A_1144] in [0] : vector<16xf32>, vector<16xi32> -> vector<16xf32>
        %add3A_1146 = arith.addf %select_n3A_1020, %gather3A_1145 : vector<16xf32>
        %lt3A_1147 = arith.constant 0 : i32
        %lt3A_1148 = vector.broadcast %lt3A_1147 : i32 to vector<16xi32>
        %lt3A_1149 = arith.cmpi slt, %xor3A_7, %lt3A_1148 : vector<16xi32>
        %add3A_1150 = arith.constant 16 : i32
        %add3A_1151 = vector.broadcast %add3A_1150 : i32 to vector<16xi32>
        %add3A_1152 = arith.addi %xor3A_7, %add3A_1151 : vector<16xi32>
        %select_n3A_1153 = arith.select %lt3A_1149, %add3A_1152, %xor3A_7 : vector<16xi1>, vector<16xi32>
        %broadcast_in_dim3A_1154 = vector.shape_cast %select_n3A_1153 : vector<16xi32> to vector<16x1xi32>
        %gather3A_1155 = vector.shape_cast %broadcast_in_dim3A_1154 : vector<16x1xi32> to vector<16xi32>
        %gather3A_1156 = tpu.dynamic_gather %select_n3A_1043[%gather3A_1155] in [0] : vector<16xf32>, vector<16xi32> -> vector<16xf32>
        %add3A_1157 = arith.addf %select_n3A_1043, %gather3A_1156 : vector<16xf32>
        %select_n3A_1158 = arith.select %ne3A_23, %add3A_1157, %add3A_1146 : vector<16xi1>, vector<16xf32>
        %lt3A_1159 = arith.constant 0 : i32
        %lt3A_1160 = vector.broadcast %lt3A_1159 : i32 to vector<16xi32>
        %lt3A_1161 = arith.cmpi slt, %xor3A_7, %lt3A_1160 : vector<16xi32>
        %add3A_1162 = arith.constant 16 : i32
        %add3A_1163 = vector.broadcast %add3A_1162 : i32 to vector<16xi32>
        %add3A_1164 = arith.addi %xor3A_7, %add3A_1163 : vector<16xi32>
        %select_n3A_1165 = arith.select %lt3A_1161, %add3A_1164, %xor3A_7 : vector<16xi1>, vector<16xi32>
        %broadcast_in_dim3A_1166 = vector.shape_cast %select_n3A_1165 : vector<16xi32> to vector<16x1xi32>
        %gather3A_1167 = vector.shape_cast %broadcast_in_dim3A_1166 : vector<16x1xi32> to vector<16xi32>
        %gather3A_1168 = tpu.dynamic_gather %select_n3A_1066[%gather3A_1167] in [0] : vector<16xf32>, vector<16xi32> -> vector<16xf32>
        %add3A_1169 = arith.addf %select_n3A_1066, %gather3A_1168 : vector<16xf32>
        %lt3A_1170 = arith.constant 0 : i32
        %lt3A_1171 = vector.broadcast %lt3A_1170 : i32 to vector<16xi32>
        %lt3A_1172 = arith.cmpi slt, %xor3A_7, %lt3A_1171 : vector<16xi32>
        %add3A_1173 = arith.constant 16 : i32
        %add3A_1174 = vector.broadcast %add3A_1173 : i32 to vector<16xi32>
        %add3A_1175 = arith.addi %xor3A_7, %add3A_1174 : vector<16xi32>
        %select_n3A_1176 = arith.select %lt3A_1172, %add3A_1175, %xor3A_7 : vector<16xi1>, vector<16xi32>
        %broadcast_in_dim3A_1177 = vector.shape_cast %select_n3A_1176 : vector<16xi32> to vector<16x1xi32>
        %gather3A_1178 = vector.shape_cast %broadcast_in_dim3A_1177 : vector<16x1xi32> to vector<16xi32>
        %gather3A_1179 = tpu.dynamic_gather %select_n3A_1089[%gather3A_1178] in [0] : vector<16xf32>, vector<16xi32> -> vector<16xf32>
        %add3A_1180 = arith.addf %select_n3A_1089, %gather3A_1179 : vector<16xf32>
        %select_n3A_1181 = arith.select %ne3A_23, %add3A_1180, %add3A_1169 : vector<16xi1>, vector<16xf32>
        %lt3A_1182 = arith.constant 0 : i32
        %lt3A_1183 = vector.broadcast %lt3A_1182 : i32 to vector<16xi32>
        %lt3A_1184 = arith.cmpi slt, %xor3A_10, %lt3A_1183 : vector<16xi32>
        %add3A_1185 = arith.constant 16 : i32
        %add3A_1186 = vector.broadcast %add3A_1185 : i32 to vector<16xi32>
        %add3A_1187 = arith.addi %xor3A_10, %add3A_1186 : vector<16xi32>
        %select_n3A_1188 = arith.select %lt3A_1184, %add3A_1187, %xor3A_10 : vector<16xi1>, vector<16xi32>
        %broadcast_in_dim3A_1189 = vector.shape_cast %select_n3A_1188 : vector<16xi32> to vector<16x1xi32>
        %gather3A_1190 = vector.shape_cast %broadcast_in_dim3A_1189 : vector<16x1xi32> to vector<16xi32>
        %gather3A_1191 = tpu.dynamic_gather %select_n3A_1112[%gather3A_1190] in [0] : vector<16xf32>, vector<16xi32> -> vector<16xf32>
        %add3A_1192 = arith.addf %select_n3A_1112, %gather3A_1191 : vector<16xf32>
        %lt3A_1193 = arith.constant 0 : i32
        %lt3A_1194 = vector.broadcast %lt3A_1193 : i32 to vector<16xi32>
        %lt3A_1195 = arith.cmpi slt, %xor3A_10, %lt3A_1194 : vector<16xi32>
        %add3A_1196 = arith.constant 16 : i32
        %add3A_1197 = vector.broadcast %add3A_1196 : i32 to vector<16xi32>
        %add3A_1198 = arith.addi %xor3A_10, %add3A_1197 : vector<16xi32>
        %select_n3A_1199 = arith.select %lt3A_1195, %add3A_1198, %xor3A_10 : vector<16xi1>, vector<16xi32>
        %broadcast_in_dim3A_1200 = vector.shape_cast %select_n3A_1199 : vector<16xi32> to vector<16x1xi32>
        %gather3A_1201 = vector.shape_cast %broadcast_in_dim3A_1200 : vector<16x1xi32> to vector<16xi32>
        %gather3A_1202 = tpu.dynamic_gather %select_n3A_1135[%gather3A_1201] in [0] : vector<16xf32>, vector<16xi32> -> vector<16xf32>
        %add3A_1203 = arith.addf %select_n3A_1135, %gather3A_1202 : vector<16xf32>
        %select_n3A_1204 = arith.select %ne3A_29, %add3A_1203, %add3A_1192 : vector<16xi1>, vector<16xf32>
        %lt3A_1205 = arith.constant 0 : i32
        %lt3A_1206 = vector.broadcast %lt3A_1205 : i32 to vector<16xi32>
        %lt3A_1207 = arith.cmpi slt, %xor3A_10, %lt3A_1206 : vector<16xi32>
        %add3A_1208 = arith.constant 16 : i32
        %add3A_1209 = vector.broadcast %add3A_1208 : i32 to vector<16xi32>
        %add3A_1210 = arith.addi %xor3A_10, %add3A_1209 : vector<16xi32>
        %select_n3A_1211 = arith.select %lt3A_1207, %add3A_1210, %xor3A_10 : vector<16xi1>, vector<16xi32>
        %broadcast_in_dim3A_1212 = vector.shape_cast %select_n3A_1211 : vector<16xi32> to vector<16x1xi32>
        %gather3A_1213 = vector.shape_cast %broadcast_in_dim3A_1212 : vector<16x1xi32> to vector<16xi32>
        %gather3A_1214 = tpu.dynamic_gather %select_n3A_1158[%gather3A_1213] in [0] : vector<16xf32>, vector<16xi32> -> vector<16xf32>
        %add3A_1215 = arith.addf %select_n3A_1158, %gather3A_1214 : vector<16xf32>
        %lt3A_1216 = arith.constant 0 : i32
        %lt3A_1217 = vector.broadcast %lt3A_1216 : i32 to vector<16xi32>
        %lt3A_1218 = arith.cmpi slt, %xor3A_10, %lt3A_1217 : vector<16xi32>
        %add3A_1219 = arith.constant 16 : i32
        %add3A_1220 = vector.broadcast %add3A_1219 : i32 to vector<16xi32>
        %add3A_1221 = arith.addi %xor3A_10, %add3A_1220 : vector<16xi32>
        %select_n3A_1222 = arith.select %lt3A_1218, %add3A_1221, %xor3A_10 : vector<16xi1>, vector<16xi32>
        %broadcast_in_dim3A_1223 = vector.shape_cast %select_n3A_1222 : vector<16xi32> to vector<16x1xi32>
        %gather3A_1224 = vector.shape_cast %broadcast_in_dim3A_1223 : vector<16x1xi32> to vector<16xi32>
        %gather3A_1225 = tpu.dynamic_gather %select_n3A_1181[%gather3A_1224] in [0] : vector<16xf32>, vector<16xi32> -> vector<16xf32>
        %add3A_1226 = arith.addf %select_n3A_1181, %gather3A_1225 : vector<16xf32>
        %select_n3A_1227 = arith.select %ne3A_29, %add3A_1226, %add3A_1215 : vector<16xi1>, vector<16xf32>
        %lt3A_1228 = arith.constant 0 : i32
        %lt3A_1229 = vector.broadcast %lt3A_1228 : i32 to vector<16xi32>
        %lt3A_1230 = arith.cmpi slt, %xor3A_13, %lt3A_1229 : vector<16xi32>
        %add3A_1231 = arith.constant 16 : i32
        %add3A_1232 = vector.broadcast %add3A_1231 : i32 to vector<16xi32>
        %add3A_1233 = arith.addi %xor3A_13, %add3A_1232 : vector<16xi32>
        %select_n3A_1234 = arith.select %lt3A_1230, %add3A_1233, %xor3A_13 : vector<16xi1>, vector<16xi32>
        %broadcast_in_dim3A_1235 = vector.shape_cast %select_n3A_1234 : vector<16xi32> to vector<16x1xi32>
        %gather3A_1236 = vector.shape_cast %broadcast_in_dim3A_1235 : vector<16x1xi32> to vector<16xi32>
        %gather3A_1237 = tpu.dynamic_gather %select_n3A_1204[%gather3A_1236] in [0] : vector<16xf32>, vector<16xi32> -> vector<16xf32>
        %add3A_1238 = arith.addf %select_n3A_1204, %gather3A_1237 : vector<16xf32>
        %lt3A_1239 = arith.constant 0 : i32
        %lt3A_1240 = vector.broadcast %lt3A_1239 : i32 to vector<16xi32>
        %lt3A_1241 = arith.cmpi slt, %xor3A_13, %lt3A_1240 : vector<16xi32>
        %add3A_1242 = arith.constant 16 : i32
        %add3A_1243 = vector.broadcast %add3A_1242 : i32 to vector<16xi32>
        %add3A_1244 = arith.addi %xor3A_13, %add3A_1243 : vector<16xi32>
        %select_n3A_1245 = arith.select %lt3A_1241, %add3A_1244, %xor3A_13 : vector<16xi1>, vector<16xi32>
        %broadcast_in_dim3A_1246 = vector.shape_cast %select_n3A_1245 : vector<16xi32> to vector<16x1xi32>
        %gather3A_1247 = vector.shape_cast %broadcast_in_dim3A_1246 : vector<16x1xi32> to vector<16xi32>
        %gather3A_1248 = tpu.dynamic_gather %select_n3A_1227[%gather3A_1247] in [0] : vector<16xf32>, vector<16xi32> -> vector<16xf32>
        %add3A_1249 = arith.addf %select_n3A_1227, %gather3A_1248 : vector<16xf32>
        %select_n3A_1250 = arith.select %ne3A_35, %add3A_1249, %add3A_1238 : vector<16xi1>, vector<16xf32>
        %mul3A_1251 = arith.constant 200 : i32
        %mul3A_1252 = arith.muli %select_n3A_363, %mul3A_1251 : i32
        %add3A_1253 = arith.addi %mul3A_1252, %select_n3A_468 : i32
        %swap3A = arith.index_cast %add3A_1253 : i32 to index
        %swap3A_1254 = tpu.vector_load %arg9[%swap3A] {strides = array<i32>} : memref<800xf32, #tpu.memory_space<vmem>>, vector<16xf32>,
        tpu.vector_store %arg9[%swap3A], %select_n3A_1250 {strides = array<i32>} : memref<800xf32, #tpu.memory_space<vmem>>, vector<16xf32>,
      }
      %scan3A_446 = arith.constant 13 : i32
      %mul3A_447 = arith.constant 200 : i32
      %mul3A_448 = arith.muli %select_n3A_363, %mul3A_447 : i32
      %add3A_449 = arith.addi %mul3A_2, %add3A_345 : i32
      %mul3A_450 = arith.constant 200 : i32
      %mul3A_451 = arith.muli %add3A_449, %mul3A_450 : i32
      %dma_start3A_452 = tpu.memref_slice %arg9[%mul3A_448] : memref<800xf32, #tpu.memory_space<vmem>> -> memref<200xf32, #tpu.memory_space<vmem>>
      %dma_start3A_453 = tpu.memref_slice %arg5[%mul3A_451] : memref<3276800xf32, #tpu.memory_space<hbm>> -> memref<200xf32, #tpu.memory_space<hbm>>
      %dma_start3A_454 = tpu.memref_slice %arg13[%select_n3A_363] : memref<4x!tpu.dma_semaphore, #tpu.memory_space<semaphore_mem>> -> memref<1x!tpu.dma_semaphore, #tpu.memory_space<semaphore_mem>>
      %dma_start3A_455 = tpu.memref_squeeze %dma_start3A_454 : memref<1x!tpu.dma_semaphore, #tpu.memory_space<semaphore_mem>> -> memref<!tpu.dma_semaphore, #tpu.memory_space<semaphore_mem>>
      %dma_start3A_456 = tpu.memref_slice %arg5[%mul3A_451] : memref<3276800xf32, #tpu.memory_space<hbm>> -> memref<200xf32, #tpu.memory_space<hbm>>
      %dma_start3A_457 = tpu.memref_slice %arg9[%mul3A_448] : memref<800xf32, #tpu.memory_space<vmem>> -> memref<200xf32, #tpu.memory_space<vmem>>
      tpu.enqueue_dma source(%dma_start3A_457 : memref<200xf32, #tpu.memory_space<vmem>>) target(%dma_start3A_456 : memref<200xf32, #tpu.memory_space<hbm>>) target_semaphore(%dma_start3A_455 : memref<!tpu.dma_semaphore, #tpu.memory_space<semaphore_mem>>)
    }
    %scan3A_185 = arith.constant 256 : i32
    %add3A_186 = arith.constant 508 : i32
    %add3A_187 = arith.addi %mul3A_2, %add3A_186 : i32
    %mul3A_188 = arith.constant 200 : i32
    %mul3A_189 = arith.muli %add3A_187, %mul3A_188 : i32
    %dma_wait3A_190 = arith.constant 0 : i32
    %dma_wait3A_191 = arith.constant 0 : i32
    %dma_wait3A_192 = tpu.memref_slice %arg9[%dma_wait3A_191] : memref<800xf32, #tpu.memory_space<vmem>> -> memref<200xf32, #tpu.memory_space<vmem>>
    %dma_wait3A_193 = tpu.memref_slice %arg5[%mul3A_189] : memref<3276800xf32, #tpu.memory_space<hbm>> -> memref<200xf32, #tpu.memory_space<hbm>>
    %dma_wait3A_194 = tpu.memref_slice %arg13[%dma_wait3A_190] : memref<4x!tpu.dma_semaphore, #tpu.memory_space<semaphore_mem>> -> memref<1x!tpu.dma_semaphore, #tpu.memory_space<semaphore_mem>>
    %dma_wait3A_195 = tpu.memref_squeeze %dma_wait3A_194 : memref<1x!tpu.dma_semaphore, #tpu.memory_space<semaphore_mem>> -> memref<!tpu.dma_semaphore, #tpu.memory_space<semaphore_mem>>
    %dma_wait3A_196 = tpu.memref_slice %arg5[%mul3A_189] : memref<3276800xf32, #tpu.memory_space<hbm>> -> memref<200xf32, #tpu.memory_space<hbm>>
    %dma_wait3A_197 = arith.constant 0 : i32
    %dma_wait3A_198 = tpu.memref_slice %arg9[%dma_wait3A_197] : memref<800xf32, #tpu.memory_space<vmem>> -> memref<200xf32, #tpu.memory_space<vmem>>
    tpu.wait_dma2 semaphore(%dma_wait3A_195 : memref<!tpu.dma_semaphore, #tpu.memory_space<semaphore_mem>>) src(%dma_wait3A_198 : memref<200xf32, #tpu.memory_space<vmem>>) dst(%dma_wait3A_196 : memref<200xf32, #tpu.memory_space<hbm>>)
    %add3A_199 = arith.constant 509 : i32
    %add3A_200 = arith.addi %mul3A_2, %add3A_199 : i32
    %mul3A_201 = arith.constant 200 : i32
    %mul3A_202 = arith.muli %add3A_200, %mul3A_201 : i32
    %dma_wait3A_203 = arith.constant 1 : i32
    %dma_wait3A_204 = arith.constant 200 : i32
    %dma_wait3A_205 = tpu.memref_slice %arg9[%dma_wait3A_204] : memref<800xf32, #tpu.memory_space<vmem>> -> memref<200xf32, #tpu.memory_space<vmem>>
    %dma_wait3A_206 = tpu.memref_slice %arg5[%mul3A_202] : memref<3276800xf32, #tpu.memory_space<hbm>> -> memref<200xf32, #tpu.memory_space<hbm>>
    %dma_wait3A_207 = tpu.memref_slice %arg13[%dma_wait3A_203] : memref<4x!tpu.dma_semaphore, #tpu.memory_space<semaphore_mem>> -> memref<1x!tpu.dma_semaphore, #tpu.memory_space<semaphore_mem>>
    %dma_wait3A_208 = tpu.memref_squeeze %dma_wait3A_207 : memref<1x!tpu.dma_semaphore, #tpu.memory_space<semaphore_mem>> -> memref<!tpu.dma_semaphore, #tpu.memory_space<semaphore_mem>>
    %dma_wait3A_209 = tpu.memref_slice %arg5[%mul3A_202] : memref<3276800xf32, #tpu.memory_space<hbm>> -> memref<200xf32, #tpu.memory_space<hbm>>
    %dma_wait3A_210 = arith.constant 200 : i32
    %dma_wait3A_211 = tpu.memref_slice %arg9[%dma_wait3A_210] : memref<800xf32, #tpu.memory_space<vmem>> -> memref<200xf32, #tpu.memory_space<vmem>>
    tpu.wait_dma2 semaphore(%dma_wait3A_208 : memref<!tpu.dma_semaphore, #tpu.memory_space<semaphore_mem>>) src(%dma_wait3A_211 : memref<200xf32, #tpu.memory_space<vmem>>) dst(%dma_wait3A_209 : memref<200xf32, #tpu.memory_space<hbm>>)
    %add3A_212 = arith.constant 510 : i32
    %add3A_213 = arith.addi %mul3A_2, %add3A_212 : i32
    %mul3A_214 = arith.constant 200 : i32
    %mul3A_215 = arith.muli %add3A_213, %mul3A_214 : i32
    %dma_wait3A_216 = arith.constant 2 : i32
    %dma_wait3A_217 = arith.constant 400 : i32
    %dma_wait3A_218 = tpu.memref_slice %arg9[%dma_wait3A_217] : memref<800xf32, #tpu.memory_space<vmem>> -> memref<200xf32, #tpu.memory_space<vmem>>
    %dma_wait3A_219 = tpu.memref_slice %arg5[%mul3A_215] : memref<3276800xf32, #tpu.memory_space<hbm>> -> memref<200xf32, #tpu.memory_space<hbm>>
    %dma_wait3A_220 = tpu.memref_slice %arg13[%dma_wait3A_216] : memref<4x!tpu.dma_semaphore, #tpu.memory_space<semaphore_mem>> -> memref<1x!tpu.dma_semaphore, #tpu.memory_space<semaphore_mem>>
    %dma_wait3A_221 = tpu.memref_squeeze %dma_wait3A_220 : memref<1x!tpu.dma_semaphore, #tpu.memory_space<semaphore_mem>> -> memref<!tpu.dma_semaphore, #tpu.memory_space<semaphore_mem>>
    %dma_wait3A_222 = tpu.memref_slice %arg5[%mul3A_215] : memref<3276800xf32, #tpu.memory_space<hbm>> -> memref<200xf32, #tpu.memory_space<hbm>>
    %dma_wait3A_223 = arith.constant 400 : i32
    %dma_wait3A_224 = tpu.memref_slice %arg9[%dma_wait3A_223] : memref<800xf32, #tpu.memory_space<vmem>> -> memref<200xf32, #tpu.memory_space<vmem>>
    tpu.wait_dma2 semaphore(%dma_wait3A_221 : memref<!tpu.dma_semaphore, #tpu.memory_space<semaphore_mem>>) src(%dma_wait3A_224 : memref<200xf32, #tpu.memory_space<vmem>>) dst(%dma_wait3A_222 : memref<200xf32, #tpu.memory_space<hbm>>)
    %add3A_225 = arith.constant 511 : i32
    %add3A_226 = arith.addi %mul3A_2, %add3A_225 : i32
    %mul3A_227 = arith.constant 200 : i32
    %mul3A_228 = arith.muli %add3A_226, %mul3A_227 : i32
    %dma_wait3A_229 = arith.constant 3 : i32
    %dma_wait3A_230 = arith.constant 600 : i32
    %dma_wait3A_231 = tpu.memref_slice %arg9[%dma_wait3A_230] : memref<800xf32, #tpu.memory_space<vmem>> -> memref<200xf32, #tpu.memory_space<vmem>>
    %dma_wait3A_232 = tpu.memref_slice %arg5[%mul3A_228] : memref<3276800xf32, #tpu.memory_space<hbm>> -> memref<200xf32, #tpu.memory_space<hbm>>
    %dma_wait3A_233 = tpu.memref_slice %arg13[%dma_wait3A_229] : memref<4x!tpu.dma_semaphore, #tpu.memory_space<semaphore_mem>> -> memref<1x!tpu.dma_semaphore, #tpu.memory_space<semaphore_mem>>
    %dma_wait3A_234 = tpu.memref_squeeze %dma_wait3A_233 : memref<1x!tpu.dma_semaphore, #tpu.memory_space<semaphore_mem>> -> memref<!tpu.dma_semaphore, #tpu.memory_space<semaphore_mem>>
    %dma_wait3A_235 = tpu.memref_slice %arg5[%mul3A_228] : memref<3276800xf32, #tpu.memory_space<hbm>> -> memref<200xf32, #tpu.memory_space<hbm>>
    %dma_wait3A_236 = arith.constant 600 : i32
    %dma_wait3A_237 = tpu.memref_slice %arg9[%dma_wait3A_236] : memref<800xf32, #tpu.memory_space<vmem>> -> memref<200xf32, #tpu.memory_space<vmem>>
    tpu.wait_dma2 semaphore(%dma_wait3A_234 : memref<!tpu.dma_semaphore, #tpu.memory_space<semaphore_mem>>) src(%dma_wait3A_237 : memref<200xf32, #tpu.memory_space<vmem>>) dst(%dma_wait3A_235 : memref<200xf32, #tpu.memory_space<hbm>>)
    return
  }
}

</mosaic_0001>

<sc_bundles>
// kernel: kernel.3.cloned.1.call-start
scs
__scs_entry_jumppad:
0x0: {  	(pc) =	sbr.rel $0x88, $3  }
0x1: {  	(tag) =	ssettag $0x0;
	lr =	simm.s32 $0x1  }
0x2: {  	[smem:$0x3F9E] =	sst lr;
	_ =	strace $0xD0000000  }
0x3: {  	_ = 	snop  }
0x4: {  	_ = 	snop  }
0x5: {  	_ = 	snop  }
0x6: {  	_ = 	snop  }
0x7: {  	_ = 	snop  }
__scs_overlays_trampoline_lowered:
0x8: {  	[smem:$0x3FAD] =	sst s0  }
0x9: {  	[smem:$0x3FAE] =	sst s1  }
0xa: {  	[smem:$0x3FAF] =	sst s2  }
0xb: {  	[smem:$0x3FB0] =	sst s3  }
0xc: {  	[smem:$0x3FB1] =	sst s4  }
0xd: {  	[smem:$0x3FB2] =	sst s5  }
0xe: {  	[smem:$0x3FB3] =	sst s6  }
0xf: {  	[smem:$0x3FB4] =	sst s7  }
0x10: {  	[smem:$0x3FB5] =	sst s8  }
0x11: {  	[smem:$0x3FB6] =	sst s9;
	s0 =	simm.s32 @!p0 $0x0  }
0x12: {  	s1 =	sld [smem:$0x3F9C];
	s0 =	simm.s32 @p0 $0x1  }
0x13: {  	[smem:$0x3FB7] =	sst s0;
	s0 =	simm.s32 @!p1 $0x0  }
0x14: {  	s2 =	sld [smem:$0x3F9B];
	s0 =	simm.s32 @p1 $0x1  }
0x15: {  	[smem:$0x3FB8] =	sst s0;
	s0 =	simm.s32 @!p2 $0x0  }
0x16: {  	s3 =	sld [smem:$0x3FDB];
	s0 =	simm.s32 @p2 $0x1  }
0x17: {  	s4 =	simm.s32 $0x1BF5;
	[smem:$0x3FBA] =	sst s0  }
0x18: {  	s0 =	sld [smem:$0x3F9D];
	_ =	swait.ge [sflag:s4], $0x0  }
0x19: {  	s7 =	sld [smem:$0x3F9E]  }
0x1a: {  	s8 =	sadd.s32 $0xFFFFE003, lr  }
0x1b: {  	s9 =	sadd.s32 $0xFFFFFEF7, lr;
	s5 =	simm.s32 $0xFFFFFFFF;
	p2 =	slt.u32 s8, $0xFFFFF086  }
0x1c: {  	p1 =	slt.u32 s9, $0xF7A;
	s5 =	simm.s32 @!p2 $0x0  }
0x1d: {  	s5 =	simm.s32 @p1 $0x1;
	p0 =	seq.s32 s7, s2  }
0x1e: {  	s7 =	smul.u32 @!p0 $0xF7A, s2;
	p2 =	seq.s32 @!p0 s5, $0x0  }
0x1f: {  	s9 =	smul.u32 $0xF7A, s1;
	s8 =	simm.s32 @!p0 $0x1BF5;
	p2 =	por !p2, p0  }
0x20: {  	[sflag:s8] =	ssyncset.s32 @!p0 $0xFFFFF086;
	s6 =	sadd.s32 @!p0 s3, s7;
	s7 =	simm.s32 @!p0 $0x108  }
0x21: {  	s3 =	sadd.s32 s3, s9;
	s6 =	sadd.s32 @!p0 $0x88, s6;
	s7 =	simm.s32 @p2 $0x1082  }
0x22: {  	[simem:s7], [sflag:s8] =	dma.local @!p0 [hbm:s6], $0xF7A  }
0x23: {  	s9 =	sor.u32 $0xD0000000, s2;
	s6 =	simm.s32 $0x108;
	_ =	swait.ge @!p0 [sflag:s8], $0x0  }
0x24: {  	s3 =	sadd.s32 $0x88, s3;
	s6 =	simm.s32 @!p1 $0x1082;
	[sflag:s4] =	ssyncset.s32 $0xFFFFF086  }
0x25: {  	[simem:s6], [sflag:s4] =	dma.local [hbm:s3], $0xF7A  }
0x26: {  	[smem:$0x3F9E] =	sst s1;
	(tag) =	ssettag s2;
	_ =	strace s9  }
0x27: {  	s1 =	sld [smem:$0x3FAE]  }
0x28: {  	s2 =	sld [smem:$0x3FAF]  }
0x29: {  	s4 =	sld [smem:$0x3FB1]  }
0x2a: {  	p0 =	seq.s32 s5, $0x0;
	s5 =	sld [smem:$0x3FB2]  }
0x2b: {  	s6 =	sld [smem:$0x3FB3]  }
0x2c: {  	s7 =	sld [smem:$0x3FB4]  }
0x2d: {  	s3 =	simm.s32 $0x108;
	s8 =	sld [smem:$0x3FB5]  }
0x2e: {  	s3 =	simm.s32 @!p0 $0x1082;
	s9 =	sld [smem:$0x3FB6]  }
0x2f: {  	lr =	sadd.s32 s0, s3;
	s0 =	sld [smem:$0x3FAD]  }
0x30: {  	s3 =	sld [smem:$0x3FB0]  }
0x31: {  	[smem:$0x3FB9] =	sst s10  }
0x32: {  	s10 =	sld [smem:$0x3FB7];
	_ =	sdelay $0x3  }
0x33: {  	p0 =	seq.s32 s10, $0x1;
	s10 =	sld [smem:$0x3FB9];
	_ =	sdelay $0x3  }
0x34: {  	[smem:$0x3FB9] =	sst s10  }
0x35: {  	s10 =	sld [smem:$0x3FB8];
	_ =	sdelay $0x3  }
0x36: {  	p1 =	seq.s32 s10, $0x1;
	s10 =	sld [smem:$0x3FB9];
	_ =	sdelay $0x3  }
0x37: {  	[smem:$0x3FB9] =	sst s10  }
0x38: {  	s10 =	sld [smem:$0x3FBA]  }
0x39: {  	_ = 	snop;
	(pc) =	sbr.ind lr, $3  }
0x3a: {  	_ = 	snop  }
0x3b: {  	_ = 	snop  }
0x3c: {  	p2 =	seq.s32 s10, $0x1;
	s10 =	sld [smem:$0x3FB9]  }
0x3d: {  	_ =	shalt  }
0x3e: {  	_ =	shalt  }
0x3f: {  	_ =	shalt  }
0x40: {  	_ =	shalt  }
0x41: {  	_ =	shalt  }
0x42: {  	_ =	shalt  }
0x43: {  	_ =	shalt  }
0x44: {  	_ =	shalt  }
0x45: {  	_ =	shalt  }
0x46: {  	_ =	shalt  }
0x47: {  	_ =	shalt  }
0x48: {  	_ =	shalt  }
0x49: {  	_ =	shalt  }
0x4a: {  	_ =	shalt  }
0x4b: {  	_ =	shalt  }
0x4c: {  	_ =	shalt  }
0x4d: {  	_ =	shalt  }
0x4e: {  	_ =	shalt  }
0x4f: {  	_ =	shalt  }
0x50: {  	_ =	shalt  }
0x51: {  	_ =	shalt  }
0x52: {  	_ =	shalt  }
0x53: {  	_ =	shalt  }
0x54: {  	_ =	shalt  }
0x55: {  	_ =	shalt  }
0x56: {  	_ =	shalt  }
0x57: {  	_ =	shalt  }
0x58: {  	_ =	shalt  }
0x59: {  	_ =	shalt  }
0x5a: {  	_ =	shalt  }
0x5b: {  	_ =	shalt  }
0x5c: {  	_ =	shalt  }
0x5d: {  	_ =	shalt  }
0x5e: {  	_ =	shalt  }
0x5f: {  	_ =	shalt  }
0x60: {  	_ =	shalt  }
0x61: {  	_ =	shalt  }
0x62: {  	_ =	shalt  }
0x63: {  	_ =	shalt  }
0x64: {  	_ =	shalt  }
0x65: {  	_ =	shalt  }
0x66: {  	_ =	shalt  }
0x67: {  	_ =	shalt  }
0x68: {  	_ =	shalt  }
0x69: {  	_ =	shalt  }
0x6a: {  	_ =	shalt  }
0x6b: {  	_ =	shalt  }
0x6c: {  	_ =	shalt  }
0x6d: {  	_ =	shalt  }
0x6e: {  	_ =	shalt  }
0x6f: {  	_ =	shalt  }
0x70: {  	_ =	shalt  }
0x71: {  	_ =	shalt  }
0x72: {  	_ =	shalt  }
0x73: {  	_ =	shalt  }
0x74: {  	_ =	shalt  }
0x75: {  	_ =	shalt  }
0x76: {  	_ =	shalt  }
0x77: {  	_ =	shalt  }
0x78: {  	_ =	shalt  }
0x79: {  	_ =	shalt  }
0x7a: {  	_ =	shalt  }
0x7b: {  	_ =	shalt  }
0x7c: {  	_ =	shalt  }
0x7d: {  	_ =	shalt  }
0x7e: {  	_ =	shalt  }
0x7f: {  	_ =	shalt  }
0x80: {  	_ =	shalt  }
0x81: {  	_ =	shalt  }
0x82: {  	_ =	shalt  }
0x83: {  	_ =	shalt  }
0x84: {  	_ =	shalt  }
0x85: {  	_ =	shalt  }
0x86: {  	_ =	shalt  }
0x87: {  	_ =	shalt  }
.Lfunc_end0:
.L_simem_size_0:
called_computation_lowered:
.L_overlay_start_0:
0x88: {  	s2 =	sld [smem:$0x3FD9]  }
0x89: {  	s3 =	sld [smem:$0x3FFE];
	_ =	sdelay $0x1  }
0x8a: {  	s1 =	srdreg.scid  }
0x8b: {  	s0 =	sand.u32 $0x1, s1  }
0x8c: {  	s17 =	sshll.u32 s0, $0xA;
	s2 =	sadd.s32 s3, s2  }
0x8d: {  	s2 =	sadd.s32 s2, s17  }
0x8e: {  	[smem:$0x3FC5] =	sst s2  }
0x8f: {  	_ = 	snop  }
0x90: {  	s2 =	sld [smem:$0x3FD0];
	(tm) =	ssettm $0x1  }
0x91: {  	s18 =	sld [smem:$0x3FFB];
	_ =	sdelay $0x3  }
0x92: {  	_ =	strace s18  }
0x93: {  	s3 =	sld [smem:$0x3FFC];
	_ =	sdelay $0x3  }
0x94: {  	_ =	strace s3  }
0x95: {  	s3 =	sld [smem:$0x3FFD];
	_ =	sdelay $0x3  }
0x96: {  	_ =	strace s3  }
0x97: {  	_ =	strace $0x8FFFFFFF  }
0x98: {  	s19 =	sld [smem:$0x3FDB];
	_ =	sdelay $0x1  }
0x99: {  	s4 =	simm.s32 $_scs_section_size  }
0x9a: {  	s5 =	simm.s32 $_size__tile_overlayer_lowered;
	s6 =	simm.s32 $_tile_overlayer_lowered  }
0x9b: {  	s22 =	simm.s32 $0x1BFF;
	s21 =	sshll.u32 s6, $0x1;
	s3 =	sadd.s32 s4, s19  }
0x9c: {  	s7 =	simm.s32 $0x0;
	s20 =	sshll.u32 s5, $0x1;
	s5 =	sadd.s32 s21, s3  }
0x9d: {  	[timem:s7], [sflag:s22] =	dma.local [hbm:s5], s20  }
0x9e: {  	_ =	swait.ge [sflag:s22], s20  }
0x9f: {  	s4 =	ssub.s32 $0x0, s20;
	[sflag:s22] =	ssyncset.done $0x0  }
0xa0: {  	[sflag:s22] =	ssyncadd.s32 s4;
	_ =	sdelay $0x1  }
0xa1: {  	s23 =	simm.s32 $0x1B8B  }
0xa2: {  	_ =	swait.ge [sflag:s23], $0x1  }
0xa3: {  	[sflag:s23] =	ssyncset.done $0x0  }
0xa4: {  	s25 =	simm.s32 $0x1B8E;
	s24 =	sld [smem:$0x3FFE];
	[sflag:s23] =	ssyncadd.s32 $0xFFFFFFFF  }
0xa5: {  	s26 =	simm.s32 $execute0_lowered;
	[smem:$0x3FD2] =	sst s25  }
0xa6: {  	s5 =	sshll.u32 s26, $0x1;
	_ =	strace $0x80000046;
	[dreg:$0x1] =	wrdreg $0xFFFFFFFF  }
0xa7: {  	s28 =	simm.s32 $_size_execute0_lowered;
	s3 =	sadd.s32 s3, s5;
	[dreg:$0x0] =	wrdreg $0x0  }
0xa8: {  	s5 =	sshll.u32 s28, $0x1;
	[dreg:$0x2] =	wrdreg s3  }
0xa9: {  	[dreg:$0x3] =	wrdreg s5  }
0xaa: {  	[dreg:$0x4] =	wrdreg $0xC0  }
0xab: {  	_ =	task [dreg:s7], $0x5FFFF  }
0xac: {  	[dreg:$0x1] =	wrdreg $0xFFFFFFFF  }
0xad: {  	[dreg:$0x0] =	wrdreg $0x60  }
0xae: {  	[dreg:$0x2] =	wrdreg s24  }
0xaf: {  	[dreg:$0x3] =	wrdreg s2  }
0xb0: {  	[dreg:$0x4] =	wrdreg $0x9  }
0xb1: {  	_ =	task.clear_ibuf [dreg:s7], $0x5FFFF;
	_ =	strace $0x90000046  }
0xb2: {  	s29 =	simm.s32 $0x9;
	_ =	strace $0x80000048  }
0xb3: {  	_ =	swait.ge [sflag:s29], $0x1  }
0xb4: {  	[sflag:s29] =	ssyncadd.s32 $0xFFFFFFFF  }
0xb5: {  	_ =	strace $0x90000048  }
0xb6: {  	_ =	sfence  }
0xb7: {  	s30 =	sld [smem:$0x0];
	_ =	sdelay $0x2  }
0xb8: {  	s31 =	sshll.u32 s1, $0xD;
	s1 =	sshrl.u32 s1, $0x2  }
0xb9: {  	s3 =	sand.u32 $0x4000, s31;
	s1 =	sadd.s32 s1, s30  }
0xba: {  	s0 =	sor.u32 s3, s0;
	s1 =	sshll.u32 s1, $0x11  }
0xbb: {  	s0 =	sor.u32 s1, s0  }
0xbc: {  	s0 =	sadd.s32 $0x8F2B, s0  }
0xbd: {  	[sflag:s0] =	ssyncadd.remote.s32 $0x1  }
0xbe: {  	_ =	sfence.sel $0xFFFF  }
0xbf: {  	[dreg:$0x0] =	wrdreg $0xFFFFFFFF;
	(pc) =	sbr.abs _section_cstart, $3  }
0xc0: {  	[dreg:$0x1] =	wrdreg $0xFFFFFFFF  }
0xc1: {  	_ =	task.clear_ibuf [dreg:s7], $0x2FFFF;
	_ =	strace $0x9FFFFFFF  }
0xc2: {  	(tm) =	ssettm $0x7FFFFFFF  }
0xc3: {  	_ =	shalt  }
tec
execute0_lowered:
.L_overlay_start_1:
0x0: {  	(tag) =	ssettag $0x1  }
0x1: {  	v0 =	vimm.s32 $0xEFCDAB89  }
0x2: {  	vm0 =	vcmask $0xB08;
	vm1 =	vcmask $0x300;
	v1 =	vimm.s32 $0x67452301  }
0x3: {  	v2 =	vimm.s32 $0xDCFE98BA;
	v3 =	vimm.s32 $0x54761032;
	vm2 =	vcmask $0x700  }
0x4: {  	vm3 =	vcmask $0x3B38;
	v4 =	vimm.s32 $0xFEDCBA98;
	v5 =	vimm.s32 $0x76543210  }
0x5: {  	s0 =	rddreg [dreg:$0x0];
	v0 =	vunpack.c.l.s4.s8 v0;
	vm0 =	vmor vm1, vm0;
	vm1 =	vcmask $0x1310  }
0x6: {  	s1 =	rddreg [dreg:$0x1];
	v1 =	vunpack.c.l.s4.s8 v1;
	v2 =	vunpack.c.l.s4.s8 v2;
	v3 =	vunpack.c.l.s4.s8 v3  }
0x7: {  	s3 =	simm.s32 $0x0;
	s2 =	srdreg.scid;
	s4 =	stileid.u32;
	v4 =	vunpack.c.l.s4.s8 v4;
	vm0 =	vmor vm0, vm1;
	vm1 =	vcmask $0x1B18  }
0x8: {  	s21 =	simm.s32 $0x1;
	s22 =	simm.s32 $0x68;
	s28 =	simm.s32 $0x2;
	v0 =	vunpack.c.0.s8.s32 v0;
	vm0 =	vmor vm0, vm1;
	vm1 =	vcmask $0x2320  }
0x9: {  	s19 =	simm.s32 $0xE;
	s20 =	simm.s32 $0xF;
	s23 =	simm.s32 $0x10;
	v1 =	vunpack.c.0.s8.s32 v1;
	vm0 =	vmor vm0, vm1;
	vm1 =	vcmask $0x2B28  }
0xa: {  	[smem:$0x7FF] =	sst s3;
	s2 =	sand.u32 $0x1, s2;
	s6 =	sadd.s32 $0xF42C00, s0;
	v4 =	vunpack.c.0.s8.s32 v4;
	vm0 =	vmor vm0, vm1;
	vm1 =	vcmask $0x3330  }
0xb: {  	s4 =	sshll.u32 s4, $0x1;
	s7 =	sadd.s32 $0x20800, s0;
	_ =	strace $0x80000047;
	v0 =	vcombine.low v1, v0;
	v1 =	vunpack.c.0.s8.s32 v2;
	v2 =	vunpack.c.0.s8.s32 v3  }
0xc: {  	s9 =	sor.u32 s2, s4;
	s4 =	sadd.s32 $0x800, s0;
	s2 =	ssub.s32 $0x2, s2;
	v3 =	vimm.s32 $0x32107654;
	vm0 =	vmor vm0, vm1;
	vm1 =	vcmask $0x1710  }
0xd: {  	s5 =	sshll.u32 s9, $0x9;
	s8 =	smul.u32 $0x3200, s9;
	s11 =	sshrl.u32 s2, $0x1;
	v3 =	vunpack.c.l.s4.s8 v3;
	v1 =	vcombine.low v2, v1;
	v2 =	vimm.s32 $0xBA98FEDC  }
0xe: {  	s29 =	sshll.u32 s9, $0xC;
	s10 =	sor.u32 $0x1, s5;
	s24 =	ssub.s32 s2, s11;
	vm1 =	vmor vm2, vm1;
	vm2 =	vcmask $0x2720;
	v2 =	vunpack.c.l.s4.s8 v2  }
0xf: {  	v5 =	vunpack.c.l.s4.s8 v5;
	s2 =	sadd.s32 s4, s29;
	s14 =	sor.u32 $0x2, s5;
	s15 =	sor.u32 $0x4, s5;
	v4 =	vand.u32 $0xF, v4;
	vm1 =	vmor vm1, vm2  }
0x10: {  	s16 =	sor.u32 $0x5, s5;
	s12 =	smul.u32 $0x19, s10;
	s8 =	sadd.s32 s1, s8;
	vm2 =	vcmask $0x3730;
	v3 =	vunpack.c.0.s8.s32 v3;
	v2 =	vunpack.c.0.s8.s32 v2  }
0x11: {  	[dreg:$0x6] =	wrdreg s2;
	s31 =	sshll.u32 s10, $0x3;
	s26 =	sadd.s32 $0x32, s8;
	vm0 =	vmor vm0, vm3;
	vm3 =	vcmask $0xF00;
	vm1 =	vmor vm1, vm2  }
0x12: {  	s17 =	smax.u32 s24, $0x1;
	s30 =	sadd.s32 $0x4B, s8;
	[dreg:$0x4] =	wrdreg s26;
	vm2 =	vcmask $0x2F20;
	v2 =	vcombine.low v3, v2;
	v3 =	vunpack.c.0.s8.s32 v5  }
0x13: {  	s2 =	simm.s32 $0xD;
	s25 =	sadd.s32 s1, s12;
	[dreg:$0x5] =	wrdreg s30;
	v0 =	vand.u32 $0xF, v0;
	v1 =	vand.u32 $0xF, v1;
	vm2 =	vmor vm3, vm2  }
0x14: {  	s24 =	simm.s32 $0x0;
	s13 =	sadd.s32 s4, s31;
	[dreg:$0x3] =	wrdreg s25;
	vm3 =	vmmov $0xff;
	v2 =	vand.u32 $0xF, v2;
	v3 =	vcombine.low v4, v3  }
.LBB2_1:
0x15: {  	[tilespmem:s3], [sflag:$0x1] =	stream.linear.gather [hbm4b:s8+s3], $0xC8, $0x38;
	[tilespmem:$0xD760] =	vst v63  }
0x16: {  	s0 =	rddreg [dreg:$0x3];
	s9 =	simm.s32 $0xD0  }
0x17: {  	[tilespmem:s9], [sflag:$0x2] =	stream.linear.gather [hbm4b:s0+s3], $0xC8, $0x38;
	[tilespmem:$0xD760] =	vst v63  }
0x18: {  	s29 =	rddreg [dreg:$0x4];
	s10 =	simm.s32 $0x1A0  }
0x19: {  	[tilespmem:s10], [sflag:$0x3] =	stream.linear.gather [hbm4b:s29+s3], $0xC8, $0x38;
	[tilespmem:$0xD760] =	vst v63  }
0x1a: {  	s30 =	rddreg [dreg:$0x5];
	s31 =	simm.s32 $0x270  }
0x1b: {  	[tilespmem:s31], [sflag:$0x4] =	stream.linear.gather [hbm4b:s30+s3], $0xC8, $0x38;
	[tilespmem:$0xD760] =	vst v63  }
0x1c: {  	_ =	swait.ge [sflag:s21], $0xC8  }
0x1d: {  	[sflag:s21] =	ssyncset.done $0x0  }
0x1e: {  	s10 =	simm.s32 $0x340;
	[sflag:s21] =	ssyncadd.s32 $0xFFFFFF38  }
0x1f: {  	[tilespmem:s10], [sflag:$0x5] =	stream.indirect.gather [hbm4b:s6+s22], $0x40, s3, s22, $0xb8;
	[tilespmem:$0xD760] =	vst v63  }
0x20: {  	s11 =	simm.s32 $0x60;
	s12 =	simm.s32 $0x1D40  }
0x21: {  	[tilespmem:s12], [sflag:$0x5] =	stream.indirect.gather [hbm4b:s6+s22], $0x40, s11, s22, $0xb8;
	[tilespmem:$0xD760] =	vst v63  }
0x22: {  	s25 =	simm.s32 $0xD340;
	s18 =	rddreg [dreg:$0x6]  }
0x23: {  	[tilespmem:s25], [sflag:$0x9] =	stream.linear.gather [hbm4b:s18+s3], $0x40, $0x38;
	[tilespmem:$0xD760] =	vst v63  }
0x24: {  	_ =	swait.ge [sflag:s28], $0xC8  }
0x25: {  	[sflag:s28] =	ssyncset.done $0x0  }
0x26: {  	s26 =	simm.s32 $0x3740;
	[sflag:s28] =	ssyncadd.s32 $0xFFFFFF38  }
0x27: {  	[tilespmem:s26], [sflag:$0x6] =	stream.indirect.gather [hbm4b:s6+s22], $0x40, s9, s22, $0xb8;
	[tilespmem:$0xD760] =	vst v63  }
0x28: {  	s29 =	simm.s32 $0x130;
	s30 =	simm.s32 $0x5140  }
0x29: {  	[tilespmem:s30], [sflag:$0x6] =	stream.indirect.gather [hbm4b:s6+s22], $0x40, s29, s22, $0xb8;
	[tilespmem:$0xD760] =	vst v63  }
0x2a: {  	s31 =	simm.s32 $0xD380;
	s25 =	simm.s32 $0x0  }
0x2b: {  	[tilespmem:s31], [sflag:$0xA] =	stream.linear.gather [hbm4b:s13+s3], $0x40, $0x38;
	[tilespmem:$0xD760] =	vst v63  }
.LBB2_2:
0x2c: {  	s26 =	sshll.u32 s25, $0x1  }
0x2d: {  	p0 =	seq.s32 s25, $0xFF;
	s0 =	sand.u32 $0x2, s26  }
0x2e: {  	s9 =	sxor.u32 @!p0 $0x2, s0  }
0x2f: {  	s10 =	sadd.s32 @!p0 $0x1, s9;
	s18 =	smul.u32 @!p0 $0xD000, s9  }
0x30: {  	s31 =	simm.s32 @!p0 $0x68;
	s29 =	smul.u32 @!p0 $0x340, s9;
	_ =	swait.ge @!p0 [sflag:s10], $0xC8  }
0x31: {  	s30 =	sadd.s32 @!p0 $0x5, s9;
	[sflag:s10] =	ssyncset.done @!p0 $0x0;
	s18 =	sshrl.u32 @!p0 s18, $0x2  }
0x32: {  	s29 =	sshrl.u32 @!p0 s29, $0x2;
	[sflag:s10] =	ssyncadd.s32 @!p0 $0xFFFFFF38;
	s10 =	sor.u32 @!p0 $0x340, s18  }
0x33: {  	[tilespmem:s10], [sflag:s30] =	stream.indirect.gather @!p0 [hbm4b:s6+s31], $0x40, s29, s31, $0xb8;
	[tilespmem:$0xD760] =	vst v63  }
0x34: {  	s10 =	sadd.s32 @!p0 $0x1D40, s18;
	s18 =	sadd.s32 @!p0 $0x60, s29  }
0x35: {  	[tilespmem:s10], [sflag:s30] =	stream.indirect.gather @!p0 [hbm4b:s6+s31], $0x40, s18, s31, $0xb8;
	[tilespmem:$0xD760] =	vst v63  }
0x36: {  	s10 =	sadd.s32 @!p0 s26, s14  }
0x37: {  	p1 =	slt.u32 @!p0 s25, $0x2;
	s10 =	sshll.u32 @!p0 s10, $0x3  }
0x38: {  	s29 =	simm.s32 @!p0 $0x0;
	s18 =	sshll.u32 @!p0 s9, $0x6;
	s10 =	sand.u32 @!p0 $0x1FFFFFF0, s10  }
0x39: {  	s9 =	sadd.s32 @!p0 $0x9, s9;
	s18 =	sadd.s32 @!p0 $0xD340, s18;
	s10 =	sadd.s32 @!p0 s4, s10  }
0x3a: {  	[tilespmem:s18], [sflag:s9] =	stream.linear.gather @!p0 [hbm4b:s10+s29], $0x40, $0x38;
	[tilespmem:$0xD760] =	vst v63  }
0x3b: {  	p1 =	por p0, !p1;
	s29 =	sadd.s32 $0xD, s0  }
0x3c: {  	_ =	swait.ge @p1 [sflag:s29], $0xC8  }
0x3d: {  	[sflag:s29] =	ssyncset.done @p1 $0x0  }
0x3e: {  	s11 =	sadd.s32 $0x5, s0;
	[sflag:s29] =	ssyncadd.s32 @p1 $0xFFFFFF38  }
0x3f: {  	_ =	swait.ge [sflag:s11], $0x1A00  }
0x40: {  	[sflag:s11] =	ssyncset.done $0x0  }
0x41: {  	[sflag:s11] =	ssyncadd.s32 $0xFFFFE600  }
0x42: {  	p2 =	por @!p0 $0x0, $0x0;
	s12 =	sadd.s32 $0x9, s0;
	_ =	swait.ge [sflag:s11], $0x1A00  }
0x43: {  	p2 =	por @p1 $0x1, $0x1;
	p1 =	sgt.u32 s25, $0xFD;
	[sflag:s11] =	ssyncset.done $0x0  }
0x44: {  	s10 =	smul.u32 @!p1 $0x340, s0;
	s18 =	sadd.s32 @!p1 s26, s15;
	[sflag:s11] =	ssyncadd.s32 $0xFFFFE600  }
0x45: {  	s18 =	smul.u32 @!p1 $0x19, s18;
	_ =	swait.ge [sflag:s12], $0x40  }
0x46: {  	s30 =	simm.s32 @!p1 $0x0;
	s9 =	sshrl.u32 @!p1 s10, $0x2;
	[sflag:s12] =	ssyncset.done $0x0  }
0x47: {  	s10 =	sadd.s32 @!p1 $0x1, s0;
	s18 =	sadd.s32 @!p1 s1, s18;
	[sflag:s12] =	ssyncadd.s32 $0xFFFFFFC0  }
0x48: {  	[tilespmem:s9], [sflag:s10] =	stream.linear.gather @!p1 [hbm4b:s18+s30], $0xC8, $0x38;
	[tilespmem:$0xD760] =	vst v63  }
0x49: {  	p3 =	por $0x0, $0x0;
	s30 =	simm.s32 $0x0  }
0x4a: {  	s31 =	smul.u32 $0xD0, s0;
	s30 =	simm.s32 @p3 $0xB8  }
0x4b: {  	s11 =	sshll.u32 s0, $0x6;
	s10 =	simm.s32 $0x8;
	p3 =	sgt.u32 s30, $0x5F  }
0x4c: {  	v4 =	vld [tilespmem:s11+$0xD340];
	s12 =	sadd.s32 s31, s30;
	s10 =	simm.s32 @!p3 $0x0  }
0x4d: {  	v5 =	vld [tilespmem:s11+$0xD350];
	s10 =	sadd.s32 s10, s12  }
0x4e: {  	v6 =	vld [tilespmem:s11+$0xD360];
	s10 =	sshll.u32 s10, $0x6  }
0x4f: {  	v7 =	vld [tilespmem:s11+$0xD370];
	s9 =	sand.u32 $0x3FFFFFC0, s10  }
0x50: {  	v8 =	vld [tilespmem:s9+$0x340]  }
0x51: {  	v9 =	vld [tilespmem:s9+$0x350]  }
0x52: {  	v10 =	vld [tilespmem:s9+$0x360]  }
0x53: {  	v11 =	vld [tilespmem:s9+$0x370]  }
0x54: {  	v12 =	vld [tilespmem:s9+$0x380]  }
0x55: {  	v13 =	vld [tilespmem:s9+$0x390]  }
0x56: {  	v14 =	vld [tilespmem:s9+$0x3A0]  }
0x57: {  	v15 =	vld [tilespmem:s9+$0x3B0]  }
0x58: {  	v16 =	vld [tilespmem:s9+$0x3C0]  }
0x59: {  	v17 =	vld [tilespmem:s9+$0x3D0]  }
0x5a: {  	v18 =	vld [tilespmem:s9+$0x3E0]  }
0x5b: {  	v19 =	vld [tilespmem:s9+$0x3F0]  }
0x5c: {  	v20 =	vld [tilespmem:s9+$0x400]  }
0x5d: {  	v21 =	vld [tilespmem:s9+$0x410]  }
0x5e: {  	v22 =	vld [tilespmem:s9+$0x420]  }
0x5f: {  	v23 =	vld [tilespmem:s9+$0x430]  }
0x60: {  	v24 =	vld [tilespmem:s9+$0x440]  }
0x61: {  	v25 =	vld [tilespmem:s9+$0x450]  }
0x62: {  	v26 =	vld [tilespmem:s9+$0x460]  }
0x63: {  	v27 =	vld [tilespmem:s9+$0x470]  }
0x64: {  	v28 =	vld [tilespmem:s9+$0x480];
	v8 =	vmul.f32 v8, v4;
	v9 =	vmul.f32 v9, v5  }
0x65: {  	v29 =	vld [tilespmem:s9+$0x490];
	v10 =	vmul.f32 v10, v6;
	v11 =	vmul.f32 v11, v7  }
0x66: {  	v30 =	vld [tilespmem:s9+$0x4A0];
	v12 =	vmul.f32 v12, v4;
	v13 =	vmul.f32 v13, v5  }
0x67: {  	v31 =	vld [tilespmem:s9+$0x4D0];
	v14 =	vmul.f32 v14, v6;
	v15 =	vmul.f32 v15, v7  }
0x68: {  	v32 =	vld [tilespmem:s9+$0x4F0];
	v8 =	vadd.f32 v9, v8;
	v9 =	vadd.f32 v11, v10  }
0x69: {  	v10 =	vld [tilespmem:s9+$0x4B0];
	v11 =	vadd.f32 v13, v12;
	v12 =	vadd.f32 v15, v14  }
0x6a: {  	v33 =	vld [tilespmem:s9+$0x500];
	v8 =	vadd.f32 v9, v8  }
0x6b: {  	v15 =	vld [tilespmem:s9+$0x4C0];
	v14 =	vmul.f32 v16, v4;
	v16 =	vmul.f32 v17, v5;
	v9 =	vadd.f32 v12, v11  }
0x6c: {  	v34 =	vld [tilespmem:s9+$0x510];
	v17 =	vmul.f32 v19, v7;
	v12 =	vperm.xlane v8, v0  }
0x6d: {  	v35 =	vld [tilespmem:s9+$0x520];
	v19 =	vmul.f32 v25, v5;
	v13 =	vperm.xlane v9, v0  }
0x6e: {  	v11 =	vld [tilespmem:s9+$0x4E0];
	v10 =	vmul.f32 v10, v7;
	v8 =	vadd.f32 v12, v8;
	v12 =	vmul.f32 v18, v6  }
0x6f: {  	v9 =	vadd.f32 v13, v9;
	v13 =	vadd.f32 v16, v14;
	v14 =	vmul.f32 v20, v4;
	v20 =	vld [tilespmem:s9+$0x530]  }
0x70: {  	v15 =	vmul.f32 v15, v4;
	v16 =	vmul.f32 v21, v5;
	v21 =	vld [tilespmem:s9+$0x540]  }
0x71: {  	v18 =	vmul.f32 v23, v7;
	v12 =	vadd.f32 v17, v12;
	v17 =	vmul.f32 v22, v6;
	v22 =	vld [tilespmem:s9+$0x550]  }
0x72: {  	v23 =	vmul.f32 v27, v7;
	v14 =	vadd.f32 v16, v14;
	v16 =	vmul.f32 v24, v4;
	v24 =	vld [tilespmem:s9+$0x560]  }
0x73: {  	v27 =	vld [tilespmem:s9+$0x580];
	v11 =	vmul.f32 v11, v6;
	v9 =	vsel vm0, v8, v9;
	v17 =	vadd.f32 v18, v17  }
0x74: {  	v18 =	vmul.f32 v26, v6;
	v25 =	vadd.f32 v12, v13;
	v12 =	vmul.f32 v28, v4;
	v28 =	vld [tilespmem:s9+$0x5A0]  }
0x75: {  	v13 =	vmul.f32 v29, v5;
	v29 =	vld [tilespmem:s9+$0x5B0];
	v17 =	vadd.f32 v17, v14;
	v14 =	vmul.f32 v30, v6  }
0x76: {  	v26 =	vld [tilespmem:s9+$0x570];
	v16 =	vadd.f32 v19, v16;
	v57 =	vmul.f32 v20, v7;
	v18 =	vadd.f32 v23, v18  }
0x77: {  	v20 =	vld [tilespmem:s9+$0x620];
	v58 =	vmul.f32 v22, v5;
	v59 =	vmul.f32 v24, v6;
	v10 =	vadd.f32 v10, v14  }
0x78: {  	v23 =	vld [tilespmem:s9+$0x590];
	v16 =	vadd.f32 v18, v16;
	v14 =	vperm.xlane v9, v1;
	v18 =	vperm.xlane v25, v0  }
0x79: {  	v12 =	vadd.f32 v13, v12;
	v13 =	vld [tilespmem:s9+$0x5D0];
	v19 =	vperm.xlane v17, v0;
	v28 =	vmul.f32 v28, v6  }
0x7a: {  	v22 =	vld [tilespmem:s9+$0x640];
	v29 =	vmul.f32 v29, v7;
	v30 =	vperm.xlane v16, v0  }
0x7b: {  	v24 =	vld [tilespmem:s9+$0x660];
	v10 =	vadd.f32 v10, v12;
	v36 =	vadd.f32 v18, v25;
	v25 =	vmul.f32 v31, v5  }
0x7c: {  	v12 =	vld [tilespmem:s9+$0x5C0];
	v9 =	vadd.f32 v14, v9;
	v16 =	vadd.f32 v30, v16;
	v30 =	vmul.f32 v32, v7  }
0x7d: {  	v14 =	vld [tilespmem:s9+$0x5E0];
	v37 =	vadd.f32 v19, v17;
	v31 =	vmul.f32 v34, v5;
	v15 =	vadd.f32 v25, v15  }
0x7e: {  	v17 =	vld [tilespmem:s9+$0x5F0];
	v25 =	vmul.f32 v33, v4;
	v11 =	vadd.f32 v30, v11;
	v30 =	vmul.f32 v35, v6  }
0x7f: {  	s0 =	smul.u32 $0x320, s0;
	v18 =	vld [tilespmem:s9+$0x600];
	v28 =	vadd.f32 v29, v28;
	v19 =	vperm.xlane v10, v0  }
0x80: {  	v26 =	vmul.f32 v26, v7;
	v29 =	vld [tilespmem:s9+$0x6B0];
	v25 =	vadd.f32 v31, v25;
	v30 =	vadd.f32 v57, v30  }
0x81: {  	s0 =	sshrl.u32 s0, $0x2;
	v10 =	vadd.f32 v19, v10;
	v19 =	vld [tilespmem:s9+$0x610];
	v31 =	vmul.f32 v21, v4;
	v15 =	vadd.f32 v11, v15  }
0x82: {  	s0 =	sadd.s32 $0xD440, s0;
	v21 =	vld [tilespmem:s9+$0x630];
	v11 =	vmul.f32 v27, v4;
	v27 =	vmul.f32 v23, v5;
	v60 =	vadd.f32 v30, v25  }
0x83: {  	v8 =	vmov s0;
	v23 =	vld [tilespmem:s9+$0x650];
	v30 =	vadd.f32 v58, v31;
	v31 =	vadd.f32 v26, v59  }
0x84: {  	v61 =	vsel vm0, v36, v37;
	v10 =	vsel vm0, v16, v10;
	v25 =	vld [tilespmem:s9+$0x670];
	v11 =	vadd.f32 v27, v11  }
0x85: {  	v16 =	vperm.xlane v61, v1;
	v26 =	vld [tilespmem:s9+$0x680];
	v62 =	vperm.xlane v15, v0;
	v31 =	vadd.f32 v31, v30  }
0x86: {  	v27 =	vld [tilespmem:s9+$0x690];
	v30 =	vperm.xlane v10, v1;
	v32 =	vadd.f32 v28, v11;
	v63 =	vperm.xlane v60, v0  }
0x87: {  	v28 =	vld [tilespmem:s9+$0x6A0];
	v11 =	vadd.f32 v16, v61;
	v15 =	vadd.f32 v62, v15;
	v33 =	vperm.xlane v31, v0  }
0x88: {  	s18 =	sadd.s32 s5, s26;
	s11 =	simm.s32 $0x10;
	v10 =	vadd.f32 v30, v10;
	v30 =	vld [tilespmem:s9+$0x6C0];
	v16 =	vadd.f32 v63, v60;
	v34 =	vperm.xlane v32, v0  }
.LBB2_3:
0x89: {  	p3 =	sne.s32 s11, $0xC0;
	v12 =	vmul.f32 v12, v4;
	v13 =	vmul.f32 v13, v5;
	v35 =	vld [tilespmem:s9+$0x6D0];
	v31 =	vadd.f32 v33, v31  }
0x8a: {  	v14 =	vmul.f32 v14, v6;
	v17 =	vmul.f32 v17, v7;
	v33 =	vld [tilespmem:s9+$0x6E0];
	v32 =	vadd.f32 v34, v32  }
0x8b: {  	v12 =	vadd.f32 v13, v12;
	v13 =	vmul.f32 v18, v4;
	v18 =	vmul.f32 v19, v5;
	v19 =	vld [tilespmem:s9+$0x6F0]  }
0x8c: {  	v14 =	vadd.f32 v17, v14;
	v17 =	vmul.f32 v20, v6;
	v20 =	vmul.f32 v21, v7;
	v21 =	vld [tilespmem:s9+$0x700]  }
0x8d: {  	v13 =	vadd.f32 v18, v13;
	v18 =	vmul.f32 v22, v4;
	v22 =	vmul.f32 v23, v5;
	v23 =	vld [tilespmem:s9+$0x710]  }
0x8e: {  	v17 =	vadd.f32 v20, v17;
	v20 =	vmul.f32 v24, v6;
	v24 =	vmul.f32 v25, v7;
	v25 =	vld [tilespmem:s9+$0x720]  }
0x8f: {  	v12 =	vadd.f32 v14, v12;
	v14 =	vmul.f32 v26, v4;
	v26 =	vmul.f32 v27, v5;
	v27 =	vld [tilespmem:s9+$0x730]  }
0x90: {  	v13 =	vadd.f32 v17, v13;
	v17 =	vmul.f32 v28, v6;
	v28 =	vmul.f32 v29, v7  }
0x91: {  	v18 =	vadd.f32 v22, v18;
	v22 =	vmul.f32 v30, v4;
	v29 =	vmul.f32 v35, v5  }
0x92: {  	v20 =	vadd.f32 v24, v20;
	v24 =	vmul.f32 v33, v6;
	v19 =	vmul.f32 v19, v7  }
0x93: {  	v14 =	vadd.f32 v26, v14;
	v21 =	vmul.f32 v21, v4;
	v23 =	vmul.f32 v23, v5  }
0x94: {  	v17 =	vadd.f32 v28, v17;
	v25 =	vmul.f32 v25, v6;
	v26 =	vmul.f32 v27, v7  }
0x95: {  	v22 =	vadd.f32 v29, v22;
	v19 =	vadd.f32 v19, v24  }
0x96: {  	v21 =	vadd.f32 v23, v21;
	v23 =	vadd.f32 v26, v25  }
0x97: {  	v18 =	vadd.f32 v20, v18;
	v14 =	vadd.f32 v17, v14;
	v17 =	vperm.xlane v12, v0  }
0x98: {  	v19 =	vadd.f32 v19, v22;
	v20 =	vadd.f32 v23, v21;
	v21 =	vperm.xlane v13, v0  }
0x99: {  	v12 =	vadd.f32 v17, v12;
	v17 =	vperm.xlane v18, v0;
	v22 =	vperm.xlane v14, v0  }
0x9a: {  	v13 =	vadd.f32 v21, v13;
	v21 =	vperm.xlane v19, v0;
	v23 =	vperm.xlane v20, v0  }
0x9b: {  	v15 =	vsel vm0, v15, v16;
	v16 =	vadd.f32 v17, v18;
	v14 =	vadd.f32 v22, v14  }
0x9c: {  	v17 =	vsel vm0, v31, v32;
	v18 =	vadd.f32 v21, v19;
	v19 =	vadd.f32 v23, v20  }
0x9d: {  	v12 =	vsel vm0, v12, v13;
	v13 =	vperm.xlane v15, v1;
	v20 =	vperm.xlane v17, v1  }
0x9e: {  	v14 =	vsel vm0, v16, v14;
	v16 =	vsel vm0, v18, v19;
	v18 =	vperm.xlane v12, v1  }
0x9f: {  	v13 =	vadd.f32 v13, v15;
	v15 =	vperm.xlane v14, v1;
	v19 =	vperm.xlane v16, v1  }
0xa0: {  	v17 =	vadd.f32 v20, v17;
	v12 =	vadd.f32 v18, v12  }
0xa1: {  	v9 =	vsel vm1, v9, v11;
	v11 =	vadd.f32 v15, v14;
	v14 =	vadd.f32 v19, v16  }
0xa2: {  	v10 =	vsel vm1, v10, v13;
	v13 =	vperm.xlane v9, v2  }
0xa3: {  	v12 =	vsel vm1, v17, v12;
	v11 =	vsel vm1, v11, v14;
	v14 =	vperm.xlane v10, v2  }
0xa4: {  	v15 =	vperm.xlane v12, v2;
	v16 =	vperm.xlane v11, v2  }
0xa5: {  	v9 =	vadd.f32 v13, v9;
	v10 =	vadd.f32 v14, v10  }
0xa6: {  	v12 =	vadd.f32 v15, v12;
	v11 =	vadd.f32 v16, v11;
	_ =	sdelay $0x1  }
0xa7: {  	p4 =	seq.s32 s11, $0xC0;
	s10 =	smov.u32 s11;
	v9 =	vsel vm2, v9, v10;
	v10 =	vsel vm2, v12, v11  }
0xa8: {  	s10 =	simm.s32 @p4 $0xB8;
	v11 =	vperm.xlane v9, v3;
	v12 =	vperm.xlane v10, v3  }
0xa9: {  	s12 =	simm.s32 $0x8;
	p4 =	sgt.u32 s10, $0x5F  }
0xaa: {  	s12 =	simm.s32 @!p4 $0x0;
	s9 =	sadd.s32 s31, s10;
	v9 =	vadd.f32 v11, v9;
	v10 =	vadd.f32 v12, v10  }
0xab: {  	s9 =	sadd.s32 s12, s9  }
0xac: {  	s9 =	sshll.u32 s9, $0x6;
	v9 =	vsel vm3, v9, v10  }
0xad: {  	s9 =	sand.u32 $0x3FFFFFC0, s9;
	[tilespmem:v8+s30+$0x0 ss:$0x1] =	vst.idx.msk $0xffff, v9;
	s30 =	smov.u32 s10  }
0xae: {  	v9 =	vld [tilespmem:s9+$0x340]  }
0xaf: {  	v10 =	vld [tilespmem:s9+$0x350]  }
0xb0: {  	v11 =	vld [tilespmem:s9+$0x360]  }
0xb1: {  	v12 =	vld [tilespmem:s9+$0x370]  }
0xb2: {  	v13 =	vld [tilespmem:s9+$0x380]  }
0xb3: {  	v14 =	vld [tilespmem:s9+$0x390]  }
0xb4: {  	v15 =	vld [tilespmem:s9+$0x3A0]  }
0xb5: {  	v16 =	vld [tilespmem:s9+$0x3B0]  }
0xb6: {  	v17 =	vld [tilespmem:s9+$0x3C0]  }
0xb7: {  	v18 =	vld [tilespmem:s9+$0x3D0]  }
0xb8: {  	v19 =	vld [tilespmem:s9+$0x3E0]  }
0xb9: {  	v20 =	vld [tilespmem:s9+$0x3F0]  }
0xba: {  	v21 =	vld [tilespmem:s9+$0x400]  }
0xbb: {  	v22 =	vld [tilespmem:s9+$0x410]  }
0xbc: {  	v23 =	vld [tilespmem:s9+$0x420]  }
0xbd: {  	v24 =	vld [tilespmem:s9+$0x430]  }
0xbe: {  	v25 =	vld [tilespmem:s9+$0x440]  }
0xbf: {  	v26 =	vld [tilespmem:s9+$0x450]  }
0xc0: {  	v27 =	vld [tilespmem:s9+$0x460]  }
0xc1: {  	v9 =	vmul.f32 v9, v4;
	v10 =	vmul.f32 v10, v5;
	v28 =	vld [tilespmem:s9+$0x470]  }
0xc2: {  	v11 =	vmul.f32 v11, v6;
	v12 =	vmul.f32 v12, v7;
	v29 =	vld [tilespmem:s9+$0x480]  }
0xc3: {  	v13 =	vmul.f32 v13, v4;
	v14 =	vmul.f32 v14, v5;
	v30 =	vld [tilespmem:s9+$0x490]  }
0xc4: {  	v15 =	vmul.f32 v15, v6;
	v16 =	vmul.f32 v16, v7;
	v31 =	vld [tilespmem:s9+$0x4A0]  }
0xc5: {  	v9 =	vadd.f32 v10, v9;
	v10 =	vadd.f32 v12, v11;
	v11 =	vld [tilespmem:s9+$0x4B0]  }
0xc6: {  	v12 =	vadd.f32 v14, v13;
	v13 =	vadd.f32 v16, v15;
	v15 =	vld [tilespmem:s9+$0x4C0]  }
0xc7: {  	v9 =	vadd.f32 v10, v9;
	v10 =	vld [tilespmem:s9+$0x4D0]  }
0xc8: {  	v12 =	vadd.f32 v13, v12;
	v16 =	vld [tilespmem:s9+$0x4E0]  }
0xc9: {  	v13 =	vperm.xlane v9, v0;
	v32 =	vld [tilespmem:s9+$0x4F0]  }
0xca: {  	v14 =	vperm.xlane v12, v0;
	v33 =	vld [tilespmem:s9+$0x500]  }
0xcb: {  	v17 =	vmul.f32 v17, v4;
	v18 =	vmul.f32 v18, v5;
	v9 =	vadd.f32 v13, v9;
	v34 =	vld [tilespmem:s9+$0x510]  }
0xcc: {  	v13 =	vmul.f32 v19, v6;
	v19 =	vmul.f32 v20, v7;
	v12 =	vadd.f32 v14, v12;
	v20 =	vld [tilespmem:s9+$0x520]  }
0xcd: {  	v14 =	vadd.f32 v18, v17;
	v17 =	vmul.f32 v21, v4;
	v18 =	vmul.f32 v22, v5;
	v21 =	vld [tilespmem:s9+$0x530]  }
0xce: {  	v13 =	vadd.f32 v19, v13;
	v19 =	vmul.f32 v23, v6;
	v22 =	vmul.f32 v24, v7;
	v23 =	vld [tilespmem:s9+$0x540]  }
0xcf: {  	v17 =	vadd.f32 v18, v17;
	v18 =	vmul.f32 v25, v4;
	v24 =	vmul.f32 v26, v5;
	v25 =	vld [tilespmem:s9+$0x550]  }
0xd0: {  	v19 =	vadd.f32 v22, v19;
	v22 =	vmul.f32 v27, v6;
	v26 =	vmul.f32 v28, v7;
	v27 =	vld [tilespmem:s9+$0x560]  }
0xd1: {  	v28 =	vadd.f32 v13, v14;
	v13 =	vmul.f32 v29, v4;
	v14 =	vmul.f32 v30, v5;
	v29 =	vld [tilespmem:s9+$0x570]  }
0xd2: {  	v17 =	vadd.f32 v19, v17;
	v19 =	vmul.f32 v31, v6;
	v11 =	vmul.f32 v11, v7;
	v30 =	vld [tilespmem:s9+$0x580]  }
0xd3: {  	v18 =	vadd.f32 v24, v18;
	v22 =	vadd.f32 v26, v22;
	v24 =	vld [tilespmem:s9+$0x590]  }
0xd4: {  	v9 =	vsel vm0, v9, v12;
	v13 =	vadd.f32 v14, v13;
	v11 =	vadd.f32 v11, v19;
	v26 =	vld [tilespmem:s9+$0x5A0]  }
0xd5: {  	v18 =	vadd.f32 v22, v18;
	v14 =	vperm.xlane v9, v1;
	v31 =	vld [tilespmem:s9+$0x5B0]  }
0xd6: {  	v22 =	vperm.xlane v17, v0;
	v19 =	vperm.xlane v28, v0;
	v11 =	vadd.f32 v11, v13;
	v12 =	vld [tilespmem:s9+$0x5C0]  }
0xd7: {  	v35 =	vperm.xlane v18, v0;
	v9 =	vadd.f32 v14, v9;
	v13 =	vld [tilespmem:s9+$0x5D0]  }
0xd8: {  	v36 =	vadd.f32 v22, v17;
	v28 =	vadd.f32 v19, v28;
	v19 =	vperm.xlane v11, v0;
	v14 =	vld [tilespmem:s9+$0x5E0]  }
0xd9: {  	v15 =	vmul.f32 v15, v4;
	v10 =	vmul.f32 v10, v5;
	v35 =	vadd.f32 v35, v18;
	v17 =	vld [tilespmem:s9+$0x5F0]  }
0xda: {  	v16 =	vmul.f32 v16, v6;
	v22 =	vmul.f32 v32, v7;
	v11 =	vadd.f32 v19, v11;
	v18 =	vld [tilespmem:s9+$0x600]  }
0xdb: {  	v10 =	vadd.f32 v10, v15;
	v15 =	vmul.f32 v33, v4;
	v32 =	vmul.f32 v34, v5;
	v19 =	vld [tilespmem:s9+$0x610]  }
0xdc: {  	v16 =	vadd.f32 v22, v16;
	v22 =	vmul.f32 v20, v6;
	v33 =	vmul.f32 v21, v7;
	v20 =	vld [tilespmem:s9+$0x620]  }
0xdd: {  	v15 =	vadd.f32 v32, v15;
	v32 =	vmul.f32 v23, v4;
	v25 =	vmul.f32 v25, v5;
	v21 =	vld [tilespmem:s9+$0x630]  }
0xde: {  	v33 =	vadd.f32 v33, v22;
	v27 =	vmul.f32 v27, v6;
	v29 =	vmul.f32 v29, v7;
	v22 =	vld [tilespmem:s9+$0x640]  }
0xdf: {  	v16 =	vadd.f32 v16, v10;
	v10 =	vmul.f32 v30, v4;
	v30 =	vmul.f32 v24, v5;
	v23 =	vld [tilespmem:s9+$0x650]  }
0xe0: {  	v34 =	vadd.f32 v33, v15;
	v15 =	vmul.f32 v26, v6;
	v26 =	vmul.f32 v31, v7;
	v24 =	vld [tilespmem:s9+$0x660]  }
0xe1: {  	v36 =	vsel vm0, v28, v36;
	v27 =	vadd.f32 v29, v27;
	v31 =	vadd.f32 v25, v32;
	v25 =	vld [tilespmem:s9+$0x670]  }
.Ltmp0:
0xe2: {  	v10 =	vadd.f32 v30, v10;
	v30 =	vsel vm0, v35, v11;
	v15 =	vadd.f32 v26, v15;
	v26 =	vld [tilespmem:s9+$0x680];
	(pc) =	sbr.rel @p3 .LBB2_3-.Ltmp0, $4  }
0xe3: {  	v11 =	vperm.xlane v36, v1;
	v35 =	vperm.xlane v30, v1;
	v31 =	vadd.f32 v27, v31;
	v27 =	vld [tilespmem:s9+$0x690]  }
0xe4: {  	v37 =	vperm.xlane v34, v0;
	v32 =	vadd.f32 v15, v10;
	v15 =	vperm.xlane v16, v0;
	v28 =	vld [tilespmem:s9+$0x6A0]  }
0xe5: {  	v11 =	vadd.f32 v11, v36;
	v33 =	vperm.xlane v31, v0;
	v10 =	vadd.f32 v35, v30;
	v29 =	vld [tilespmem:s9+$0x6B0]  }
0xe6: {  	s11 =	sadd.s32 $0x10, s11;
	v15 =	vadd.f32 v15, v16;
	v16 =	vadd.f32 v37, v34;
	v34 =	vperm.xlane v32, v0;
	v30 =	vld [tilespmem:s9+$0x6C0]  }
0xe7: {  	v12 =	vmul.f32 v12, v4;
	v13 =	vmul.f32 v13, v5;
	v35 =	vld [tilespmem:s9+$0x6D0];
	v31 =	vadd.f32 v33, v31  }
0xe8: {  	v14 =	vmul.f32 v14, v6;
	v17 =	vmul.f32 v17, v7;
	v52 =	vld [tilespmem:s9+$0x6E0];
	v32 =	vadd.f32 v34, v32  }
0xe9: {  	v12 =	vadd.f32 v13, v12;
	v13 =	vmul.f32 v18, v4;
	v18 =	vmul.f32 v19, v5;
	v19 =	vld [tilespmem:s9+$0x6F0]  }
0xea: {  	v14 =	vadd.f32 v17, v14;
	v17 =	vmul.f32 v20, v6;
	v20 =	vmul.f32 v21, v7;
	v21 =	vld [tilespmem:s9+$0x700]  }
0xeb: {  	v13 =	vadd.f32 v18, v13;
	v18 =	vmul.f32 v22, v4;
	v22 =	vmul.f32 v23, v5;
	v23 =	vld [tilespmem:s9+$0x710]  }
0xec: {  	v17 =	vadd.f32 v20, v17;
	v20 =	vmul.f32 v24, v6;
	v24 =	vmul.f32 v25, v7;
	v25 =	vld [tilespmem:s9+$0x720]  }
0xed: {  	v12 =	vadd.f32 v14, v12;
	v14 =	vmul.f32 v26, v4;
	v26 =	vmul.f32 v27, v5;
	v27 =	vld [tilespmem:s9+$0x730]  }
0xee: {  	v13 =	vadd.f32 v17, v13;
	v17 =	vmul.f32 v28, v6;
	v28 =	vmul.f32 v29, v7  }
0xef: {  	v18 =	vadd.f32 v22, v18;
	v22 =	vmul.f32 v30, v4;
	v29 =	vmul.f32 v35, v5  }
0xf0: {  	v20 =	vadd.f32 v24, v20;
	v24 =	vmul.f32 v52, v6;
	v19 =	vmul.f32 v19, v7  }
0xf1: {  	v14 =	vadd.f32 v26, v14;
	v4 =	vmul.f32 v21, v4;
	v5 =	vmul.f32 v23, v5  }
0xf2: {  	v17 =	vadd.f32 v28, v17;
	v6 =	vmul.f32 v25, v6;
	v7 =	vmul.f32 v27, v7  }
0xf3: {  	v21 =	vadd.f32 v29, v22;
	v19 =	vadd.f32 v19, v24  }
0xf4: {  	v4 =	vadd.f32 v5, v4;
	v5 =	vadd.f32 v7, v6  }
0xf5: {  	v6 =	vadd.f32 v20, v18;
	v7 =	vadd.f32 v17, v14;
	v14 =	vperm.xlane v12, v0  }
0xf6: {  	v17 =	vadd.f32 v19, v21;
	v4 =	vadd.f32 v5, v4;
	v5 =	vperm.xlane v13, v0  }
0xf7: {  	v12 =	vadd.f32 v14, v12;
	v14 =	vperm.xlane v6, v0;
	v18 =	vperm.xlane v7, v0  }
0xf8: {  	v5 =	vadd.f32 v5, v13;
	v13 =	vperm.xlane v17, v0;
	v19 =	vperm.xlane v4, v0  }
0xf9: {  	v15 =	vsel vm0, v15, v16;
	v6 =	vadd.f32 v14, v6;
	v7 =	vadd.f32 v18, v7  }
0xfa: {  	v14 =	vsel vm0, v31, v32;
	v13 =	vadd.f32 v13, v17;
	v4 =	vadd.f32 v19, v4  }
0xfb: {  	v16 =	vperm.xlane v14, v1;
	v5 =	vsel vm0, v12, v5;
	v12 =	vperm.xlane v15, v1  }
0xfc: {  	v6 =	vsel vm0, v6, v7;
	v7 =	vperm.xlane v5, v1;
	v4 =	vsel vm0, v13, v4  }
0xfd: {  	v12 =	vadd.f32 v12, v15;
	v13 =	vperm.xlane v6, v1;
	v15 =	vperm.xlane v4, v1  }
0xfe: {  	v14 =	vadd.f32 v16, v14;
	v5 =	vadd.f32 v7, v5  }
0xff: {  	v6 =	vadd.f32 v13, v6;
	v4 =	vadd.f32 v15, v4  }
0x100: {  	v7 =	vsel vm1, v9, v11;
	v9 =	vsel vm1, v10, v12;
	v5 =	vsel vm1, v14, v5  }
0x101: {  	v10 =	vperm.xlane v7, v2;
	v11 =	vperm.xlane v5, v2;
	v4 =	vsel vm1, v6, v4  }
0x102: {  	v6 =	vperm.xlane v9, v2;
	v12 =	vperm.xlane v4, v2  }
0x103: {  	v7 =	vadd.f32 v10, v7;
	v5 =	vadd.f32 v11, v5  }
0x104: {  	v6 =	vadd.f32 v6, v9;
	v4 =	vadd.f32 v12, v4;
	_ =	sdelay $0x1  }
0x105: {  	v6 =	vsel vm2, v7, v6;
	v4 =	vsel vm2, v5, v4  }
0x106: {  	v5 =	vperm.xlane v6, v3;
	v7 =	vperm.xlane v4, v3;
	_ =	sdelay $0x1  }
0x107: {  	v5 =	vadd.f32 v5, v6;
	v4 =	vadd.f32 v7, v4  }
0x108: {  	s10 =	smul.u32 $0x19, s18  }
0x109: {  	v4 =	vsel vm3, v5, v4  }
0x10a: {  	s9 =	sadd.s32 s7, s10;
	[tilespmem:v8+s30+$0x0 ss:$0x1] =	vst.idx.msk $0xffff, v4  }
0x10b: {  	[hbm4b:s9+s3] =	stream.linear.scatter [tilespmem:s0], [sflag:s29], $0xC8, $0x38;
	[tilespmem:$0xD760] =	vst v63  }
0x10c: {  	s0 =	sadd.s32 @!p0 $0x3, s26  }
0x10d: {  	s9 =	sand.u32 @!p0 $0x3, s0  }
0x10e: {  	s10 =	sadd.s32 @!p0 $0x1, s9;
	s11 =	smul.u32 @!p0 $0xD000, s9  }
0x10f: {  	s29 =	simm.s32 @!p0 $0x68;
	s12 =	smul.u32 @!p0 $0x340, s9;
	_ =	swait.ge @!p0 [sflag:s10], $0xC8  }
0x110: {  	s18 =	sadd.s32 @!p0 $0x5, s9;
	[sflag:s10] =	ssyncset.done @!p0 $0x0;
	s11 =	sshrl.u32 @!p0 s11, $0x2  }
0x111: {  	s12 =	sshrl.u32 @!p0 s12, $0x2;
	[sflag:s10] =	ssyncadd.s32 @!p0 $0xFFFFFF38;
	s10 =	sor.u32 @!p0 $0x340, s11  }
0x112: {  	[tilespmem:s10], [sflag:s18] =	stream.indirect.gather @!p0 [hbm4b:s6+s29], $0x40, s12, s29, $0xb8;
	[tilespmem:$0xD760] =	vst v63  }
0x113: {  	s10 =	sadd.s32 @!p0 $0x1D40, s11;
	s11 =	sadd.s32 @!p0 $0x60, s12  }
0x114: {  	[tilespmem:s10], [sflag:s18] =	stream.indirect.gather @!p0 [hbm4b:s6+s29], $0x40, s11, s29, $0xb8;
	[tilespmem:$0xD760] =	vst v63  }
0x115: {  	s10 =	sadd.s32 @!p0 s5, s0  }
0x116: {  	s12 =	simm.s32 @!p0 $0x0;
	s0 =	sor.u32 $0x1, s26;
	s10 =	sshll.u32 @!p0 s10, $0x3  }
0x117: {  	s11 =	sshll.u32 @!p0 s9, $0x6;
	s9 =	sadd.s32 @!p0 $0x9, s9;
	s10 =	sand.u32 @!p0 $0x1FFFFFF8, s10  }
0x118: {  	s29 =	sand.u32 $0x3, s0;
	s11 =	sadd.s32 @!p0 $0xD340, s11;
	s10 =	sadd.s32 @!p0 s4, s10  }
0x119: {  	[tilespmem:s11], [sflag:s9] =	stream.linear.gather @!p0 [hbm4b:s10+s12], $0x40, $0x38;
	[tilespmem:$0xD760] =	vst v63  }
0x11a: {  	s9 =	sadd.s32 @p2 $0xD, s29  }
0x11b: {  	_ =	swait.ge @p2 [sflag:s9], $0xC8  }
0x11c: {  	[sflag:s9] =	ssyncset.done @p2 $0x0  }
0x11d: {  	s11 =	sadd.s32 $0x5, s29;
	[sflag:s9] =	ssyncadd.s32 @p2 $0xFFFFFF38  }
0x11e: {  	_ =	swait.ge [sflag:s11], $0x1A00  }
0x11f: {  	[sflag:s11] =	ssyncset.done $0x0  }
0x120: {  	s30 =	smul.u32 $0xD0, s29;
	[sflag:s11] =	ssyncadd.s32 $0xFFFFE600  }
0x121: {  	s10 =	smul.u32 @!p1 $0x340, s29;
	_ =	swait.ge [sflag:s11], $0x1A00  }
0x122: {  	s12 =	sadd.s32 $0x9, s29;
	p0 =	por $0x0, $0x0;
	[sflag:s11] =	ssyncset.done $0x0  }
0x123: {  	s9 =	sshrl.u32 @!p1 s10, $0x2;
	[sflag:s11] =	ssyncadd.s32 $0xFFFFE600;
	s11 =	sadd.s32 @!p1 s26, s16  }
0x124: {  	s26 =	simm.s32 $0x0;
	_ =	swait.ge [sflag:s12], $0x40;
	s11 =	smul.u32 @!p1 $0x19, s11  }
0x125: {  	s10 =	sadd.s32 @!p1 $0x1, s29;
	s26 =	simm.s32 @p0 $0xB8;
	[sflag:s12] =	ssyncset.done $0x0  }
0x126: {  	[sflag:s12] =	ssyncadd.s32 $0xFFFFFFC0;
	s11 =	sadd.s32 @!p1 s1, s11;
	s12 =	simm.s32 @!p1 $0x0  }
0x127: {  	[tilespmem:s9], [sflag:s10] =	stream.linear.gather @!p1 [hbm4b:s11+s12], $0xC8, $0x38;
	[tilespmem:$0xD760] =	vst v63  }
0x128: {  	s18 =	sshll.u32 s29, $0x6;
	p0 =	sgt.u32 s26, $0x5F;
	s10 =	simm.s32 $0x8  }
0x129: {  	s12 =	sadd.s32 s30, s26;
	v4 =	vld [tilespmem:s18+$0xD340];
	s10 =	simm.s32 @!p0 $0x0  }
0x12a: {  	v5 =	vld [tilespmem:s18+$0xD350];
	s10 =	sadd.s32 s10, s12  }
0x12b: {  	v6 =	vld [tilespmem:s18+$0xD360];
	s10 =	sshll.u32 s10, $0x6  }
0x12c: {  	v7 =	vld [tilespmem:s18+$0xD370];
	s9 =	sand.u32 $0x3FFFFFC0, s10  }
0x12d: {  	v8 =	vld [tilespmem:s9+$0x340]  }
0x12e: {  	v9 =	vld [tilespmem:s9+$0x350]  }
0x12f: {  	v10 =	vld [tilespmem:s9+$0x360]  }
0x130: {  	v11 =	vld [tilespmem:s9+$0x370]  }
0x131: {  	v12 =	vld [tilespmem:s9+$0x380]  }
0x132: {  	v13 =	vld [tilespmem:s9+$0x390]  }
0x133: {  	v14 =	vld [tilespmem:s9+$0x3A0]  }
0x134: {  	v15 =	vld [tilespmem:s9+$0x3B0]  }
0x135: {  	v16 =	vld [tilespmem:s9+$0x3C0]  }
0x136: {  	v17 =	vld [tilespmem:s9+$0x3D0]  }
0x137: {  	v18 =	vld [tilespmem:s9+$0x3E0]  }
0x138: {  	v19 =	vld [tilespmem:s9+$0x3F0]  }
0x139: {  	v20 =	vld [tilespmem:s9+$0x400]  }
0x13a: {  	v21 =	vld [tilespmem:s9+$0x410]  }
0x13b: {  	v22 =	vld [tilespmem:s9+$0x420]  }
0x13c: {  	v23 =	vld [tilespmem:s9+$0x430]  }
0x13d: {  	v24 =	vld [tilespmem:s9+$0x440]  }
0x13e: {  	v25 =	vld [tilespmem:s9+$0x450]  }
0x13f: {  	v26 =	vld [tilespmem:s9+$0x460]  }
0x140: {  	v27 =	vld [tilespmem:s9+$0x470]  }
0x141: {  	v28 =	vld [tilespmem:s9+$0x480];
	v8 =	vmul.f32 v8, v4;
	v9 =	vmul.f32 v9, v5  }
0x142: {  	v29 =	vld [tilespmem:s9+$0x490];
	v10 =	vmul.f32 v10, v6;
	v11 =	vmul.f32 v11, v7  }
0x143: {  	v30 =	vld [tilespmem:s9+$0x4A0];
	v12 =	vmul.f32 v12, v4;
	v13 =	vmul.f32 v13, v5  }
0x144: {  	v31 =	vld [tilespmem:s9+$0x4D0];
	v14 =	vmul.f32 v14, v6;
	v15 =	vmul.f32 v15, v7  }
0x145: {  	v53 =	vld [tilespmem:s9+$0x4F0];
	v8 =	vadd.f32 v9, v8;
	v9 =	vadd.f32 v11, v10  }
0x146: {  	v10 =	vld [tilespmem:s9+$0x4B0];
	v11 =	vadd.f32 v13, v12;
	v12 =	vadd.f32 v15, v14  }
0x147: {  	v54 =	vld [tilespmem:s9+$0x500];
	v8 =	vadd.f32 v9, v8  }
0x148: {  	v15 =	vld [tilespmem:s9+$0x4C0];
	v14 =	vmul.f32 v16, v4;
	v16 =	vmul.f32 v17, v5;
	v9 =	vadd.f32 v12, v11  }
0x149: {  	v55 =	vld [tilespmem:s9+$0x510];
	v17 =	vmul.f32 v19, v7;
	v12 =	vperm.xlane v8, v0  }
0x14a: {  	v56 =	vld [tilespmem:s9+$0x520];
	v19 =	vmul.f32 v25, v5;
	v13 =	vperm.xlane v9, v0  }
0x14b: {  	v11 =	vld [tilespmem:s9+$0x4E0];
	v10 =	vmul.f32 v10, v7;
	v8 =	vadd.f32 v12, v8;
	v12 =	vmul.f32 v18, v6  }
0x14c: {  	v9 =	vadd.f32 v13, v9;
	v13 =	vadd.f32 v16, v14;
	v14 =	vmul.f32 v20, v4;
	v20 =	vld [tilespmem:s9+$0x530]  }
0x14d: {  	v15 =	vmul.f32 v15, v4;
	v16 =	vmul.f32 v21, v5;
	v21 =	vld [tilespmem:s9+$0x540]  }
0x14e: {  	v18 =	vmul.f32 v23, v7;
	v12 =	vadd.f32 v17, v12;
	v17 =	vmul.f32 v22, v6;
	v22 =	vld [tilespmem:s9+$0x550]  }
0x14f: {  	v23 =	vmul.f32 v27, v7;
	v14 =	vadd.f32 v16, v14;
	v16 =	vmul.f32 v24, v4;
	v24 =	vld [tilespmem:s9+$0x560]  }
0x150: {  	v27 =	vld [tilespmem:s9+$0x580];
	v11 =	vmul.f32 v11, v6;
	v9 =	vsel vm0, v8, v9;
	v17 =	vadd.f32 v18, v17  }
0x151: {  	v18 =	vmul.f32 v26, v6;
	v25 =	vadd.f32 v12, v13;
	v12 =	vmul.f32 v28, v4;
	v28 =	vld [tilespmem:s9+$0x5A0]  }
0x152: {  	v13 =	vmul.f32 v29, v5;
	v29 =	vld [tilespmem:s9+$0x5B0];
	v17 =	vadd.f32 v17, v14;
	v14 =	vmul.f32 v30, v6  }
0x153: {  	v26 =	vld [tilespmem:s9+$0x570];
	v16 =	vadd.f32 v19, v16;
	v57 =	vmul.f32 v20, v7;
	v18 =	vadd.f32 v23, v18  }
0x154: {  	v20 =	vld [tilespmem:s9+$0x620];
	v58 =	vmul.f32 v22, v5;
	v59 =	vmul.f32 v24, v6;
	v10 =	vadd.f32 v10, v14  }
0x155: {  	v23 =	vld [tilespmem:s9+$0x590];
	v16 =	vadd.f32 v18, v16;
	v14 =	vperm.xlane v9, v1;
	v18 =	vperm.xlane v25, v0  }
0x156: {  	v12 =	vadd.f32 v13, v12;
	v13 =	vld [tilespmem:s9+$0x5D0];
	v19 =	vperm.xlane v17, v0;
	v28 =	vmul.f32 v28, v6  }
0x157: {  	v22 =	vld [tilespmem:s9+$0x640];
	v29 =	vmul.f32 v29, v7;
	v30 =	vperm.xlane v16, v0  }
0x158: {  	v24 =	vld [tilespmem:s9+$0x660];
	v10 =	vadd.f32 v10, v12;
	v36 =	vadd.f32 v18, v25;
	v25 =	vmul.f32 v31, v5  }
0x159: {  	v12 =	vld [tilespmem:s9+$0x5C0];
	v9 =	vadd.f32 v14, v9;
	v16 =	vadd.f32 v30, v16;
	v30 =	vmul.f32 v53, v7  }
0x15a: {  	v14 =	vld [tilespmem:s9+$0x5E0];
	v37 =	vadd.f32 v19, v17;
	v31 =	vmul.f32 v55, v5;
	v15 =	vadd.f32 v25, v15  }
0x15b: {  	v17 =	vld [tilespmem:s9+$0x5F0];
	v25 =	vmul.f32 v54, v4;
	v11 =	vadd.f32 v30, v11;
	v30 =	vmul.f32 v56, v6  }
0x15c: {  	s18 =	smul.u32 $0x320, s29;
	v18 =	vld [tilespmem:s9+$0x600];
	v28 =	vadd.f32 v29, v28;
	v19 =	vperm.xlane v10, v0  }
0x15d: {  	v26 =	vmul.f32 v26, v7;
	v29 =	vld [tilespmem:s9+$0x6B0];
	v25 =	vadd.f32 v31, v25;
	v30 =	vadd.f32 v57, v30  }
0x15e: {  	s10 =	sshrl.u32 s18, $0x2;
	v10 =	vadd.f32 v19, v10;
	v19 =	vld [tilespmem:s9+$0x610];
	v31 =	vmul.f32 v21, v4;
	v15 =	vadd.f32 v11, v15  }
0x15f: {  	s31 =	sadd.s32 $0xD440, s10;
	v21 =	vld [tilespmem:s9+$0x630];
	v11 =	vmul.f32 v27, v4;
	v27 =	vmul.f32 v23, v5;
	v60 =	vadd.f32 v30, v25  }
0x160: {  	v8 =	vmov s31;
	v23 =	vld [tilespmem:s9+$0x650];
	v30 =	vadd.f32 v58, v31;
	v31 =	vadd.f32 v26, v59  }
0x161: {  	v61 =	vsel vm0, v36, v37;
	v10 =	vsel vm0, v16, v10;
	v25 =	vld [tilespmem:s9+$0x670];
	v11 =	vadd.f32 v27, v11  }
0x162: {  	v16 =	vperm.xlane v61, v1;
	v26 =	vld [tilespmem:s9+$0x680];
	v62 =	vperm.xlane v15, v0;
	v31 =	vadd.f32 v31, v30  }
0x163: {  	v27 =	vld [tilespmem:s9+$0x690];
	v30 =	vperm.xlane v10, v1;
	v32 =	vadd.f32 v28, v11;
	v63 =	vperm.xlane v60, v0  }
0x164: {  	v28 =	vld [tilespmem:s9+$0x6A0];
	v11 =	vadd.f32 v16, v61;
	v15 =	vadd.f32 v62, v15;
	v33 =	vperm.xlane v31, v0  }
0x165: {  	s0 =	sadd.s32 s5, s0;
	s10 =	simm.s32 $0x10;
	v10 =	vadd.f32 v30, v10;
	v30 =	vld [tilespmem:s9+$0x6C0];
	v16 =	vadd.f32 v63, v60;
	v34 =	vperm.xlane v32, v0  }
.LBB2_5:
0x166: {  	p0 =	sne.s32 s10, $0xC0;
	v12 =	vmul.f32 v12, v4;
	v13 =	vmul.f32 v13, v5;
	v35 =	vld [tilespmem:s9+$0x6D0];
	v31 =	vadd.f32 v33, v31  }
0x167: {  	v14 =	vmul.f32 v14, v6;
	v17 =	vmul.f32 v17, v7;
	v33 =	vld [tilespmem:s9+$0x6E0];
	v32 =	vadd.f32 v34, v32  }
0x168: {  	v12 =	vadd.f32 v13, v12;
	v13 =	vmul.f32 v18, v4;
	v18 =	vmul.f32 v19, v5;
	v19 =	vld [tilespmem:s9+$0x6F0]  }
0x169: {  	v14 =	vadd.f32 v17, v14;
	v17 =	vmul.f32 v20, v6;
	v20 =	vmul.f32 v21, v7;
	v21 =	vld [tilespmem:s9+$0x700]  }
0x16a: {  	v13 =	vadd.f32 v18, v13;
	v18 =	vmul.f32 v22, v4;
	v22 =	vmul.f32 v23, v5;
	v23 =	vld [tilespmem:s9+$0x710]  }
0x16b: {  	v17 =	vadd.f32 v20, v17;
	v20 =	vmul.f32 v24, v6;
	v24 =	vmul.f32 v25, v7;
	v25 =	vld [tilespmem:s9+$0x720]  }
0x16c: {  	v12 =	vadd.f32 v14, v12;
	v14 =	vmul.f32 v26, v4;
	v26 =	vmul.f32 v27, v5;
	v27 =	vld [tilespmem:s9+$0x730]  }
0x16d: {  	v13 =	vadd.f32 v17, v13;
	v17 =	vmul.f32 v28, v6;
	v28 =	vmul.f32 v29, v7  }
0x16e: {  	v18 =	vadd.f32 v22, v18;
	v22 =	vmul.f32 v30, v4;
	v29 =	vmul.f32 v35, v5  }
0x16f: {  	v20 =	vadd.f32 v24, v20;
	v24 =	vmul.f32 v33, v6;
	v19 =	vmul.f32 v19, v7  }
0x170: {  	v14 =	vadd.f32 v26, v14;
	v21 =	vmul.f32 v21, v4;
	v23 =	vmul.f32 v23, v5  }
0x171: {  	v17 =	vadd.f32 v28, v17;
	v25 =	vmul.f32 v25, v6;
	v26 =	vmul.f32 v27, v7  }
0x172: {  	v22 =	vadd.f32 v29, v22;
	v19 =	vadd.f32 v19, v24  }
0x173: {  	v21 =	vadd.f32 v23, v21;
	v23 =	vadd.f32 v26, v25  }
0x174: {  	v18 =	vadd.f32 v20, v18;
	v14 =	vadd.f32 v17, v14;
	v17 =	vperm.xlane v12, v0  }
0x175: {  	v19 =	vadd.f32 v19, v22;
	v20 =	vadd.f32 v23, v21;
	v21 =	vperm.xlane v13, v0  }
0x176: {  	v12 =	vadd.f32 v17, v12;
	v17 =	vperm.xlane v18, v0;
	v22 =	vperm.xlane v14, v0  }
0x177: {  	v13 =	vadd.f32 v21, v13;
	v21 =	vperm.xlane v19, v0;
	v23 =	vperm.xlane v20, v0  }
0x178: {  	v15 =	vsel vm0, v15, v16;
	v16 =	vadd.f32 v17, v18;
	v14 =	vadd.f32 v22, v14  }
0x179: {  	v17 =	vsel vm0, v31, v32;
	v18 =	vadd.f32 v21, v19;
	v19 =	vadd.f32 v23, v20  }
0x17a: {  	v12 =	vsel vm0, v12, v13;
	v13 =	vperm.xlane v15, v1;
	v20 =	vperm.xlane v17, v1  }
0x17b: {  	v14 =	vsel vm0, v16, v14;
	v16 =	vsel vm0, v18, v19;
	v18 =	vperm.xlane v12, v1  }
0x17c: {  	v13 =	vadd.f32 v13, v15;
	v15 =	vperm.xlane v14, v1;
	v19 =	vperm.xlane v16, v1  }
0x17d: {  	v17 =	vadd.f32 v20, v17;
	v12 =	vadd.f32 v18, v12  }
0x17e: {  	v9 =	vsel vm1, v9, v11;
	v11 =	vadd.f32 v15, v14;
	v14 =	vadd.f32 v19, v16  }
0x17f: {  	v10 =	vsel vm1, v10, v13;
	v13 =	vperm.xlane v9, v2  }
0x180: {  	v12 =	vsel vm1, v17, v12;
	v11 =	vsel vm1, v11, v14;
	v14 =	vperm.xlane v10, v2  }
0x181: {  	v15 =	vperm.xlane v12, v2;
	v16 =	vperm.xlane v11, v2  }
0x182: {  	v9 =	vadd.f32 v13, v9;
	v10 =	vadd.f32 v14, v10  }
0x183: {  	v12 =	vadd.f32 v15, v12;
	v11 =	vadd.f32 v16, v11;
	_ =	sdelay $0x1  }
0x184: {  	p1 =	seq.s32 s10, $0xC0;
	s11 =	smov.u32 s10;
	v9 =	vsel vm2, v9, v10;
	v10 =	vsel vm2, v12, v11  }
0x185: {  	s11 =	simm.s32 @p1 $0xB8;
	v11 =	vperm.xlane v9, v3;
	v12 =	vperm.xlane v10, v3  }
0x186: {  	s12 =	simm.s32 $0x8;
	p1 =	sgt.u32 s11, $0x5F  }
0x187: {  	s12 =	simm.s32 @!p1 $0x0;
	s9 =	sadd.s32 s30, s11;
	v9 =	vadd.f32 v11, v9;
	v10 =	vadd.f32 v12, v10  }
0x188: {  	s9 =	sadd.s32 s12, s9  }
0x189: {  	s9 =	sshll.u32 s9, $0x6;
	v9 =	vsel vm3, v9, v10  }
0x18a: {  	s9 =	sand.u32 $0x3FFFFFC0, s9;
	[tilespmem:v8+s26+$0x0 ss:$0x1] =	vst.idx.msk $0xffff, v9;
	s26 =	smov.u32 s11  }
0x18b: {  	v9 =	vld [tilespmem:s9+$0x340]  }
0x18c: {  	v10 =	vld [tilespmem:s9+$0x350]  }
0x18d: {  	v11 =	vld [tilespmem:s9+$0x360]  }
0x18e: {  	v12 =	vld [tilespmem:s9+$0x370]  }
0x18f: {  	v13 =	vld [tilespmem:s9+$0x380]  }
0x190: {  	v14 =	vld [tilespmem:s9+$0x390]  }
0x191: {  	v15 =	vld [tilespmem:s9+$0x3A0]  }
0x192: {  	v16 =	vld [tilespmem:s9+$0x3B0]  }
0x193: {  	v17 =	vld [tilespmem:s9+$0x3C0]  }
0x194: {  	v18 =	vld [tilespmem:s9+$0x3D0]  }
0x195: {  	v19 =	vld [tilespmem:s9+$0x3E0]  }
0x196: {  	v20 =	vld [tilespmem:s9+$0x3F0]  }
0x197: {  	v21 =	vld [tilespmem:s9+$0x400]  }
0x198: {  	v22 =	vld [tilespmem:s9+$0x410]  }
0x199: {  	v23 =	vld [tilespmem:s9+$0x420]  }
0x19a: {  	v24 =	vld [tilespmem:s9+$0x430]  }
0x19b: {  	v25 =	vld [tilespmem:s9+$0x440]  }
0x19c: {  	v26 =	vld [tilespmem:s9+$0x450]  }
0x19d: {  	v27 =	vld [tilespmem:s9+$0x460]  }
0x19e: {  	v9 =	vmul.f32 v9, v4;
	v10 =	vmul.f32 v10, v5;
	v28 =	vld [tilespmem:s9+$0x470]  }
0x19f: {  	v11 =	vmul.f32 v11, v6;
	v12 =	vmul.f32 v12, v7;
	v29 =	vld [tilespmem:s9+$0x480]  }
0x1a0: {  	v13 =	vmul.f32 v13, v4;
	v14 =	vmul.f32 v14, v5;
	v30 =	vld [tilespmem:s9+$0x490]  }
0x1a1: {  	v15 =	vmul.f32 v15, v6;
	v16 =	vmul.f32 v16, v7;
	v31 =	vld [tilespmem:s9+$0x4A0]  }
0x1a2: {  	v9 =	vadd.f32 v10, v9;
	v10 =	vadd.f32 v12, v11;
	v11 =	vld [tilespmem:s9+$0x4B0]  }
0x1a3: {  	v12 =	vadd.f32 v14, v13;
	v13 =	vadd.f32 v16, v15;
	v15 =	vld [tilespmem:s9+$0x4C0]  }
0x1a4: {  	v9 =	vadd.f32 v10, v9;
	v10 =	vld [tilespmem:s9+$0x4D0]  }
0x1a5: {  	v12 =	vadd.f32 v13, v12;
	v16 =	vld [tilespmem:s9+$0x4E0]  }
0x1a6: {  	v13 =	vperm.xlane v9, v0;
	v32 =	vld [tilespmem:s9+$0x4F0]  }
0x1a7: {  	v14 =	vperm.xlane v12, v0;
	v33 =	vld [tilespmem:s9+$0x500]  }
0x1a8: {  	v17 =	vmul.f32 v17, v4;
	v18 =	vmul.f32 v18, v5;
	v9 =	vadd.f32 v13, v9;
	v34 =	vld [tilespmem:s9+$0x510]  }
0x1a9: {  	v13 =	vmul.f32 v19, v6;
	v19 =	vmul.f32 v20, v7;
	v12 =	vadd.f32 v14, v12;
	v20 =	vld [tilespmem:s9+$0x520]  }
0x1aa: {  	v14 =	vadd.f32 v18, v17;
	v17 =	vmul.f32 v21, v4;
	v18 =	vmul.f32 v22, v5;
	v21 =	vld [tilespmem:s9+$0x530]  }
0x1ab: {  	v13 =	vadd.f32 v19, v13;
	v19 =	vmul.f32 v23, v6;
	v22 =	vmul.f32 v24, v7;
	v23 =	vld [tilespmem:s9+$0x540]  }
0x1ac: {  	v17 =	vadd.f32 v18, v17;
	v18 =	vmul.f32 v25, v4;
	v24 =	vmul.f32 v26, v5;
	v25 =	vld [tilespmem:s9+$0x550]  }
0x1ad: {  	v19 =	vadd.f32 v22, v19;
	v22 =	vmul.f32 v27, v6;
	v26 =	vmul.f32 v28, v7;
	v27 =	vld [tilespmem:s9+$0x560]  }
0x1ae: {  	v28 =	vadd.f32 v13, v14;
	v13 =	vmul.f32 v29, v4;
	v14 =	vmul.f32 v30, v5;
	v29 =	vld [tilespmem:s9+$0x570]  }
0x1af: {  	v17 =	vadd.f32 v19, v17;
	v19 =	vmul.f32 v31, v6;
	v11 =	vmul.f32 v11, v7;
	v30 =	vld [tilespmem:s9+$0x580]  }
0x1b0: {  	v18 =	vadd.f32 v24, v18;
	v22 =	vadd.f32 v26, v22;
	v24 =	vld [tilespmem:s9+$0x590]  }
0x1b1: {  	v9 =	vsel vm0, v9, v12;
	v13 =	vadd.f32 v14, v13;
	v11 =	vadd.f32 v11, v19;
	v26 =	vld [tilespmem:s9+$0x5A0]  }
0x1b2: {  	v18 =	vadd.f32 v22, v18;
	v14 =	vperm.xlane v9, v1;
	v31 =	vld [tilespmem:s9+$0x5B0]  }
0x1b3: {  	v22 =	vperm.xlane v17, v0;
	v19 =	vperm.xlane v28, v0;
	v11 =	vadd.f32 v11, v13;
	v12 =	vld [tilespmem:s9+$0x5C0]  }
0x1b4: {  	v35 =	vperm.xlane v18, v0;
	v9 =	vadd.f32 v14, v9;
	v13 =	vld [tilespmem:s9+$0x5D0]  }
0x1b5: {  	v36 =	vadd.f32 v22, v17;
	v28 =	vadd.f32 v19, v28;
	v19 =	vperm.xlane v11, v0;
	v14 =	vld [tilespmem:s9+$0x5E0]  }
0x1b6: {  	v15 =	vmul.f32 v15, v4;
	v10 =	vmul.f32 v10, v5;
	v35 =	vadd.f32 v35, v18;
	v17 =	vld [tilespmem:s9+$0x5F0]  }
0x1b7: {  	v16 =	vmul.f32 v16, v6;
	v22 =	vmul.f32 v32, v7;
	v11 =	vadd.f32 v19, v11;
	v18 =	vld [tilespmem:s9+$0x600]  }
0x1b8: {  	v10 =	vadd.f32 v10, v15;
	v15 =	vmul.f32 v33, v4;
	v32 =	vmul.f32 v34, v5;
	v19 =	vld [tilespmem:s9+$0x610]  }
0x1b9: {  	v16 =	vadd.f32 v22, v16;
	v22 =	vmul.f32 v20, v6;
	v33 =	vmul.f32 v21, v7;
	v20 =	vld [tilespmem:s9+$0x620]  }
0x1ba: {  	v15 =	vadd.f32 v32, v15;
	v32 =	vmul.f32 v23, v4;
	v25 =	vmul.f32 v25, v5;
	v21 =	vld [tilespmem:s9+$0x630]  }
0x1bb: {  	v33 =	vadd.f32 v33, v22;
	v27 =	vmul.f32 v27, v6;
	v29 =	vmul.f32 v29, v7;
	v22 =	vld [tilespmem:s9+$0x640]  }
0x1bc: {  	v16 =	vadd.f32 v16, v10;
	v10 =	vmul.f32 v30, v4;
	v30 =	vmul.f32 v24, v5;
	v23 =	vld [tilespmem:s9+$0x650]  }
0x1bd: {  	v34 =	vadd.f32 v33, v15;
	v15 =	vmul.f32 v26, v6;
	v26 =	vmul.f32 v31, v7;
	v24 =	vld [tilespmem:s9+$0x660]  }
0x1be: {  	v36 =	vsel vm0, v28, v36;
	v27 =	vadd.f32 v29, v27;
	v31 =	vadd.f32 v25, v32;
	v25 =	vld [tilespmem:s9+$0x670]  }
.Ltmp1:
0x1bf: {  	v10 =	vadd.f32 v30, v10;
	v30 =	vsel vm0, v35, v11;
	v15 =	vadd.f32 v26, v15;
	v26 =	vld [tilespmem:s9+$0x680];
	(pc) =	sbr.rel @p0 .LBB2_5-.Ltmp1, $4  }
0x1c0: {  	v11 =	vperm.xlane v36, v1;
	v35 =	vperm.xlane v30, v1;
	v31 =	vadd.f32 v27, v31;
	v27 =	vld [tilespmem:s9+$0x690]  }
0x1c1: {  	v37 =	vperm.xlane v34, v0;
	v32 =	vadd.f32 v15, v10;
	v15 =	vperm.xlane v16, v0;
	v28 =	vld [tilespmem:s9+$0x6A0]  }
0x1c2: {  	v11 =	vadd.f32 v11, v36;
	v33 =	vperm.xlane v31, v0;
	v10 =	vadd.f32 v35, v30;
	v29 =	vld [tilespmem:s9+$0x6B0]  }
0x1c3: {  	s10 =	sadd.s32 $0x10, s10;
	v15 =	vadd.f32 v15, v16;
	v16 =	vadd.f32 v37, v34;
	v34 =	vperm.xlane v32, v0;
	v30 =	vld [tilespmem:s9+$0x6C0]  }
0x1c4: {  	v12 =	vmul.f32 v12, v4;
	v13 =	vmul.f32 v13, v5  }
0x1c5: {  	v14 =	vmul.f32 v14, v6;
	v17 =	vmul.f32 v17, v7  }
0x1c6: {  	v35 =	vld [tilespmem:s9+$0x6D0];
	v49 =	vmul.f32 v18, v4;
	v50 =	vmul.f32 v19, v5  }
0x1c7: {  	v48 =	vld [tilespmem:s9+$0x6E0];
	v52 =	vmul.f32 v20, v6;
	v53 =	vmul.f32 v21, v7  }
0x1c8: {  	v51 =	vld [tilespmem:s9+$0x6F0];
	v55 =	vmul.f32 v22, v4;
	v56 =	vmul.f32 v23, v5  }
0x1c9: {  	v54 =	vld [tilespmem:s9+$0x700];
	v58 =	vmul.f32 v24, v6;
	v59 =	vmul.f32 v25, v7  }
0x1ca: {  	v57 =	vld [tilespmem:s9+$0x710];
	v61 =	vmul.f32 v26, v4;
	v32 =	vadd.f32 v34, v32;
	v12 =	vadd.f32 v13, v12  }
0x1cb: {  	v60 =	vld [tilespmem:s9+$0x720];
	v62 =	vmul.f32 v27, v5;
	v14 =	vadd.f32 v17, v14;
	v13 =	vadd.f32 v50, v49  }
0x1cc: {  	v63 =	vld [tilespmem:s9+$0x730];
	v17 =	vadd.f32 v53, v52;
	v34 =	vmul.f32 v28, v6;
	v18 =	vadd.f32 v56, v55  }
0x1cd: {  	v20 =	vadd.f32 v59, v58;
	v36 =	vmul.f32 v29, v7;
	v12 =	vadd.f32 v14, v12  }
0x1ce: {  	v13 =	vadd.f32 v17, v13;
	v37 =	vmul.f32 v30, v4;
	v38 =	vmul.f32 v35, v5  }
0x1cf: {  	v14 =	vadd.f32 v62, v61;
	v39 =	vmul.f32 v48, v6;
	v19 =	vmul.f32 v51, v7  }
0x1d0: {  	v43 =	vadd.f32 v20, v18;
	v4 =	vmul.f32 v54, v4;
	v5 =	vmul.f32 v57, v5  }
0x1d1: {  	v17 =	vadd.f32 v36, v34;
	v40 =	vmul.f32 v60, v6;
	v41 =	vmul.f32 v63, v7  }
0x1d2: {  	v42 =	vadd.f32 v38, v37;
	v19 =	vadd.f32 v19, v39  }
0x1d3: {  	v4 =	vadd.f32 v5, v4;
	v5 =	vadd.f32 v41, v40  }
0x1d4: {  	v31 =	vadd.f32 v33, v31;
	v45 =	vperm.xlane v12, v0;
	v44 =	vadd.f32 v17, v14  }
0x1d5: {  	v47 =	vperm.xlane v43, v0;
	v46 =	vadd.f32 v19, v42;
	v4 =	vadd.f32 v5, v4  }
0x1d6: {  	v12 =	vadd.f32 v45, v12;
	v5 =	vperm.xlane v13, v0;
	v48 =	vperm.xlane v44, v0  }
0x1d7: {  	v6 =	vadd.f32 v47, v43;
	v49 =	vperm.xlane v46, v0;
	v50 =	vperm.xlane v4, v0  }
0x1d8: {  	v15 =	vsel vm0, v15, v16;
	v5 =	vadd.f32 v5, v13;
	v7 =	vadd.f32 v48, v44  }
0x1d9: {  	v51 =	vsel vm0, v31, v32;
	v13 =	vadd.f32 v49, v46;
	v4 =	vadd.f32 v50, v4  }
0x1da: {  	v52 =	vperm.xlane v15, v1;
	v53 =	vperm.xlane v51, v1;
	v5 =	vsel vm0, v12, v5  }
0x1db: {  	v6 =	vsel vm0, v6, v7;
	v54 =	vperm.xlane v5, v1;
	v4 =	vsel vm0, v13, v4  }
0x1dc: {  	v14 =	vadd.f32 v53, v51;
	v55 =	vperm.xlane v6, v1;
	v56 =	vperm.xlane v4, v1  }
0x1dd: {  	v12 =	vadd.f32 v52, v15;
	v5 =	vadd.f32 v54, v5  }
0x1de: {  	v57 =	vsel vm1, v9, v11;
	v6 =	vadd.f32 v55, v6;
	v4 =	vadd.f32 v56, v4  }
0x1df: {  	v59 =	vperm.xlane v57, v2;
	v58 =	vsel vm1, v10, v12  }
0x1e0: {  	v60 =	vperm.xlane v58, v2;
	v5 =	vsel vm1, v14, v5;
	v4 =	vsel vm1, v6, v4  }
0x1e1: {  	v61 =	vperm.xlane v5, v2;
	v62 =	vperm.xlane v4, v2  }
0x1e2: {  	v7 =	vadd.f32 v59, v57;
	v6 =	vadd.f32 v60, v58  }
0x1e3: {  	v5 =	vadd.f32 v61, v5;
	v4 =	vadd.f32 v62, v4;
	_ =	sdelay $0x1  }
0x1e4: {  	v6 =	vsel vm2, v7, v6;
	v4 =	vsel vm2, v5, v4  }
0x1e5: {  	s25 =	sadd.s32 $0x1, s25;
	v5 =	vperm.xlane v6, v3;
	v63 =	vperm.xlane v4, v3  }
0x1e6: {  	p0 =	sne.s32 s25, $0x100  }
.Ltmp2:
0x1e7: {  	v5 =	vadd.f32 v5, v6;
	v4 =	vadd.f32 v63, v4;
	(pc) =	sbr.rel @p0 .LBB2_2-.Ltmp2, $4  }
0x1e8: {  	s0 =	smul.u32 $0x19, s0  }
0x1e9: {  	v4 =	vsel vm3, v5, v4  }
0x1ea: {  	s30 =	sadd.s32 $0xD, s29;
	s0 =	sadd.s32 s7, s0;
	[tilespmem:v8+s26+$0x0 ss:$0x1] =	vst.idx.msk $0xffff, v4  }
0x1eb: {  	[hbm4b:s0+s3] =	stream.linear.scatter [tilespmem:s31], [sflag:s30], $0xC8, $0x38;
	[tilespmem:$0xD760] =	vst v63  }
0x1ec: {  	_ =	swait.ge [sflag:s2], $0xC8  }
0x1ed: {  	[sflag:s2] =	ssyncset.done $0x0  }
0x1ee: {  	[sflag:s2] =	ssyncadd.s32 $0xFFFFFF38  }
0x1ef: {  	_ =	swait.ge [sflag:s19], $0xC8  }
0x1f0: {  	[sflag:s19] =	ssyncset.done $0x0  }
0x1f1: {  	s24 =	sadd.s32 $0x1, s24;
	[sflag:s19] =	ssyncadd.s32 $0xFFFFFF38  }
0x1f2: {  	p0 =	sne.s32 s24, s17;
	_ =	swait.ge [sflag:s20], $0xC8  }
.Ltmp3:
0x1f3: {  	[sflag:s20] =	ssyncset.done $0x0;
	(pc) =	sbr.rel @p0 .LBB2_1-.Ltmp3, $4  }
0x1f4: {  	[sflag:s20] =	ssyncadd.s32 $0xFFFFFF38  }
0x1f5: {  	_ =	swait.ge [sflag:s23], $0xC8  }
0x1f6: {  	[sflag:s23] =	ssyncset.done $0x0  }
0x1f7: {  	[sflag:s23] =	ssyncadd.s32 $0xFFFFFF38  }
0x1f8: {  	_ =	sfence.sel $0x180000  }
0x1f9: {  	[bflag:$0x0] =	sbarrier.arrive $0xFFFF  }
0x1fa: {  	_ =	strace $0x90000047  }
0x1fb: {  	s0 =	stileid.u32;
	[bflag:$0x2] =	sbarrier.arrive $0xFFFF  }
0x1fc: {  	p0 =	sne.s32 s0, $0x0;
	s0 =	rddreg [dreg:$0x2]  }
0x1fd: {  	s0 =	sadd.s32 @!p0 $0x100000, s0  }
0x1fe: {  	[sflag:s0] =	ssyncadd.tile.s32 @!p0 $0x1;
	_ =	shalt  }
.Lfunc_end2:
_tile_overlayer_lowered:
.L_overlay_start_2:
0x1ff: {  	(tag) =	ssettag $0x2  }
0x200: {  	s0 =	rddreg [dreg:$0x0];
	s2 =	stileid.u32  }
0x201: {  	s1 =	rddreg [dreg:$0x1];
	p0 =	sne.s32 s2, $0x0  }
0x202: {  	s3 =	rddreg [dreg:$0x2];
	[bflag:$0x3] =	sbarrier.arrive $0xFFFF;
	s2 =	simm.s32 @!p0 $0x1C11  }
0x203: {  	[timem:s3], [sflag:s2] =	dma.local @!p0 [hbm:s0], s1  }
0x204: {  	s0 =	simm.s32 @!p0 $0x11  }
0x205: {  	_ =	swait.ge @!p0 [sflag:s0], s1  }
0x206: {  	s1 =	ssub.s32 @!p0 $0x0, s1;
	[sflag:s0] =	ssyncset.done @!p0 $0x0  }
0x207: {  	[sflag:s0] =	ssyncadd.s32 @!p0 s1  }
0x208: {  	[bflag:$0x3] =	sbarrier.arrive $0xFFFF  }
0x209: {  	_ =	shalt  }

</sc_bundles>
